<compile_context>
chip_gen: v7x
topology: tpu7x:2x2x1
jax: 0.10.2.dev20260603
libtpu: 0.0.44.dev20260713+nightly
codegen_flags: <defaults>
</compile_context>

<pallas_src>
import jax
import jax.numpy as jnp
from jax import lax
from jax.experimental import pallas as pl
from jax.experimental.pallas import tpu as pltpu, tpu_sc as plsc

N = 32768
D = 4096
K = 2048
BR = 1024
NW = 32
CHUNK = N // NW
CH = 8


def _matvec_body(x_ref, v_ref, y_ref):
    y_ref[...] = jnp.dot(x_ref[...], v_ref[...],
                         preferred_element_type=jnp.float32)


def _weights_body(d_ref, s_ref, w_ref):
    d = d_ref[...]
    bits = jax.lax.bitcast_convert_type(d, jnp.int32)
    sign = jnp.int32(-2147483648)
    key = bits ^ jax.lax.shift_right_logical(
        jax.lax.shift_right_arithmetic(bits, 31), 1)
    biased = jnp.int32(0)
    for b in range(31, -1, -1):
        cand_biased = biased | jnp.int32((1 << b) - (1 << 32 if b == 31 else 0))
        cand_int = cand_biased ^ sign
        cnt = jnp.sum((key >= cand_int).astype(jnp.int32))
        biased = jnp.where(cnt >= K, cand_biased, biased)
    thresh = biased ^ sign

    mask_gt = key > thresh
    tie = key == thresh
    need = K - jnp.sum(mask_gt.astype(jnp.int32))

    row = jax.lax.broadcasted_iota(jnp.int32, (256, 128), 0)
    col = jax.lax.broadcasted_iota(jnp.int32, (256, 128), 1)
    gidx = row * 128 + col
    tie_i = tie.astype(jnp.int32)
    p = jnp.int32(0)
    for b in range(14, -1, -1):
        j_cand = p + jnp.int32((1 << b) - 1)
        f = jnp.sum(jnp.where(gidx <= j_cand, tie_i, 0))
        p = jnp.where(f >= need, p, p + jnp.int32(1 << b))
    tie_sel = tie & (gidx <= p) & (need > 0)

    sel = mask_gt | tie_sel
    v = s_ref[...]
    y = d / jnp.sqrt(jnp.sum(v * v))
    w = 1.0 / (1.0 + jnp.exp(-y))
    w_ref[...] = jnp.where(sel, w, 0.0)


def _sc_gather_body(w_hbm, x_hbm, out_hbm, wchunk, idx_v, w_v, rows_v, rows_b,
                    acc, sem, sem_b):
    wid = lax.axis_index("s") * 2 + lax.axis_index("c")
    base = wid * CHUNK
    pltpu.sync_copy(w_hbm.at[pl.ds(base, CHUNK)], wchunk)

    zero16 = jnp.zeros((16,), jnp.float32)
    zero16i = jnp.zeros((16,), jnp.int32)

    def _zacc(s, carry):
        acc[pl.ds(s * 16, 16)] = zero16
        return carry

    lax.fori_loop(0, D // 16, _zacc, 0)

    def _compact(j, cnt):
        vec = wchunk[pl.ds(j * 16, 16)]
        for r in range(16):
            s_w = vec[r]
            idx_v[pl.ds(cnt, 16)] = zero16i + (base + j * 16 + r)
            w_v[pl.ds(cnt, 16)] = zero16 + s_w
            cnt = cnt + jnp.where(s_w > 0.0, 1, 0).astype(jnp.int32)
        return cnt

    ca = lax.fori_loop(0, CHUNK // 16, _compact, jnp.int32(0))
    idx_v[pl.ds(ca, 16)] = zero16i
    w_v[pl.ds(ca, 16)] = zero16

    def _fire(off, buf, s):
        pltpu.async_copy(x_hbm.at[idx_v.at[pl.ds(off, CH)]], buf, s)

    def _drain(buf, s):
        pltpu.make_async_copy(x_hbm.at[idx_v.at[pl.ds(0, CH)]], buf, s).wait()

    def _accum(off, buf):
        wvec = w_v[pl.ds(off, 16)]

        def _cols(sg, carry2):
            t = wvec[0] * buf[0, pl.ds(sg * 16, 16)]
            for r in range(1, CH):
                t = t + wvec[r] * buf[r, pl.ds(sg * 16, 16)]
            plsc.addupdate(acc.at[pl.ds(sg * 16, 16)], t)
            return carry2

        lax.fori_loop(0, D // 16, _cols, 0)

    def _gather_segment(nb):

        @pl.when(nb > 0)
        def _():
            _fire(0, rows_v, sem)

        def _pair(h, carry):
            g0 = h * 2

            @pl.when(g0 + 1 < nb)
            def _():
                _fire((g0 + 1) * CH, rows_b, sem_b)

            _drain(rows_v, sem)
            _accum(g0 * CH, rows_v)

            @pl.when(g0 + 2 < nb)
            def _():
                _fire((g0 + 2) * CH, rows_v, sem)

            @pl.when(g0 + 1 < nb)
            def _():
                _drain(rows_b, sem_b)
                _accum((g0 + 1) * CH, rows_b)

            return carry

        lax.fori_loop(0, (nb + 1) // 2, _pair, 0)

    _gather_segment((ca + (CH - 1)) // CH)
    pltpu.sync_copy(acc, out_hbm.at[wid])


def _reduce_body(p_ref, o_ref):
    o_ref[...] = jnp.sum(p_ref[...], axis=0, keepdims=True)


def kernel(x, learnable_vector):
    nblk = N // BR
    d = pl.pallas_call(
        _matvec_body,
        grid=(nblk,),
        in_specs=[
            pl.BlockSpec((BR, D), lambda i: (i, 0)),
            pl.BlockSpec((D, 1), lambda i: (0, 0)),
        ],
        out_specs=pl.BlockSpec((BR, 1), lambda i: (i, 0)),
        out_shape=jax.ShapeDtypeStruct((N, 1), jnp.float32),
    )(x, learnable_vector)

    d2 = d.reshape(256, 128)
    w2 = pl.pallas_call(
        _weights_body,
        in_specs=[
            pl.BlockSpec((256, 128), lambda: (0, 0)),
            pl.BlockSpec((32, 128), lambda: (0, 0)),
        ],
        out_specs=pl.BlockSpec((256, 128), lambda: (0, 0)),
        out_shape=jax.ShapeDtypeStruct((256, 128), jnp.float32),
    )(d2, learnable_vector.reshape(32, 128))
    sc_gather = pl.kernel(
        _sc_gather_body,
        out_type=jax.ShapeDtypeStruct((NW, D), jnp.float32),
        mesh=plsc.VectorSubcoreMesh(core_axis_name="c", subcore_axis_name="s"),
        scratch_types=[
            pltpu.VMEM((CHUNK,), jnp.float32),
            pltpu.VMEM((CHUNK + 16,), jnp.int32),
            pltpu.VMEM((CHUNK + 16,), jnp.float32),
            pltpu.VMEM((CH, D), jnp.float32),
            pltpu.VMEM((CH, D), jnp.float32),
            pltpu.VMEM((D,), jnp.float32),
            pltpu.SemaphoreType.DMA,
            pltpu.SemaphoreType.DMA,
        ],
    )
    parts = sc_gather(w2.reshape(N), x)

    out = pl.pallas_call(
        _reduce_body,
        in_specs=[pl.BlockSpec((NW, D), lambda: (0, 0))],
        out_specs=pl.BlockSpec((1, D), lambda: (0, 0)),
        out_shape=jax.ShapeDtypeStruct((1, D), jnp.float32),
    )(parts)
    return out

# --- scband reference (transcript-rebuilt; emitter-appended) ---
"""Pipeline reference for scband-pooling-layer-unet-38534446579901 (READ-ONLY COPY).

The authoritative reference and input builder live on the scoring server;
editing this copy changes nothing except your own understanding.
"""

import jax, jax.numpy as jnp
import numpy as np

K = 2048
EMB_DIM = 4096
N = 32768

def setup_inputs(seed: int = 0) -> dict:
    key = jax.random.key(seed)
    kx, kv = jax.random.split(key)
    x = jax.random.normal(kx, (N, EMB_DIM), dtype=jnp.float32)
    learnable_vector = jax.random.normal(kv, (EMB_DIM, 1), dtype=jnp.float32)
    return {"x": x, "learnable_vector": learnable_vector}

def reference(x, learnable_vector):
    # PoolingLayerUnet.do_stuff (checkpoint wrapper is a no-op for forward math)
    length = jnp.linalg.norm(learnable_vector)
    y = (x @ learnable_vector / length).reshape(-1)
    top_k = min(K, y.shape[0])
    y_top, idx = jax.lax.top_k(y, top_k)
    y_top = jax.nn.sigmoid(y_top)
    x_part = jnp.take(x, idx, axis=0)
    out = (x_part * y_top.reshape(-1, 1)).sum(axis=0, keepdims=True)
    return out

if __name__ == "__main__":
    import jax
    _d = setup_inputs()
    print(jax.jit(kernel)(*tuple(_d.values())))

</pallas_src>

<mosaic_0001>
#map = affine_map<(d0, d1) -> (0)>
#map1 = affine_map<(d0, d1) -> (0, 0)>
module attributes {stable_mosaic.version = 14 : i64} {
  func.func @_sc_gather_body(%arg0: i32, %arg1: i32, %arg2: memref<32768xf32, #tpu.memory_space<hbm>>, %arg3: memref<32768x4096xf32, #tpu.memory_space<hbm>>, %arg4: memref<32x4096xf32, #tpu.memory_space<hbm>>, %arg5: memref<1024xf32, #tpu.memory_space<vmem>>, %arg6: memref<1040xi32, #tpu.memory_space<vmem>>, %arg7: memref<1040xf32, #tpu.memory_space<vmem>>, %arg8: memref<8x4096xf32, #tpu.memory_space<vmem>>, %arg9: memref<8x4096xf32, #tpu.memory_space<vmem>>, %arg10: memref<4096xf32, #tpu.memory_space<vmem>>, %arg11: memref<!tpu.dma_semaphore, #tpu.memory_space<semaphore_mem>>, %arg12: memref<!tpu.dma_semaphore, #tpu.memory_space<semaphore_mem>>) attributes {dimension_semantics = [#tpu.dimension_semantics<core_parallel>, #tpu.dimension_semantics<subcore_parallel>], iteration_bounds = array<i64: 2, 16>, scalar_prefetch = 0 : i64, scratch_operands = 8 : i64, tpu.core_type = #tpu.core_type<sc_vector_subcore>, window_params = [{transform_indices = #map}, {transform_indices = #map1}, {transform_indices = #map1}]} {
    %mul3A = arith.constant 2 : i32
    %mul3A_0 = arith.muli %arg1, %mul3A : i32
    %add3A = arith.addi %mul3A_0, %arg0 : i32
    %mul3A_1 = arith.constant 1024 : i32
    %mul3A_2 = arith.muli %add3A, %mul3A_1 : i32
    "tpu.region"() ({
      %run_scoped3A = tpu.sem_alloc : memref<!tpu.dma_semaphore, #tpu.memory_space<semaphore_mem>>
      %dma_start3A = tpu.memref_slice %arg2[%mul3A_2] : memref<32768xf32, #tpu.memory_space<hbm>> -> memref<1024xf32, #tpu.memory_space<hbm>>
      %dma_start3A_80 = tpu.memref_slice %arg2[%mul3A_2] : memref<32768xf32, #tpu.memory_space<hbm>> -> memref<1024xf32, #tpu.memory_space<hbm>>
      tpu.enqueue_dma source(%dma_start3A_80 : memref<1024xf32, #tpu.memory_space<hbm>>) target(%arg5 : memref<1024xf32, #tpu.memory_space<vmem>>) target_semaphore(%run_scoped3A : memref<!tpu.dma_semaphore, #tpu.memory_space<semaphore_mem>>)
      %dma_wait3A = tpu.memref_slice %arg2[%mul3A_2] : memref<32768xf32, #tpu.memory_space<hbm>> -> memref<1024xf32, #tpu.memory_space<hbm>>
      %dma_wait3A_81 = tpu.memref_slice %arg2[%mul3A_2] : memref<32768xf32, #tpu.memory_space<hbm>> -> memref<1024xf32, #tpu.memory_space<hbm>>
      tpu.wait_dma2 semaphore(%run_scoped3A : memref<!tpu.dma_semaphore, #tpu.memory_space<semaphore_mem>>) src(%dma_wait3A_81 : memref<1024xf32, #tpu.memory_space<hbm>>) dst(%arg5 : memref<1024xf32, #tpu.memory_space<vmem>>)
      tpu.yield
    }) : () -> ()
    %broadcast_in_dim3A = arith.constant 0.000000e+00 : f32
    %broadcast_in_dim3A_3 = vector.broadcast %broadcast_in_dim3A : f32 to vector<16xf32>
    %broadcast_in_dim3A_4 = arith.constant 0 : i32
    %broadcast_in_dim3A_5 = vector.broadcast %broadcast_in_dim3A_4 : i32 to vector<16xi32>
    %scan3A = arith.constant 0 : i32
    %scan3A_6 = arith.constant 0 : i32
    %scan3A_7 = arith.constant 256 : i32
    %scan3A_8 = arith.addi %scan3A_6, %scan3A_7 : i32
    %scan3A_9 = arith.constant 1 : i32
    scf.for %scan3A_80 = %scan3A_6 to %scan3A_8 step %scan3A_9  : i32 {
      %mul3A_81 = arith.constant 16 : i32
      %mul3A_82 = arith.muli %scan3A_80, %mul3A_81 : i32
      %swap3A_83 = arith.index_cast %mul3A_82 : i32 to index
      %swap3A_84 = tpu.vector_load %arg10[%swap3A_83] {strides = array<i32>} : memref<4096xf32, #tpu.memory_space<vmem>>, vector<16xf32>,
      %swap3A_85 = vector.shape_cast %swap3A_84 : vector<16xf32> to vector<16xf32>
      %swap3A_86 = vector.shape_cast %broadcast_in_dim3A_3 : vector<16xf32> to vector<16xf32>
      tpu.vector_store %arg10[%swap3A_83], %swap3A_86 {strides = array<i32>} : memref<4096xf32, #tpu.memory_space<vmem>>, vector<16xf32>,
    }
    %scan3A_10 = arith.constant 256 : i32
    %scan3A_11 = arith.constant 0 : i32
    %scan3A_12 = arith.constant 0 : i32
    %scan3A_13 = arith.constant 64 : i32
    %scan3A_14 = arith.addi %scan3A_12, %scan3A_13 : i32
    %scan3A_15 = arith.constant 1 : i32
    %scan3A_16 = scf.for %scan3A_80 = %scan3A_12 to %scan3A_14 step %scan3A_15 iter_args(%scan3A_81 = %scan3A_11) -> (i32)  : i32 {
      %mul3A_82 = arith.constant 16 : i32
      %mul3A_83 = arith.muli %scan3A_80, %mul3A_82 : i32
      %get3A = arith.index_cast %mul3A_83 : i32 to index
      %get3A_84 = tpu.vector_load %arg5[%get3A] {strides = array<i32>} : memref<1024xf32, #tpu.memory_space<vmem>>, vector<16xf32>,
      %get3A_85 = vector.shape_cast %get3A_84 : vector<16xf32> to vector<16xf32>
      %slice3A = vector.extract_strided_slice %get3A_85 {offsets = [0], sizes = [1], strides = [1]} : vector<16xf32> to vector<1xf32>
      %squeeze3A = vector.extract %slice3A[0] : f32 from vector<1xf32>
      %mul3A_86 = arith.constant 16 : i32
      %mul3A_87 = arith.muli %scan3A_80, %mul3A_86 : i32
      %add3A_88 = arith.addi %mul3A_2, %mul3A_87 : i32
      %add3A_89 = arith.constant 0 : i32
      %add3A_90 = arith.addi %add3A_88, %add3A_89 : i32
      %add3A_91 = vector.broadcast %add3A_90 : i32 to vector<16xi32>
      %add3A_92 = arith.addi %broadcast_in_dim3A_5, %add3A_91 : vector<16xi32>
      %swap3A_93 = arith.index_cast %scan3A_81 : i32 to index
      %swap3A_94 = tpu.vector_load %arg6[%swap3A_93] {strides = array<i32>} : memref<1040xi32, #tpu.memory_space<vmem>>, vector<16xi32>,
      %swap3A_95 = vector.shape_cast %swap3A_94 : vector<16xi32> to vector<16xi32>
      %swap3A_96 = vector.shape_cast %add3A_92 : vector<16xi32> to vector<16xi32>
      tpu.vector_store %arg6[%swap3A_93], %swap3A_96 {strides = array<i32>} : memref<1040xi32, #tpu.memory_space<vmem>>, vector<16xi32>,
      %add3A_97 = vector.broadcast %squeeze3A : f32 to vector<16xf32>
      %add3A_98 = arith.addf %broadcast_in_dim3A_3, %add3A_97 : vector<16xf32>
      %swap3A_99 = arith.index_cast %scan3A_81 : i32 to index
      %swap3A_100 = tpu.vector_load %arg7[%swap3A_99] {strides = array<i32>} : memref<1040xf32, #tpu.memory_space<vmem>>, vector<16xf32>,
      %swap3A_101 = vector.shape_cast %swap3A_100 : vector<16xf32> to vector<16xf32>
      %swap3A_102 = vector.shape_cast %add3A_98 : vector<16xf32> to vector<16xf32>
      tpu.vector_store %arg7[%swap3A_99], %swap3A_102 {strides = array<i32>} : memref<1040xf32, #tpu.memory_space<vmem>>, vector<16xf32>,
      %gt3A_103 = arith.constant 0.000000e+00 : f32
      %gt3A_104 = arith.cmpf ogt, %squeeze3A, %gt3A_103 : f32
      %jit3A_105 = arith.constant 1 : i32
      %jit3A_106 = arith.constant 0 : i32
      %select_n3A_107 = arith.select %gt3A_104, %jit3A_105, %jit3A_106 : i32
      %add3A_108 = arith.addi %scan3A_81, %select_n3A_107 : i32
      %slice3A_109 = vector.extract_strided_slice %get3A_85 {offsets = [1], sizes = [1], strides = [1]} : vector<16xf32> to vector<1xf32>
      %squeeze3A_110 = vector.extract %slice3A_109[0] : f32 from vector<1xf32>
      %mul3A_111 = arith.constant 16 : i32
      %mul3A_112 = arith.muli %scan3A_80, %mul3A_111 : i32
      %add3A_113 = arith.addi %mul3A_2, %mul3A_112 : i32
      %add3A_114 = arith.constant 1 : i32
      %add3A_115 = arith.addi %add3A_113, %add3A_114 : i32
      %add3A_116 = vector.broadcast %add3A_115 : i32 to vector<16xi32>
      %add3A_117 = arith.addi %broadcast_in_dim3A_5, %add3A_116 : vector<16xi32>
      %swap3A_118 = arith.index_cast %add3A_108 : i32 to index
      %swap3A_119 = tpu.vector_load %arg6[%swap3A_118] {strides = array<i32>} : memref<1040xi32, #tpu.memory_space<vmem>>, vector<16xi32>,
      %swap3A_120 = vector.shape_cast %swap3A_119 : vector<16xi32> to vector<16xi32>
      %swap3A_121 = vector.shape_cast %add3A_117 : vector<16xi32> to vector<16xi32>
      tpu.vector_store %arg6[%swap3A_118], %swap3A_121 {strides = array<i32>} : memref<1040xi32, #tpu.memory_space<vmem>>, vector<16xi32>,
      %add3A_122 = vector.broadcast %squeeze3A_110 : f32 to vector<16xf32>
      %add3A_123 = arith.addf %broadcast_in_dim3A_3, %add3A_122 : vector<16xf32>
      %swap3A_124 = arith.index_cast %add3A_108 : i32 to index
      %swap3A_125 = tpu.vector_load %arg7[%swap3A_124] {strides = array<i32>} : memref<1040xf32, #tpu.memory_space<vmem>>, vector<16xf32>,
      %swap3A_126 = vector.shape_cast %swap3A_125 : vector<16xf32> to vector<16xf32>
      %swap3A_127 = vector.shape_cast %add3A_123 : vector<16xf32> to vector<16xf32>
      tpu.vector_store %arg7[%swap3A_124], %swap3A_127 {strides = array<i32>} : memref<1040xf32, #tpu.memory_space<vmem>>, vector<16xf32>,
      %gt3A_128 = arith.constant 0.000000e+00 : f32
      %gt3A_129 = arith.cmpf ogt, %squeeze3A_110, %gt3A_128 : f32
      %jit3A_130 = arith.constant 1 : i32
      %jit3A_131 = arith.constant 0 : i32
      %select_n3A_132 = arith.select %gt3A_129, %jit3A_130, %jit3A_131 : i32
      %add3A_133 = arith.addi %add3A_108, %select_n3A_132 : i32
      %slice3A_134 = vector.extract_strided_slice %get3A_85 {offsets = [2], sizes = [1], strides = [1]} : vector<16xf32> to vector<1xf32>
      %squeeze3A_135 = vector.extract %slice3A_134[0] : f32 from vector<1xf32>
      %mul3A_136 = arith.constant 16 : i32
      %mul3A_137 = arith.muli %scan3A_80, %mul3A_136 : i32
      %add3A_138 = arith.addi %mul3A_2, %mul3A_137 : i32
      %add3A_139 = arith.constant 2 : i32
      %add3A_140 = arith.addi %add3A_138, %add3A_139 : i32
      %add3A_141 = vector.broadcast %add3A_140 : i32 to vector<16xi32>
      %add3A_142 = arith.addi %broadcast_in_dim3A_5, %add3A_141 : vector<16xi32>
      %swap3A_143 = arith.index_cast %add3A_133 : i32 to index
      %swap3A_144 = tpu.vector_load %arg6[%swap3A_143] {strides = array<i32>} : memref<1040xi32, #tpu.memory_space<vmem>>, vector<16xi32>,
      %swap3A_145 = vector.shape_cast %swap3A_144 : vector<16xi32> to vector<16xi32>
      %swap3A_146 = vector.shape_cast %add3A_142 : vector<16xi32> to vector<16xi32>
      tpu.vector_store %arg6[%swap3A_143], %swap3A_146 {strides = array<i32>} : memref<1040xi32, #tpu.memory_space<vmem>>, vector<16xi32>,
      %add3A_147 = vector.broadcast %squeeze3A_135 : f32 to vector<16xf32>
      %add3A_148 = arith.addf %broadcast_in_dim3A_3, %add3A_147 : vector<16xf32>
      %swap3A_149 = arith.index_cast %add3A_133 : i32 to index
      %swap3A_150 = tpu.vector_load %arg7[%swap3A_149] {strides = array<i32>} : memref<1040xf32, #tpu.memory_space<vmem>>, vector<16xf32>,
      %swap3A_151 = vector.shape_cast %swap3A_150 : vector<16xf32> to vector<16xf32>
      %swap3A_152 = vector.shape_cast %add3A_148 : vector<16xf32> to vector<16xf32>
      tpu.vector_store %arg7[%swap3A_149], %swap3A_152 {strides = array<i32>} : memref<1040xf32, #tpu.memory_space<vmem>>, vector<16xf32>,
      %gt3A_153 = arith.constant 0.000000e+00 : f32
      %gt3A_154 = arith.cmpf ogt, %squeeze3A_135, %gt3A_153 : f32
      %jit3A_155 = arith.constant 1 : i32
      %jit3A_156 = arith.constant 0 : i32
      %select_n3A_157 = arith.select %gt3A_154, %jit3A_155, %jit3A_156 : i32
      %add3A_158 = arith.addi %add3A_133, %select_n3A_157 : i32
      %slice3A_159 = vector.extract_strided_slice %get3A_85 {offsets = [3], sizes = [1], strides = [1]} : vector<16xf32> to vector<1xf32>
      %squeeze3A_160 = vector.extract %slice3A_159[0] : f32 from vector<1xf32>
      %mul3A_161 = arith.constant 16 : i32
      %mul3A_162 = arith.muli %scan3A_80, %mul3A_161 : i32
      %add3A_163 = arith.addi %mul3A_2, %mul3A_162 : i32
      %add3A_164 = arith.constant 3 : i32
      %add3A_165 = arith.addi %add3A_163, %add3A_164 : i32
      %add3A_166 = vector.broadcast %add3A_165 : i32 to vector<16xi32>
      %add3A_167 = arith.addi %broadcast_in_dim3A_5, %add3A_166 : vector<16xi32>
      %swap3A_168 = arith.index_cast %add3A_158 : i32 to index
      %swap3A_169 = tpu.vector_load %arg6[%swap3A_168] {strides = array<i32>} : memref<1040xi32, #tpu.memory_space<vmem>>, vector<16xi32>,
      %swap3A_170 = vector.shape_cast %swap3A_169 : vector<16xi32> to vector<16xi32>
      %swap3A_171 = vector.shape_cast %add3A_167 : vector<16xi32> to vector<16xi32>
      tpu.vector_store %arg6[%swap3A_168], %swap3A_171 {strides = array<i32>} : memref<1040xi32, #tpu.memory_space<vmem>>, vector<16xi32>,
      %add3A_172 = vector.broadcast %squeeze3A_160 : f32 to vector<16xf32>
      %add3A_173 = arith.addf %broadcast_in_dim3A_3, %add3A_172 : vector<16xf32>
      %swap3A_174 = arith.index_cast %add3A_158 : i32 to index
      %swap3A_175 = tpu.vector_load %arg7[%swap3A_174] {strides = array<i32>} : memref<1040xf32, #tpu.memory_space<vmem>>, vector<16xf32>,
      %swap3A_176 = vector.shape_cast %swap3A_175 : vector<16xf32> to vector<16xf32>
      %swap3A_177 = vector.shape_cast %add3A_173 : vector<16xf32> to vector<16xf32>
      tpu.vector_store %arg7[%swap3A_174], %swap3A_177 {strides = array<i32>} : memref<1040xf32, #tpu.memory_space<vmem>>, vector<16xf32>,
      %gt3A_178 = arith.constant 0.000000e+00 : f32
      %gt3A_179 = arith.cmpf ogt, %squeeze3A_160, %gt3A_178 : f32
      %jit3A_180 = arith.constant 1 : i32
      %jit3A_181 = arith.constant 0 : i32
      %select_n3A_182 = arith.select %gt3A_179, %jit3A_180, %jit3A_181 : i32
      %add3A_183 = arith.addi %add3A_158, %select_n3A_182 : i32
      %slice3A_184 = vector.extract_strided_slice %get3A_85 {offsets = [4], sizes = [1], strides = [1]} : vector<16xf32> to vector<1xf32>
      %squeeze3A_185 = vector.extract %slice3A_184[0] : f32 from vector<1xf32>
      %mul3A_186 = arith.constant 16 : i32
      %mul3A_187 = arith.muli %scan3A_80, %mul3A_186 : i32
      %add3A_188 = arith.addi %mul3A_2, %mul3A_187 : i32
      %add3A_189 = arith.constant 4 : i32
      %add3A_190 = arith.addi %add3A_188, %add3A_189 : i32
      %add3A_191 = vector.broadcast %add3A_190 : i32 to vector<16xi32>
      %add3A_192 = arith.addi %broadcast_in_dim3A_5, %add3A_191 : vector<16xi32>
      %swap3A_193 = arith.index_cast %add3A_183 : i32 to index
      %swap3A_194 = tpu.vector_load %arg6[%swap3A_193] {strides = array<i32>} : memref<1040xi32, #tpu.memory_space<vmem>>, vector<16xi32>,
      %swap3A_195 = vector.shape_cast %swap3A_194 : vector<16xi32> to vector<16xi32>
      %swap3A_196 = vector.shape_cast %add3A_192 : vector<16xi32> to vector<16xi32>
      tpu.vector_store %arg6[%swap3A_193], %swap3A_196 {strides = array<i32>} : memref<1040xi32, #tpu.memory_space<vmem>>, vector<16xi32>,
      %add3A_197 = vector.broadcast %squeeze3A_185 : f32 to vector<16xf32>
      %add3A_198 = arith.addf %broadcast_in_dim3A_3, %add3A_197 : vector<16xf32>
      %swap3A_199 = arith.index_cast %add3A_183 : i32 to index
      %swap3A_200 = tpu.vector_load %arg7[%swap3A_199] {strides = array<i32>} : memref<1040xf32, #tpu.memory_space<vmem>>, vector<16xf32>,
      %swap3A_201 = vector.shape_cast %swap3A_200 : vector<16xf32> to vector<16xf32>
      %swap3A_202 = vector.shape_cast %add3A_198 : vector<16xf32> to vector<16xf32>
      tpu.vector_store %arg7[%swap3A_199], %swap3A_202 {strides = array<i32>} : memref<1040xf32, #tpu.memory_space<vmem>>, vector<16xf32>,
      %gt3A_203 = arith.constant 0.000000e+00 : f32
      %gt3A_204 = arith.cmpf ogt, %squeeze3A_185, %gt3A_203 : f32
      %jit3A_205 = arith.constant 1 : i32
      %jit3A_206 = arith.constant 0 : i32
      %select_n3A_207 = arith.select %gt3A_204, %jit3A_205, %jit3A_206 : i32
      %add3A_208 = arith.addi %add3A_183, %select_n3A_207 : i32
      %slice3A_209 = vector.extract_strided_slice %get3A_85 {offsets = [5], sizes = [1], strides = [1]} : vector<16xf32> to vector<1xf32>
      %squeeze3A_210 = vector.extract %slice3A_209[0] : f32 from vector<1xf32>
      %mul3A_211 = arith.constant 16 : i32
      %mul3A_212 = arith.muli %scan3A_80, %mul3A_211 : i32
      %add3A_213 = arith.addi %mul3A_2, %mul3A_212 : i32
      %add3A_214 = arith.constant 5 : i32
      %add3A_215 = arith.addi %add3A_213, %add3A_214 : i32
      %add3A_216 = vector.broadcast %add3A_215 : i32 to vector<16xi32>
      %add3A_217 = arith.addi %broadcast_in_dim3A_5, %add3A_216 : vector<16xi32>
      %swap3A_218 = arith.index_cast %add3A_208 : i32 to index
      %swap3A_219 = tpu.vector_load %arg6[%swap3A_218] {strides = array<i32>} : memref<1040xi32, #tpu.memory_space<vmem>>, vector<16xi32>,
      %swap3A_220 = vector.shape_cast %swap3A_219 : vector<16xi32> to vector<16xi32>
      %swap3A_221 = vector.shape_cast %add3A_217 : vector<16xi32> to vector<16xi32>
      tpu.vector_store %arg6[%swap3A_218], %swap3A_221 {strides = array<i32>} : memref<1040xi32, #tpu.memory_space<vmem>>, vector<16xi32>,
      %add3A_222 = vector.broadcast %squeeze3A_210 : f32 to vector<16xf32>
      %add3A_223 = arith.addf %broadcast_in_dim3A_3, %add3A_222 : vector<16xf32>
      %swap3A_224 = arith.index_cast %add3A_208 : i32 to index
      %swap3A_225 = tpu.vector_load %arg7[%swap3A_224] {strides = array<i32>} : memref<1040xf32, #tpu.memory_space<vmem>>, vector<16xf32>,
      %swap3A_226 = vector.shape_cast %swap3A_225 : vector<16xf32> to vector<16xf32>
      %swap3A_227 = vector.shape_cast %add3A_223 : vector<16xf32> to vector<16xf32>
      tpu.vector_store %arg7[%swap3A_224], %swap3A_227 {strides = array<i32>} : memref<1040xf32, #tpu.memory_space<vmem>>, vector<16xf32>,
      %gt3A_228 = arith.constant 0.000000e+00 : f32
      %gt3A_229 = arith.cmpf ogt, %squeeze3A_210, %gt3A_228 : f32
      %jit3A_230 = arith.constant 1 : i32
      %jit3A_231 = arith.constant 0 : i32
      %select_n3A_232 = arith.select %gt3A_229, %jit3A_230, %jit3A_231 : i32
      %add3A_233 = arith.addi %add3A_208, %select_n3A_232 : i32
      %slice3A_234 = vector.extract_strided_slice %get3A_85 {offsets = [6], sizes = [1], strides = [1]} : vector<16xf32> to vector<1xf32>
      %squeeze3A_235 = vector.extract %slice3A_234[0] : f32 from vector<1xf32>
      %mul3A_236 = arith.constant 16 : i32
      %mul3A_237 = arith.muli %scan3A_80, %mul3A_236 : i32
      %add3A_238 = arith.addi %mul3A_2, %mul3A_237 : i32
      %add3A_239 = arith.constant 6 : i32
      %add3A_240 = arith.addi %add3A_238, %add3A_239 : i32
      %add3A_241 = vector.broadcast %add3A_240 : i32 to vector<16xi32>
      %add3A_242 = arith.addi %broadcast_in_dim3A_5, %add3A_241 : vector<16xi32>
      %swap3A_243 = arith.index_cast %add3A_233 : i32 to index
      %swap3A_244 = tpu.vector_load %arg6[%swap3A_243] {strides = array<i32>} : memref<1040xi32, #tpu.memory_space<vmem>>, vector<16xi32>,
      %swap3A_245 = vector.shape_cast %swap3A_244 : vector<16xi32> to vector<16xi32>
      %swap3A_246 = vector.shape_cast %add3A_242 : vector<16xi32> to vector<16xi32>
      tpu.vector_store %arg6[%swap3A_243], %swap3A_246 {strides = array<i32>} : memref<1040xi32, #tpu.memory_space<vmem>>, vector<16xi32>,
      %add3A_247 = vector.broadcast %squeeze3A_235 : f32 to vector<16xf32>
      %add3A_248 = arith.addf %broadcast_in_dim3A_3, %add3A_247 : vector<16xf32>
      %swap3A_249 = arith.index_cast %add3A_233 : i32 to index
      %swap3A_250 = tpu.vector_load %arg7[%swap3A_249] {strides = array<i32>} : memref<1040xf32, #tpu.memory_space<vmem>>, vector<16xf32>,
      %swap3A_251 = vector.shape_cast %swap3A_250 : vector<16xf32> to vector<16xf32>
      %swap3A_252 = vector.shape_cast %add3A_248 : vector<16xf32> to vector<16xf32>
      tpu.vector_store %arg7[%swap3A_249], %swap3A_252 {strides = array<i32>} : memref<1040xf32, #tpu.memory_space<vmem>>, vector<16xf32>,
      %gt3A_253 = arith.constant 0.000000e+00 : f32
      %gt3A_254 = arith.cmpf ogt, %squeeze3A_235, %gt3A_253 : f32
      %jit3A_255 = arith.constant 1 : i32
      %jit3A_256 = arith.constant 0 : i32
      %select_n3A_257 = arith.select %gt3A_254, %jit3A_255, %jit3A_256 : i32
      %add3A_258 = arith.addi %add3A_233, %select_n3A_257 : i32
      %slice3A_259 = vector.extract_strided_slice %get3A_85 {offsets = [7], sizes = [1], strides = [1]} : vector<16xf32> to vector<1xf32>
      %squeeze3A_260 = vector.extract %slice3A_259[0] : f32 from vector<1xf32>
      %mul3A_261 = arith.constant 16 : i32
      %mul3A_262 = arith.muli %scan3A_80, %mul3A_261 : i32
      %add3A_263 = arith.addi %mul3A_2, %mul3A_262 : i32
      %add3A_264 = arith.constant 7 : i32
      %add3A_265 = arith.addi %add3A_263, %add3A_264 : i32
      %add3A_266 = vector.broadcast %add3A_265 : i32 to vector<16xi32>
      %add3A_267 = arith.addi %broadcast_in_dim3A_5, %add3A_266 : vector<16xi32>
      %swap3A_268 = arith.index_cast %add3A_258 : i32 to index
      %swap3A_269 = tpu.vector_load %arg6[%swap3A_268] {strides = array<i32>} : memref<1040xi32, #tpu.memory_space<vmem>>, vector<16xi32>,
      %swap3A_270 = vector.shape_cast %swap3A_269 : vector<16xi32> to vector<16xi32>
      %swap3A_271 = vector.shape_cast %add3A_267 : vector<16xi32> to vector<16xi32>
      tpu.vector_store %arg6[%swap3A_268], %swap3A_271 {strides = array<i32>} : memref<1040xi32, #tpu.memory_space<vmem>>, vector<16xi32>,
      %add3A_272 = vector.broadcast %squeeze3A_260 : f32 to vector<16xf32>
      %add3A_273 = arith.addf %broadcast_in_dim3A_3, %add3A_272 : vector<16xf32>
      %swap3A_274 = arith.index_cast %add3A_258 : i32 to index
      %swap3A_275 = tpu.vector_load %arg7[%swap3A_274] {strides = array<i32>} : memref<1040xf32, #tpu.memory_space<vmem>>, vector<16xf32>,
      %swap3A_276 = vector.shape_cast %swap3A_275 : vector<16xf32> to vector<16xf32>
      %swap3A_277 = vector.shape_cast %add3A_273 : vector<16xf32> to vector<16xf32>
      tpu.vector_store %arg7[%swap3A_274], %swap3A_277 {strides = array<i32>} : memref<1040xf32, #tpu.memory_space<vmem>>, vector<16xf32>,
      %gt3A_278 = arith.constant 0.000000e+00 : f32
      %gt3A_279 = arith.cmpf ogt, %squeeze3A_260, %gt3A_278 : f32
      %jit3A_280 = arith.constant 1 : i32
      %jit3A_281 = arith.constant 0 : i32
      %select_n3A_282 = arith.select %gt3A_279, %jit3A_280, %jit3A_281 : i32
      %add3A_283 = arith.addi %add3A_258, %select_n3A_282 : i32
      %slice3A_284 = vector.extract_strided_slice %get3A_85 {offsets = [8], sizes = [1], strides = [1]} : vector<16xf32> to vector<1xf32>
      %squeeze3A_285 = vector.extract %slice3A_284[0] : f32 from vector<1xf32>
      %mul3A_286 = arith.constant 16 : i32
      %mul3A_287 = arith.muli %scan3A_80, %mul3A_286 : i32
      %add3A_288 = arith.addi %mul3A_2, %mul3A_287 : i32
      %add3A_289 = arith.constant 8 : i32
      %add3A_290 = arith.addi %add3A_288, %add3A_289 : i32
      %add3A_291 = vector.broadcast %add3A_290 : i32 to vector<16xi32>
      %add3A_292 = arith.addi %broadcast_in_dim3A_5, %add3A_291 : vector<16xi32>
      %swap3A_293 = arith.index_cast %add3A_283 : i32 to index
      %swap3A_294 = tpu.vector_load %arg6[%swap3A_293] {strides = array<i32>} : memref<1040xi32, #tpu.memory_space<vmem>>, vector<16xi32>,
      %swap3A_295 = vector.shape_cast %swap3A_294 : vector<16xi32> to vector<16xi32>
      %swap3A_296 = vector.shape_cast %add3A_292 : vector<16xi32> to vector<16xi32>
      tpu.vector_store %arg6[%swap3A_293], %swap3A_296 {strides = array<i32>} : memref<1040xi32, #tpu.memory_space<vmem>>, vector<16xi32>,
      %add3A_297 = vector.broadcast %squeeze3A_285 : f32 to vector<16xf32>
      %add3A_298 = arith.addf %broadcast_in_dim3A_3, %add3A_297 : vector<16xf32>
      %swap3A_299 = arith.index_cast %add3A_283 : i32 to index
      %swap3A_300 = tpu.vector_load %arg7[%swap3A_299] {strides = array<i32>} : memref<1040xf32, #tpu.memory_space<vmem>>, vector<16xf32>,
      %swap3A_301 = vector.shape_cast %swap3A_300 : vector<16xf32> to vector<16xf32>
      %swap3A_302 = vector.shape_cast %add3A_298 : vector<16xf32> to vector<16xf32>
      tpu.vector_store %arg7[%swap3A_299], %swap3A_302 {strides = array<i32>} : memref<1040xf32, #tpu.memory_space<vmem>>, vector<16xf32>,
      %gt3A_303 = arith.constant 0.000000e+00 : f32
      %gt3A_304 = arith.cmpf ogt, %squeeze3A_285, %gt3A_303 : f32
      %jit3A_305 = arith.constant 1 : i32
      %jit3A_306 = arith.constant 0 : i32
      %select_n3A_307 = arith.select %gt3A_304, %jit3A_305, %jit3A_306 : i32
      %add3A_308 = arith.addi %add3A_283, %select_n3A_307 : i32
      %slice3A_309 = vector.extract_strided_slice %get3A_85 {offsets = [9], sizes = [1], strides = [1]} : vector<16xf32> to vector<1xf32>
      %squeeze3A_310 = vector.extract %slice3A_309[0] : f32 from vector<1xf32>
      %mul3A_311 = arith.constant 16 : i32
      %mul3A_312 = arith.muli %scan3A_80, %mul3A_311 : i32
      %add3A_313 = arith.addi %mul3A_2, %mul3A_312 : i32
      %add3A_314 = arith.constant 9 : i32
      %add3A_315 = arith.addi %add3A_313, %add3A_314 : i32
      %add3A_316 = vector.broadcast %add3A_315 : i32 to vector<16xi32>
      %add3A_317 = arith.addi %broadcast_in_dim3A_5, %add3A_316 : vector<16xi32>
      %swap3A_318 = arith.index_cast %add3A_308 : i32 to index
      %swap3A_319 = tpu.vector_load %arg6[%swap3A_318] {strides = array<i32>} : memref<1040xi32, #tpu.memory_space<vmem>>, vector<16xi32>,
      %swap3A_320 = vector.shape_cast %swap3A_319 : vector<16xi32> to vector<16xi32>
      %swap3A_321 = vector.shape_cast %add3A_317 : vector<16xi32> to vector<16xi32>
      tpu.vector_store %arg6[%swap3A_318], %swap3A_321 {strides = array<i32>} : memref<1040xi32, #tpu.memory_space<vmem>>, vector<16xi32>,
      %add3A_322 = vector.broadcast %squeeze3A_310 : f32 to vector<16xf32>
      %add3A_323 = arith.addf %broadcast_in_dim3A_3, %add3A_322 : vector<16xf32>
      %swap3A_324 = arith.index_cast %add3A_308 : i32 to index
      %swap3A_325 = tpu.vector_load %arg7[%swap3A_324] {strides = array<i32>} : memref<1040xf32, #tpu.memory_space<vmem>>, vector<16xf32>,
      %swap3A_326 = vector.shape_cast %swap3A_325 : vector<16xf32> to vector<16xf32>
      %swap3A_327 = vector.shape_cast %add3A_323 : vector<16xf32> to vector<16xf32>
      tpu.vector_store %arg7[%swap3A_324], %swap3A_327 {strides = array<i32>} : memref<1040xf32, #tpu.memory_space<vmem>>, vector<16xf32>,
      %gt3A_328 = arith.constant 0.000000e+00 : f32
      %gt3A_329 = arith.cmpf ogt, %squeeze3A_310, %gt3A_328 : f32
      %jit3A_330 = arith.constant 1 : i32
      %jit3A_331 = arith.constant 0 : i32
      %select_n3A_332 = arith.select %gt3A_329, %jit3A_330, %jit3A_331 : i32
      %add3A_333 = arith.addi %add3A_308, %select_n3A_332 : i32
      %slice3A_334 = vector.extract_strided_slice %get3A_85 {offsets = [10], sizes = [1], strides = [1]} : vector<16xf32> to vector<1xf32>
      %squeeze3A_335 = vector.extract %slice3A_334[0] : f32 from vector<1xf32>
      %mul3A_336 = arith.constant 16 : i32
      %mul3A_337 = arith.muli %scan3A_80, %mul3A_336 : i32
      %add3A_338 = arith.addi %mul3A_2, %mul3A_337 : i32
      %add3A_339 = arith.constant 10 : i32
      %add3A_340 = arith.addi %add3A_338, %add3A_339 : i32
      %add3A_341 = vector.broadcast %add3A_340 : i32 to vector<16xi32>
      %add3A_342 = arith.addi %broadcast_in_dim3A_5, %add3A_341 : vector<16xi32>
      %swap3A_343 = arith.index_cast %add3A_333 : i32 to index
      %swap3A_344 = tpu.vector_load %arg6[%swap3A_343] {strides = array<i32>} : memref<1040xi32, #tpu.memory_space<vmem>>, vector<16xi32>,
      %swap3A_345 = vector.shape_cast %swap3A_344 : vector<16xi32> to vector<16xi32>
      %swap3A_346 = vector.shape_cast %add3A_342 : vector<16xi32> to vector<16xi32>
      tpu.vector_store %arg6[%swap3A_343], %swap3A_346 {strides = array<i32>} : memref<1040xi32, #tpu.memory_space<vmem>>, vector<16xi32>,
      %add3A_347 = vector.broadcast %squeeze3A_335 : f32 to vector<16xf32>
      %add3A_348 = arith.addf %broadcast_in_dim3A_3, %add3A_347 : vector<16xf32>
      %swap3A_349 = arith.index_cast %add3A_333 : i32 to index
      %swap3A_350 = tpu.vector_load %arg7[%swap3A_349] {strides = array<i32>} : memref<1040xf32, #tpu.memory_space<vmem>>, vector<16xf32>,
      %swap3A_351 = vector.shape_cast %swap3A_350 : vector<16xf32> to vector<16xf32>
      %swap3A_352 = vector.shape_cast %add3A_348 : vector<16xf32> to vector<16xf32>
      tpu.vector_store %arg7[%swap3A_349], %swap3A_352 {strides = array<i32>} : memref<1040xf32, #tpu.memory_space<vmem>>, vector<16xf32>,
      %gt3A_353 = arith.constant 0.000000e+00 : f32
      %gt3A_354 = arith.cmpf ogt, %squeeze3A_335, %gt3A_353 : f32
      %jit3A_355 = arith.constant 1 : i32
      %jit3A_356 = arith.constant 0 : i32
      %select_n3A_357 = arith.select %gt3A_354, %jit3A_355, %jit3A_356 : i32
      %add3A_358 = arith.addi %add3A_333, %select_n3A_357 : i32
      %slice3A_359 = vector.extract_strided_slice %get3A_85 {offsets = [11], sizes = [1], strides = [1]} : vector<16xf32> to vector<1xf32>
      %squeeze3A_360 = vector.extract %slice3A_359[0] : f32 from vector<1xf32>
      %mul3A_361 = arith.constant 16 : i32
      %mul3A_362 = arith.muli %scan3A_80, %mul3A_361 : i32
      %add3A_363 = arith.addi %mul3A_2, %mul3A_362 : i32
      %add3A_364 = arith.constant 11 : i32
      %add3A_365 = arith.addi %add3A_363, %add3A_364 : i32
      %add3A_366 = vector.broadcast %add3A_365 : i32 to vector<16xi32>
      %add3A_367 = arith.addi %broadcast_in_dim3A_5, %add3A_366 : vector<16xi32>
      %swap3A_368 = arith.index_cast %add3A_358 : i32 to index
      %swap3A_369 = tpu.vector_load %arg6[%swap3A_368] {strides = array<i32>} : memref<1040xi32, #tpu.memory_space<vmem>>, vector<16xi32>,
      %swap3A_370 = vector.shape_cast %swap3A_369 : vector<16xi32> to vector<16xi32>
      %swap3A_371 = vector.shape_cast %add3A_367 : vector<16xi32> to vector<16xi32>
      tpu.vector_store %arg6[%swap3A_368], %swap3A_371 {strides = array<i32>} : memref<1040xi32, #tpu.memory_space<vmem>>, vector<16xi32>,
      %add3A_372 = vector.broadcast %squeeze3A_360 : f32 to vector<16xf32>
      %add3A_373 = arith.addf %broadcast_in_dim3A_3, %add3A_372 : vector<16xf32>
      %swap3A_374 = arith.index_cast %add3A_358 : i32 to index
      %swap3A_375 = tpu.vector_load %arg7[%swap3A_374] {strides = array<i32>} : memref<1040xf32, #tpu.memory_space<vmem>>, vector<16xf32>,
      %swap3A_376 = vector.shape_cast %swap3A_375 : vector<16xf32> to vector<16xf32>
      %swap3A_377 = vector.shape_cast %add3A_373 : vector<16xf32> to vector<16xf32>
      tpu.vector_store %arg7[%swap3A_374], %swap3A_377 {strides = array<i32>} : memref<1040xf32, #tpu.memory_space<vmem>>, vector<16xf32>,
      %gt3A_378 = arith.constant 0.000000e+00 : f32
      %gt3A_379 = arith.cmpf ogt, %squeeze3A_360, %gt3A_378 : f32
      %jit3A_380 = arith.constant 1 : i32
      %jit3A_381 = arith.constant 0 : i32
      %select_n3A_382 = arith.select %gt3A_379, %jit3A_380, %jit3A_381 : i32
      %add3A_383 = arith.addi %add3A_358, %select_n3A_382 : i32
      %slice3A_384 = vector.extract_strided_slice %get3A_85 {offsets = [12], sizes = [1], strides = [1]} : vector<16xf32> to vector<1xf32>
      %squeeze3A_385 = vector.extract %slice3A_384[0] : f32 from vector<1xf32>
      %mul3A_386 = arith.constant 16 : i32
      %mul3A_387 = arith.muli %scan3A_80, %mul3A_386 : i32
      %add3A_388 = arith.addi %mul3A_2, %mul3A_387 : i32
      %add3A_389 = arith.constant 12 : i32
      %add3A_390 = arith.addi %add3A_388, %add3A_389 : i32
      %add3A_391 = vector.broadcast %add3A_390 : i32 to vector<16xi32>
      %add3A_392 = arith.addi %broadcast_in_dim3A_5, %add3A_391 : vector<16xi32>
      %swap3A_393 = arith.index_cast %add3A_383 : i32 to index
      %swap3A_394 = tpu.vector_load %arg6[%swap3A_393] {strides = array<i32>} : memref<1040xi32, #tpu.memory_space<vmem>>, vector<16xi32>,
      %swap3A_395 = vector.shape_cast %swap3A_394 : vector<16xi32> to vector<16xi32>
      %swap3A_396 = vector.shape_cast %add3A_392 : vector<16xi32> to vector<16xi32>
      tpu.vector_store %arg6[%swap3A_393], %swap3A_396 {strides = array<i32>} : memref<1040xi32, #tpu.memory_space<vmem>>, vector<16xi32>,
      %add3A_397 = vector.broadcast %squeeze3A_385 : f32 to vector<16xf32>
      %add3A_398 = arith.addf %broadcast_in_dim3A_3, %add3A_397 : vector<16xf32>
      %swap3A_399 = arith.index_cast %add3A_383 : i32 to index
      %swap3A_400 = tpu.vector_load %arg7[%swap3A_399] {strides = array<i32>} : memref<1040xf32, #tpu.memory_space<vmem>>, vector<16xf32>,
      %swap3A_401 = vector.shape_cast %swap3A_400 : vector<16xf32> to vector<16xf32>
      %swap3A_402 = vector.shape_cast %add3A_398 : vector<16xf32> to vector<16xf32>
      tpu.vector_store %arg7[%swap3A_399], %swap3A_402 {strides = array<i32>} : memref<1040xf32, #tpu.memory_space<vmem>>, vector<16xf32>,
      %gt3A_403 = arith.constant 0.000000e+00 : f32
      %gt3A_404 = arith.cmpf ogt, %squeeze3A_385, %gt3A_403 : f32
      %jit3A_405 = arith.constant 1 : i32
      %jit3A_406 = arith.constant 0 : i32
      %select_n3A_407 = arith.select %gt3A_404, %jit3A_405, %jit3A_406 : i32
      %add3A_408 = arith.addi %add3A_383, %select_n3A_407 : i32
      %slice3A_409 = vector.extract_strided_slice %get3A_85 {offsets = [13], sizes = [1], strides = [1]} : vector<16xf32> to vector<1xf32>
      %squeeze3A_410 = vector.extract %slice3A_409[0] : f32 from vector<1xf32>
      %mul3A_411 = arith.constant 16 : i32
      %mul3A_412 = arith.muli %scan3A_80, %mul3A_411 : i32
      %add3A_413 = arith.addi %mul3A_2, %mul3A_412 : i32
      %add3A_414 = arith.constant 13 : i32
      %add3A_415 = arith.addi %add3A_413, %add3A_414 : i32
      %add3A_416 = vector.broadcast %add3A_415 : i32 to vector<16xi32>
      %add3A_417 = arith.addi %broadcast_in_dim3A_5, %add3A_416 : vector<16xi32>
      %swap3A_418 = arith.index_cast %add3A_408 : i32 to index
      %swap3A_419 = tpu.vector_load %arg6[%swap3A_418] {strides = array<i32>} : memref<1040xi32, #tpu.memory_space<vmem>>, vector<16xi32>,
      %swap3A_420 = vector.shape_cast %swap3A_419 : vector<16xi32> to vector<16xi32>
      %swap3A_421 = vector.shape_cast %add3A_417 : vector<16xi32> to vector<16xi32>
      tpu.vector_store %arg6[%swap3A_418], %swap3A_421 {strides = array<i32>} : memref<1040xi32, #tpu.memory_space<vmem>>, vector<16xi32>,
      %add3A_422 = vector.broadcast %squeeze3A_410 : f32 to vector<16xf32>
      %add3A_423 = arith.addf %broadcast_in_dim3A_3, %add3A_422 : vector<16xf32>
      %swap3A_424 = arith.index_cast %add3A_408 : i32 to index
      %swap3A_425 = tpu.vector_load %arg7[%swap3A_424] {strides = array<i32>} : memref<1040xf32, #tpu.memory_space<vmem>>, vector<16xf32>,
      %swap3A_426 = vector.shape_cast %swap3A_425 : vector<16xf32> to vector<16xf32>
      %swap3A_427 = vector.shape_cast %add3A_423 : vector<16xf32> to vector<16xf32>
      tpu.vector_store %arg7[%swap3A_424], %swap3A_427 {strides = array<i32>} : memref<1040xf32, #tpu.memory_space<vmem>>, vector<16xf32>,
      %gt3A_428 = arith.constant 0.000000e+00 : f32
      %gt3A_429 = arith.cmpf ogt, %squeeze3A_410, %gt3A_428 : f32
      %jit3A_430 = arith.constant 1 : i32
      %jit3A_431 = arith.constant 0 : i32
      %select_n3A_432 = arith.select %gt3A_429, %jit3A_430, %jit3A_431 : i32
      %add3A_433 = arith.addi %add3A_408, %select_n3A_432 : i32
      %slice3A_434 = vector.extract_strided_slice %get3A_85 {offsets = [14], sizes = [1], strides = [1]} : vector<16xf32> to vector<1xf32>
      %squeeze3A_435 = vector.extract %slice3A_434[0] : f32 from vector<1xf32>
      %mul3A_436 = arith.constant 16 : i32
      %mul3A_437 = arith.muli %scan3A_80, %mul3A_436 : i32
      %add3A_438 = arith.addi %mul3A_2, %mul3A_437 : i32
      %add3A_439 = arith.constant 14 : i32
      %add3A_440 = arith.addi %add3A_438, %add3A_439 : i32
      %add3A_441 = vector.broadcast %add3A_440 : i32 to vector<16xi32>
      %add3A_442 = arith.addi %broadcast_in_dim3A_5, %add3A_441 : vector<16xi32>
      %swap3A_443 = arith.index_cast %add3A_433 : i32 to index
      %swap3A_444 = tpu.vector_load %arg6[%swap3A_443] {strides = array<i32>} : memref<1040xi32, #tpu.memory_space<vmem>>, vector<16xi32>,
      %swap3A_445 = vector.shape_cast %swap3A_444 : vector<16xi32> to vector<16xi32>
      %swap3A_446 = vector.shape_cast %add3A_442 : vector<16xi32> to vector<16xi32>
      tpu.vector_store %arg6[%swap3A_443], %swap3A_446 {strides = array<i32>} : memref<1040xi32, #tpu.memory_space<vmem>>, vector<16xi32>,
      %add3A_447 = vector.broadcast %squeeze3A_435 : f32 to vector<16xf32>
      %add3A_448 = arith.addf %broadcast_in_dim3A_3, %add3A_447 : vector<16xf32>
      %swap3A_449 = arith.index_cast %add3A_433 : i32 to index
      %swap3A_450 = tpu.vector_load %arg7[%swap3A_449] {strides = array<i32>} : memref<1040xf32, #tpu.memory_space<vmem>>, vector<16xf32>,
      %swap3A_451 = vector.shape_cast %swap3A_450 : vector<16xf32> to vector<16xf32>
      %swap3A_452 = vector.shape_cast %add3A_448 : vector<16xf32> to vector<16xf32>
      tpu.vector_store %arg7[%swap3A_449], %swap3A_452 {strides = array<i32>} : memref<1040xf32, #tpu.memory_space<vmem>>, vector<16xf32>,
      %gt3A_453 = arith.constant 0.000000e+00 : f32
      %gt3A_454 = arith.cmpf ogt, %squeeze3A_435, %gt3A_453 : f32
      %jit3A_455 = arith.constant 1 : i32
      %jit3A_456 = arith.constant 0 : i32
      %select_n3A_457 = arith.select %gt3A_454, %jit3A_455, %jit3A_456 : i32
      %add3A_458 = arith.addi %add3A_433, %select_n3A_457 : i32
      %slice3A_459 = vector.extract_strided_slice %get3A_85 {offsets = [15], sizes = [1], strides = [1]} : vector<16xf32> to vector<1xf32>
      %squeeze3A_460 = vector.extract %slice3A_459[0] : f32 from vector<1xf32>
      %mul3A_461 = arith.constant 16 : i32
      %mul3A_462 = arith.muli %scan3A_80, %mul3A_461 : i32
      %add3A_463 = arith.addi %mul3A_2, %mul3A_462 : i32
      %add3A_464 = arith.constant 15 : i32
      %add3A_465 = arith.addi %add3A_463, %add3A_464 : i32
      %add3A_466 = vector.broadcast %add3A_465 : i32 to vector<16xi32>
      %add3A_467 = arith.addi %broadcast_in_dim3A_5, %add3A_466 : vector<16xi32>
      %swap3A_468 = arith.index_cast %add3A_458 : i32 to index
      %swap3A_469 = tpu.vector_load %arg6[%swap3A_468] {strides = array<i32>} : memref<1040xi32, #tpu.memory_space<vmem>>, vector<16xi32>,
      %swap3A_470 = vector.shape_cast %swap3A_469 : vector<16xi32> to vector<16xi32>
      %swap3A_471 = vector.shape_cast %add3A_467 : vector<16xi32> to vector<16xi32>
      tpu.vector_store %arg6[%swap3A_468], %swap3A_471 {strides = array<i32>} : memref<1040xi32, #tpu.memory_space<vmem>>, vector<16xi32>,
      %add3A_472 = vector.broadcast %squeeze3A_460 : f32 to vector<16xf32>
      %add3A_473 = arith.addf %broadcast_in_dim3A_3, %add3A_472 : vector<16xf32>
      %swap3A_474 = arith.index_cast %add3A_458 : i32 to index
      %swap3A_475 = tpu.vector_load %arg7[%swap3A_474] {strides = array<i32>} : memref<1040xf32, #tpu.memory_space<vmem>>, vector<16xf32>,
      %swap3A_476 = vector.shape_cast %swap3A_475 : vector<16xf32> to vector<16xf32>
      %swap3A_477 = vector.shape_cast %add3A_473 : vector<16xf32> to vector<16xf32>
      tpu.vector_store %arg7[%swap3A_474], %swap3A_477 {strides = array<i32>} : memref<1040xf32, #tpu.memory_space<vmem>>, vector<16xf32>,
      %gt3A_478 = arith.constant 0.000000e+00 : f32
      %gt3A_479 = arith.cmpf ogt, %squeeze3A_460, %gt3A_478 : f32
      %jit3A_480 = arith.constant 1 : i32
      %jit3A_481 = arith.constant 0 : i32
      %select_n3A_482 = arith.select %gt3A_479, %jit3A_480, %jit3A_481 : i32
      %add3A_483 = arith.addi %add3A_458, %select_n3A_482 : i32
      scf.yield %add3A_483 : i32
    }
    %scan3A_17 = arith.constant 64 : i32
    %swap3A = arith.index_cast %scan3A_16 : i32 to index
    %swap3A_18 = tpu.vector_load %arg6[%swap3A] {strides = array<i32>} : memref<1040xi32, #tpu.memory_space<vmem>>, vector<16xi32>,
    %swap3A_19 = vector.shape_cast %swap3A_18 : vector<16xi32> to vector<16xi32>
    %swap3A_20 = vector.shape_cast %broadcast_in_dim3A_5 : vector<16xi32> to vector<16xi32>
    tpu.vector_store %arg6[%swap3A], %swap3A_20 {strides = array<i32>} : memref<1040xi32, #tpu.memory_space<vmem>>, vector<16xi32>,
    %swap3A_21 = arith.index_cast %scan3A_16 : i32 to index
    %swap3A_22 = tpu.vector_load %arg7[%swap3A_21] {strides = array<i32>} : memref<1040xf32, #tpu.memory_space<vmem>>, vector<16xf32>,
    %swap3A_23 = vector.shape_cast %swap3A_22 : vector<16xf32> to vector<16xf32>
    %swap3A_24 = vector.shape_cast %broadcast_in_dim3A_3 : vector<16xf32> to vector<16xf32>
    tpu.vector_store %arg7[%swap3A_21], %swap3A_24 {strides = array<i32>} : memref<1040xf32, #tpu.memory_space<vmem>>, vector<16xf32>,
    %add3A_25 = arith.constant 7 : i32
    %add3A_26 = arith.addi %scan3A_16, %add3A_25 : i32
    %jit3A = arith.constant 8 : i32
    %div3A = arith.divsi %add3A_26, %jit3A : i32
    %sign3A = arith.constant 0 : i32
    %sign3A_27 = arith.cmpi sgt, %add3A_26, %sign3A : i32
    %sign3A_28 = arith.extui %sign3A_27 : i1 to i32
    %sign3A_29 = arith.constant 0 : i32
    %sign3A_30 = arith.cmpi slt, %add3A_26, %sign3A_29 : i32
    %sign3A_31 = arith.extui %sign3A_30 : i1 to i32
    %sign3A_32 = arith.subi %sign3A_28, %sign3A_31 : i32
    %sign3A_33 = arith.constant 0 : i32
    %sign3A_34 = arith.cmpi sgt, %jit3A, %sign3A_33 : i32
    %sign3A_35 = arith.extui %sign3A_34 : i1 to i32
    %sign3A_36 = arith.constant 0 : i32
    %sign3A_37 = arith.cmpi slt, %jit3A, %sign3A_36 : i32
    %sign3A_38 = arith.extui %sign3A_37 : i1 to i32
    %sign3A_39 = arith.subi %sign3A_35, %sign3A_38 : i32
    %ne3A = arith.cmpi ne, %sign3A_32, %sign3A_39 : i32
    %rem3A = arith.remsi %add3A_26, %jit3A : i32
    %ne3A_40 = arith.constant 0 : i32
    %ne3A_41 = arith.cmpi ne, %rem3A, %ne3A_40 : i32
    %and3A = arith.andi %ne3A, %ne3A_41 : i1
    %sub3A = arith.constant 1 : i32
    %sub3A_42 = arith.subi %div3A, %sub3A : i32
    %select_n3A = arith.select %and3A, %sub3A_42, %div3A : i32
    %gt3A = arith.constant 0 : i32
    %gt3A_43 = arith.cmpi sgt, %select_n3A, %gt3A : i32
    %convert_element_type3A = arith.extui %gt3A_43 : i1 to i32
    %cond3A = arith.constant 0 : i32
    %cond3A_44 = arith.cmpi ne, %convert_element_type3A, %cond3A : i32
    scf.if %cond3A_44 {
      %dma_start3A = arith.constant 0 : i32
      %dma_start3A_80 = tpu.memref_slice %arg6[%dma_start3A] : memref<1040xi32, #tpu.memory_space<vmem>> -> memref<8xi32, #tpu.memory_space<vmem>>
      %dma_start3A_81 = arith.constant 0 : i32
      %dma_start3A_82 = arith.constant 0 : i32
      %dma_start3A_83 = tpu.memref_slice %arg3[%dma_start3A_81, %dma_start3A_82] : memref<32768x4096xf32, #tpu.memory_space<hbm>> -> memref<32768x4096xf32, #tpu.memory_space<hbm>>
      tpu.enqueue_indirect_dma source(%dma_start3A_83 : memref<32768x4096xf32, #tpu.memory_space<hbm>>) target(%arg8 : memref<8x4096xf32, #tpu.memory_space<vmem>>) offsets(%dma_start3A_80 : memref<8xi32, #tpu.memory_space<vmem>>) semaphore(%arg11 : memref<!tpu.dma_semaphore, #tpu.memory_space<semaphore_mem>>)
    } else {
    }
    %add3A_45 = arith.constant 1 : i32
    %add3A_46 = arith.addi %select_n3A, %add3A_45 : i32
    %jit3A_47 = arith.constant 2 : i32
    %div3A_48 = arith.divsi %add3A_46, %jit3A_47 : i32
    %sign3A_49 = arith.constant 0 : i32
    %sign3A_50 = arith.cmpi sgt, %add3A_46, %sign3A_49 : i32
    %sign3A_51 = arith.extui %sign3A_50 : i1 to i32
    %sign3A_52 = arith.constant 0 : i32
    %sign3A_53 = arith.cmpi slt, %add3A_46, %sign3A_52 : i32
    %sign3A_54 = arith.extui %sign3A_53 : i1 to i32
    %sign3A_55 = arith.subi %sign3A_51, %sign3A_54 : i32
    %sign3A_56 = arith.constant 0 : i32
    %sign3A_57 = arith.cmpi sgt, %jit3A_47, %sign3A_56 : i32
    %sign3A_58 = arith.extui %sign3A_57 : i1 to i32
    %sign3A_59 = arith.constant 0 : i32
    %sign3A_60 = arith.cmpi slt, %jit3A_47, %sign3A_59 : i32
    %sign3A_61 = arith.extui %sign3A_60 : i1 to i32
    %sign3A_62 = arith.subi %sign3A_58, %sign3A_61 : i32
    %ne3A_63 = arith.cmpi ne, %sign3A_55, %sign3A_62 : i32
    %rem3A_64 = arith.remsi %add3A_46, %jit3A_47 : i32
    %ne3A_65 = arith.constant 0 : i32
    %ne3A_66 = arith.cmpi ne, %rem3A_64, %ne3A_65 : i32
    %and3A_67 = arith.andi %ne3A_63, %ne3A_66 : i1
    %sub3A_68 = arith.constant 1 : i32
    %sub3A_69 = arith.subi %div3A_48, %sub3A_68 : i32
    %select_n3A_70 = arith.select %and3A_67, %sub3A_69, %div3A_48 : i32
    %while3A = arith.constant 0 : i32
    %while3A_71 = arith.constant 0 : i32
    %while3A_72 = arith.subi %select_n3A_70, %while3A_71 : i32
    %while3A_73 = arith.addi %while3A_71, %while3A_72 : i32
    %while3A_74 = arith.constant 1 : i32
    %while3A_75 = arith.divsi %while3A_72, %while3A_74 : i32
    %while3A_76 = arith.muli %while3A_75, %while3A_74 : i32
    %while3A_77 = arith.addi %while3A_71, %while3A_76 : i32
    %while3A_78 = arith.constant 1 : i32
    scf.for %while3A_80 = %while3A_71 to %while3A_77 step %while3A_78  : i32 {
      %mul3A_81 = arith.constant 2 : i32
      %mul3A_82 = arith.muli %while3A_80, %mul3A_81 : i32
      %add3A_83 = arith.constant 1 : i32
      %add3A_84 = arith.addi %mul3A_82, %add3A_83 : i32
      %lt3A = arith.cmpi slt, %add3A_84, %select_n3A : i32
      %convert_element_type3A_85 = arith.extui %lt3A : i1 to i32
      %cond3A_86 = arith.constant 0 : i32
      %cond3A_87 = arith.cmpi ne, %convert_element_type3A_85, %cond3A_86 : i32
      scf.if %cond3A_87 {
        %add3A_114 = arith.constant 1 : i32
        %add3A_115 = arith.addi %mul3A_82, %add3A_114 : i32
        %mul3A_116 = arith.constant 8 : i32
        %mul3A_117 = arith.muli %add3A_115, %mul3A_116 : i32
        %dma_start3A = tpu.memref_slice %arg6[%mul3A_117] : memref<1040xi32, #tpu.memory_space<vmem>> -> memref<8xi32, #tpu.memory_space<vmem>>
        %dma_start3A_118 = arith.constant 0 : i32
        %dma_start3A_119 = arith.constant 0 : i32
        %dma_start3A_120 = tpu.memref_slice %arg3[%dma_start3A_118, %dma_start3A_119] : memref<32768x4096xf32, #tpu.memory_space<hbm>> -> memref<32768x4096xf32, #tpu.memory_space<hbm>>
        tpu.enqueue_indirect_dma source(%dma_start3A_120 : memref<32768x4096xf32, #tpu.memory_space<hbm>>) target(%arg9 : memref<8x4096xf32, #tpu.memory_space<vmem>>) offsets(%dma_start3A : memref<8xi32, #tpu.memory_space<vmem>>) semaphore(%arg12 : memref<!tpu.dma_semaphore, #tpu.memory_space<semaphore_mem>>)
      } else {
      }
      %dma_wait3A = arith.constant 0 : i32
      %dma_wait3A_88 = tpu.memref_slice %arg6[%dma_wait3A] : memref<1040xi32, #tpu.memory_space<vmem>> -> memref<8xi32, #tpu.memory_space<vmem>>
      %dma_wait3A_89 = arith.constant 0 : i32
      %dma_wait3A_90 = arith.constant 0 : i32
      %dma_wait3A_91 = tpu.memref_slice %arg3[%dma_wait3A_89, %dma_wait3A_90] : memref<32768x4096xf32, #tpu.memory_space<hbm>> -> memref<32768x4096xf32, #tpu.memory_space<hbm>>
      tpu.wait_indirect_dma semaphore(%arg11 : memref<!tpu.dma_semaphore, #tpu.memory_space<semaphore_mem>>) src(%dma_wait3A_91 : memref<32768x4096xf32, #tpu.memory_space<hbm>>) dst(%arg8 : memref<8x4096xf32, #tpu.memory_space<vmem>>)
      %mul3A_92 = arith.constant 8 : i32
      %mul3A_93 = arith.muli %mul3A_82, %mul3A_92 : i32
      %get3A = arith.index_cast %mul3A_93 : i32 to index
      %get3A_94 = tpu.vector_load %arg7[%get3A] {strides = array<i32>} : memref<1040xf32, #tpu.memory_space<vmem>>, vector<16xf32>,
      %get3A_95 = vector.shape_cast %get3A_94 : vector<16xf32> to vector<16xf32>
      %scan3A_96 = arith.constant 0 : i32
      %scan3A_97 = arith.constant 0 : i32
      %scan3A_98 = arith.constant 256 : i32
      %scan3A_99 = arith.addi %scan3A_97, %scan3A_98 : i32
      %scan3A_100 = arith.constant 1 : i32
      scf.for %scan3A_114 = %scan3A_97 to %scan3A_99 step %scan3A_100  : i32 {
        %slice3A = vector.extract_strided_slice %get3A_95 {offsets = [0], sizes = [1], strides = [1]} : vector<16xf32> to vector<1xf32>
        %squeeze3A = vector.extract %slice3A[0] : f32 from vector<1xf32>
        %mul3A_115 = arith.constant 16 : i32
        %mul3A_116 = arith.muli %scan3A_114, %mul3A_115 : i32
        %get3A_117 = arith.constant 0 : i32
        %get3A_118 = arith.index_cast %get3A_117 : i32 to index
        %get3A_119 = arith.index_cast %mul3A_116 : i32 to index
        %get3A_120 = tpu.vector_load %arg8[%get3A_118, %get3A_119] {strides = array<i32>} : memref<8x4096xf32, #tpu.memory_space<vmem>>, vector<1x16xf32>,
        %get3A_121 = vector.shape_cast %get3A_120 : vector<1x16xf32> to vector<16xf32>
        %mul3A_122 = vector.broadcast %squeeze3A : f32 to vector<16xf32>
        %mul3A_123 = arith.mulf %mul3A_122, %get3A_121 : vector<16xf32>
        %slice3A_124 = vector.extract_strided_slice %get3A_95 {offsets = [1], sizes = [1], strides = [1]} : vector<16xf32> to vector<1xf32>
        %squeeze3A_125 = vector.extract %slice3A_124[0] : f32 from vector<1xf32>
        %mul3A_126 = arith.constant 16 : i32
        %mul3A_127 = arith.muli %scan3A_114, %mul3A_126 : i32
        %get3A_128 = arith.constant 1 : i32
        %get3A_129 = arith.index_cast %get3A_128 : i32 to index
        %get3A_130 = arith.index_cast %mul3A_127 : i32 to index
        %get3A_131 = tpu.vector_load %arg8[%get3A_129, %get3A_130] {strides = array<i32>} : memref<8x4096xf32, #tpu.memory_space<vmem>>, vector<1x16xf32>,
        %get3A_132 = vector.shape_cast %get3A_131 : vector<1x16xf32> to vector<16xf32>
        %mul3A_133 = vector.broadcast %squeeze3A_125 : f32 to vector<16xf32>
        %mul3A_134 = arith.mulf %mul3A_133, %get3A_132 : vector<16xf32>
        %add3A_135 = arith.addf %mul3A_123, %mul3A_134 : vector<16xf32>
        %slice3A_136 = vector.extract_strided_slice %get3A_95 {offsets = [2], sizes = [1], strides = [1]} : vector<16xf32> to vector<1xf32>
        %squeeze3A_137 = vector.extract %slice3A_136[0] : f32 from vector<1xf32>
        %mul3A_138 = arith.constant 16 : i32
        %mul3A_139 = arith.muli %scan3A_114, %mul3A_138 : i32
        %get3A_140 = arith.constant 2 : i32
        %get3A_141 = arith.index_cast %get3A_140 : i32 to index
        %get3A_142 = arith.index_cast %mul3A_139 : i32 to index
        %get3A_143 = tpu.vector_load %arg8[%get3A_141, %get3A_142] {strides = array<i32>} : memref<8x4096xf32, #tpu.memory_space<vmem>>, vector<1x16xf32>,
        %get3A_144 = vector.shape_cast %get3A_143 : vector<1x16xf32> to vector<16xf32>
        %mul3A_145 = vector.broadcast %squeeze3A_137 : f32 to vector<16xf32>
        %mul3A_146 = arith.mulf %mul3A_145, %get3A_144 : vector<16xf32>
        %add3A_147 = arith.addf %add3A_135, %mul3A_146 : vector<16xf32>
        %slice3A_148 = vector.extract_strided_slice %get3A_95 {offsets = [3], sizes = [1], strides = [1]} : vector<16xf32> to vector<1xf32>
        %squeeze3A_149 = vector.extract %slice3A_148[0] : f32 from vector<1xf32>
        %mul3A_150 = arith.constant 16 : i32
        %mul3A_151 = arith.muli %scan3A_114, %mul3A_150 : i32
        %get3A_152 = arith.constant 3 : i32
        %get3A_153 = arith.index_cast %get3A_152 : i32 to index
        %get3A_154 = arith.index_cast %mul3A_151 : i32 to index
        %get3A_155 = tpu.vector_load %arg8[%get3A_153, %get3A_154] {strides = array<i32>} : memref<8x4096xf32, #tpu.memory_space<vmem>>, vector<1x16xf32>,
        %get3A_156 = vector.shape_cast %get3A_155 : vector<1x16xf32> to vector<16xf32>
        %mul3A_157 = vector.broadcast %squeeze3A_149 : f32 to vector<16xf32>
        %mul3A_158 = arith.mulf %mul3A_157, %get3A_156 : vector<16xf32>
        %add3A_159 = arith.addf %add3A_147, %mul3A_158 : vector<16xf32>
        %slice3A_160 = vector.extract_strided_slice %get3A_95 {offsets = [4], sizes = [1], strides = [1]} : vector<16xf32> to vector<1xf32>
        %squeeze3A_161 = vector.extract %slice3A_160[0] : f32 from vector<1xf32>
        %mul3A_162 = arith.constant 16 : i32
        %mul3A_163 = arith.muli %scan3A_114, %mul3A_162 : i32
        %get3A_164 = arith.constant 4 : i32
        %get3A_165 = arith.index_cast %get3A_164 : i32 to index
        %get3A_166 = arith.index_cast %mul3A_163 : i32 to index
        %get3A_167 = tpu.vector_load %arg8[%get3A_165, %get3A_166] {strides = array<i32>} : memref<8x4096xf32, #tpu.memory_space<vmem>>, vector<1x16xf32>,
        %get3A_168 = vector.shape_cast %get3A_167 : vector<1x16xf32> to vector<16xf32>
        %mul3A_169 = vector.broadcast %squeeze3A_161 : f32 to vector<16xf32>
        %mul3A_170 = arith.mulf %mul3A_169, %get3A_168 : vector<16xf32>
        %add3A_171 = arith.addf %add3A_159, %mul3A_170 : vector<16xf32>
        %slice3A_172 = vector.extract_strided_slice %get3A_95 {offsets = [5], sizes = [1], strides = [1]} : vector<16xf32> to vector<1xf32>
        %squeeze3A_173 = vector.extract %slice3A_172[0] : f32 from vector<1xf32>
        %mul3A_174 = arith.constant 16 : i32
        %mul3A_175 = arith.muli %scan3A_114, %mul3A_174 : i32
        %get3A_176 = arith.constant 5 : i32
        %get3A_177 = arith.index_cast %get3A_176 : i32 to index
        %get3A_178 = arith.index_cast %mul3A_175 : i32 to index
        %get3A_179 = tpu.vector_load %arg8[%get3A_177, %get3A_178] {strides = array<i32>} : memref<8x4096xf32, #tpu.memory_space<vmem>>, vector<1x16xf32>,
        %get3A_180 = vector.shape_cast %get3A_179 : vector<1x16xf32> to vector<16xf32>
        %mul3A_181 = vector.broadcast %squeeze3A_173 : f32 to vector<16xf32>
        %mul3A_182 = arith.mulf %mul3A_181, %get3A_180 : vector<16xf32>
        %add3A_183 = arith.addf %add3A_171, %mul3A_182 : vector<16xf32>
        %slice3A_184 = vector.extract_strided_slice %get3A_95 {offsets = [6], sizes = [1], strides = [1]} : vector<16xf32> to vector<1xf32>
        %squeeze3A_185 = vector.extract %slice3A_184[0] : f32 from vector<1xf32>
        %mul3A_186 = arith.constant 16 : i32
        %mul3A_187 = arith.muli %scan3A_114, %mul3A_186 : i32
        %get3A_188 = arith.constant 6 : i32
        %get3A_189 = arith.index_cast %get3A_188 : i32 to index
        %get3A_190 = arith.index_cast %mul3A_187 : i32 to index
        %get3A_191 = tpu.vector_load %arg8[%get3A_189, %get3A_190] {strides = array<i32>} : memref<8x4096xf32, #tpu.memory_space<vmem>>, vector<1x16xf32>,
        %get3A_192 = vector.shape_cast %get3A_191 : vector<1x16xf32> to vector<16xf32>
        %mul3A_193 = vector.broadcast %squeeze3A_185 : f32 to vector<16xf32>
        %mul3A_194 = arith.mulf %mul3A_193, %get3A_192 : vector<16xf32>
        %add3A_195 = arith.addf %add3A_183, %mul3A_194 : vector<16xf32>
        %slice3A_196 = vector.extract_strided_slice %get3A_95 {offsets = [7], sizes = [1], strides = [1]} : vector<16xf32> to vector<1xf32>
        %squeeze3A_197 = vector.extract %slice3A_196[0] : f32 from vector<1xf32>
        %mul3A_198 = arith.constant 16 : i32
        %mul3A_199 = arith.muli %scan3A_114, %mul3A_198 : i32
        %get3A_200 = arith.constant 7 : i32
        %get3A_201 = arith.index_cast %get3A_200 : i32 to index
        %get3A_202 = arith.index_cast %mul3A_199 : i32 to index
        %get3A_203 = tpu.vector_load %arg8[%get3A_201, %get3A_202] {strides = array<i32>} : memref<8x4096xf32, #tpu.memory_space<vmem>>, vector<1x16xf32>,
        %get3A_204 = vector.shape_cast %get3A_203 : vector<1x16xf32> to vector<16xf32>
        %mul3A_205 = vector.broadcast %squeeze3A_197 : f32 to vector<16xf32>
        %mul3A_206 = arith.mulf %mul3A_205, %get3A_204 : vector<16xf32>
        %add3A_207 = arith.addf %add3A_195, %mul3A_206 : vector<16xf32>
        %mul3A_208 = arith.constant 16 : i32
        %mul3A_209 = arith.muli %scan3A_114, %mul3A_208 : i32
        %swap3A_210 = arith.index_cast %mul3A_209 : i32 to index
        %swap3A_211 = tpu.vector_load %arg10[%swap3A_210] {strides = array<i32>} : memref<4096xf32, #tpu.memory_space<vmem>>, vector<16xf32>,
        %swap3A_212 = vector.shape_cast %swap3A_211 : vector<16xf32> to vector<16xf32>
        %swap3A_213 = vector.shape_cast %add3A_207 : vector<16xf32> to vector<16xf32>
        tpu.vector_store %arg10[%swap3A_210], %swap3A_213 {add = true, strides = array<i32>} : memref<4096xf32, #tpu.memory_space<vmem>>, vector<16xf32>,
      }
      %scan3A_101 = arith.constant 256 : i32
      %add3A_102 = arith.constant 2 : i32
      %add3A_103 = arith.addi %mul3A_82, %add3A_102 : i32
      %lt3A_104 = arith.cmpi slt, %add3A_103, %select_n3A : i32
      %convert_element_type3A_105 = arith.extui %lt3A_104 : i1 to i32
      %cond3A_106 = arith.constant 0 : i32
      %cond3A_107 = arith.cmpi ne, %convert_element_type3A_105, %cond3A_106 : i32
      scf.if %cond3A_107 {
        %add3A_114 = arith.constant 2 : i32
        %add3A_115 = arith.addi %mul3A_82, %add3A_114 : i32
        %mul3A_116 = arith.constant 8 : i32
        %mul3A_117 = arith.muli %add3A_115, %mul3A_116 : i32
        %dma_start3A = tpu.memref_slice %arg6[%mul3A_117] : memref<1040xi32, #tpu.memory_space<vmem>> -> memref<8xi32, #tpu.memory_space<vmem>>
        %dma_start3A_118 = arith.constant 0 : i32
        %dma_start3A_119 = arith.constant 0 : i32
        %dma_start3A_120 = tpu.memref_slice %arg3[%dma_start3A_118, %dma_start3A_119] : memref<32768x4096xf32, #tpu.memory_space<hbm>> -> memref<32768x4096xf32, #tpu.memory_space<hbm>>
        tpu.enqueue_indirect_dma source(%dma_start3A_120 : memref<32768x4096xf32, #tpu.memory_space<hbm>>) target(%arg8 : memref<8x4096xf32, #tpu.memory_space<vmem>>) offsets(%dma_start3A : memref<8xi32, #tpu.memory_space<vmem>>) semaphore(%arg11 : memref<!tpu.dma_semaphore, #tpu.memory_space<semaphore_mem>>)
      } else {
      }
      %add3A_108 = arith.constant 1 : i32
      %add3A_109 = arith.addi %mul3A_82, %add3A_108 : i32
      %lt3A_110 = arith.cmpi slt, %add3A_109, %select_n3A : i32
      %convert_element_type3A_111 = arith.extui %lt3A_110 : i1 to i32
      %cond3A_112 = arith.constant 0 : i32
      %cond3A_113 = arith.cmpi ne, %convert_element_type3A_111, %cond3A_112 : i32
      scf.if %cond3A_113 {
        %dma_wait3A_114 = arith.constant 0 : i32
        %dma_wait3A_115 = tpu.memref_slice %arg6[%dma_wait3A_114] : memref<1040xi32, #tpu.memory_space<vmem>> -> memref<8xi32, #tpu.memory_space<vmem>>
        %dma_wait3A_116 = arith.constant 0 : i32
        %dma_wait3A_117 = arith.constant 0 : i32
        %dma_wait3A_118 = tpu.memref_slice %arg3[%dma_wait3A_116, %dma_wait3A_117] : memref<32768x4096xf32, #tpu.memory_space<hbm>> -> memref<32768x4096xf32, #tpu.memory_space<hbm>>
        tpu.wait_indirect_dma semaphore(%arg12 : memref<!tpu.dma_semaphore, #tpu.memory_space<semaphore_mem>>) src(%dma_wait3A_118 : memref<32768x4096xf32, #tpu.memory_space<hbm>>) dst(%arg9 : memref<8x4096xf32, #tpu.memory_space<vmem>>)
        %add3A_119 = arith.constant 1 : i32
        %add3A_120 = arith.addi %mul3A_82, %add3A_119 : i32
        %mul3A_121 = arith.constant 8 : i32
        %mul3A_122 = arith.muli %add3A_120, %mul3A_121 : i32
        %get3A_123 = arith.index_cast %mul3A_122 : i32 to index
        %get3A_124 = tpu.vector_load %arg7[%get3A_123] {strides = array<i32>} : memref<1040xf32, #tpu.memory_space<vmem>>, vector<16xf32>,
        %get3A_125 = vector.shape_cast %get3A_124 : vector<16xf32> to vector<16xf32>
        %scan3A_126 = arith.constant 0 : i32
        %scan3A_127 = arith.constant 0 : i32
        %scan3A_128 = arith.constant 256 : i32
        %scan3A_129 = arith.addi %scan3A_127, %scan3A_128 : i32
        %scan3A_130 = arith.constant 1 : i32
        scf.for %scan3A_132 = %scan3A_127 to %scan3A_129 step %scan3A_130  : i32 {
          %slice3A = vector.extract_strided_slice %get3A_125 {offsets = [0], sizes = [1], strides = [1]} : vector<16xf32> to vector<1xf32>
          %squeeze3A = vector.extract %slice3A[0] : f32 from vector<1xf32>
          %mul3A_133 = arith.constant 16 : i32
          %mul3A_134 = arith.muli %scan3A_132, %mul3A_133 : i32
          %get3A_135 = arith.constant 0 : i32
          %get3A_136 = arith.index_cast %get3A_135 : i32 to index
          %get3A_137 = arith.index_cast %mul3A_134 : i32 to index
          %get3A_138 = tpu.vector_load %arg9[%get3A_136, %get3A_137] {strides = array<i32>} : memref<8x4096xf32, #tpu.memory_space<vmem>>, vector<1x16xf32>,
          %get3A_139 = vector.shape_cast %get3A_138 : vector<1x16xf32> to vector<16xf32>
          %mul3A_140 = vector.broadcast %squeeze3A : f32 to vector<16xf32>
          %mul3A_141 = arith.mulf %mul3A_140, %get3A_139 : vector<16xf32>
          %slice3A_142 = vector.extract_strided_slice %get3A_125 {offsets = [1], sizes = [1], strides = [1]} : vector<16xf32> to vector<1xf32>
          %squeeze3A_143 = vector.extract %slice3A_142[0] : f32 from vector<1xf32>
          %mul3A_144 = arith.constant 16 : i32
          %mul3A_145 = arith.muli %scan3A_132, %mul3A_144 : i32
          %get3A_146 = arith.constant 1 : i32
          %get3A_147 = arith.index_cast %get3A_146 : i32 to index
          %get3A_148 = arith.index_cast %mul3A_145 : i32 to index
          %get3A_149 = tpu.vector_load %arg9[%get3A_147, %get3A_148] {strides = array<i32>} : memref<8x4096xf32, #tpu.memory_space<vmem>>, vector<1x16xf32>,
          %get3A_150 = vector.shape_cast %get3A_149 : vector<1x16xf32> to vector<16xf32>
          %mul3A_151 = vector.broadcast %squeeze3A_143 : f32 to vector<16xf32>
          %mul3A_152 = arith.mulf %mul3A_151, %get3A_150 : vector<16xf32>
          %add3A_153 = arith.addf %mul3A_141, %mul3A_152 : vector<16xf32>
          %slice3A_154 = vector.extract_strided_slice %get3A_125 {offsets = [2], sizes = [1], strides = [1]} : vector<16xf32> to vector<1xf32>
          %squeeze3A_155 = vector.extract %slice3A_154[0] : f32 from vector<1xf32>
          %mul3A_156 = arith.constant 16 : i32
          %mul3A_157 = arith.muli %scan3A_132, %mul3A_156 : i32
          %get3A_158 = arith.constant 2 : i32
          %get3A_159 = arith.index_cast %get3A_158 : i32 to index
          %get3A_160 = arith.index_cast %mul3A_157 : i32 to index
          %get3A_161 = tpu.vector_load %arg9[%get3A_159, %get3A_160] {strides = array<i32>} : memref<8x4096xf32, #tpu.memory_space<vmem>>, vector<1x16xf32>,
          %get3A_162 = vector.shape_cast %get3A_161 : vector<1x16xf32> to vector<16xf32>
          %mul3A_163 = vector.broadcast %squeeze3A_155 : f32 to vector<16xf32>
          %mul3A_164 = arith.mulf %mul3A_163, %get3A_162 : vector<16xf32>
          %add3A_165 = arith.addf %add3A_153, %mul3A_164 : vector<16xf32>
          %slice3A_166 = vector.extract_strided_slice %get3A_125 {offsets = [3], sizes = [1], strides = [1]} : vector<16xf32> to vector<1xf32>
          %squeeze3A_167 = vector.extract %slice3A_166[0] : f32 from vector<1xf32>
          %mul3A_168 = arith.constant 16 : i32
          %mul3A_169 = arith.muli %scan3A_132, %mul3A_168 : i32
          %get3A_170 = arith.constant 3 : i32
          %get3A_171 = arith.index_cast %get3A_170 : i32 to index
          %get3A_172 = arith.index_cast %mul3A_169 : i32 to index
          %get3A_173 = tpu.vector_load %arg9[%get3A_171, %get3A_172] {strides = array<i32>} : memref<8x4096xf32, #tpu.memory_space<vmem>>, vector<1x16xf32>,
          %get3A_174 = vector.shape_cast %get3A_173 : vector<1x16xf32> to vector<16xf32>
          %mul3A_175 = vector.broadcast %squeeze3A_167 : f32 to vector<16xf32>
          %mul3A_176 = arith.mulf %mul3A_175, %get3A_174 : vector<16xf32>
          %add3A_177 = arith.addf %add3A_165, %mul3A_176 : vector<16xf32>
          %slice3A_178 = vector.extract_strided_slice %get3A_125 {offsets = [4], sizes = [1], strides = [1]} : vector<16xf32> to vector<1xf32>
          %squeeze3A_179 = vector.extract %slice3A_178[0] : f32 from vector<1xf32>
          %mul3A_180 = arith.constant 16 : i32
          %mul3A_181 = arith.muli %scan3A_132, %mul3A_180 : i32
          %get3A_182 = arith.constant 4 : i32
          %get3A_183 = arith.index_cast %get3A_182 : i32 to index
          %get3A_184 = arith.index_cast %mul3A_181 : i32 to index
          %get3A_185 = tpu.vector_load %arg9[%get3A_183, %get3A_184] {strides = array<i32>} : memref<8x4096xf32, #tpu.memory_space<vmem>>, vector<1x16xf32>,
          %get3A_186 = vector.shape_cast %get3A_185 : vector<1x16xf32> to vector<16xf32>
          %mul3A_187 = vector.broadcast %squeeze3A_179 : f32 to vector<16xf32>
          %mul3A_188 = arith.mulf %mul3A_187, %get3A_186 : vector<16xf32>
          %add3A_189 = arith.addf %add3A_177, %mul3A_188 : vector<16xf32>
          %slice3A_190 = vector.extract_strided_slice %get3A_125 {offsets = [5], sizes = [1], strides = [1]} : vector<16xf32> to vector<1xf32>
          %squeeze3A_191 = vector.extract %slice3A_190[0] : f32 from vector<1xf32>
          %mul3A_192 = arith.constant 16 : i32
          %mul3A_193 = arith.muli %scan3A_132, %mul3A_192 : i32
          %get3A_194 = arith.constant 5 : i32
          %get3A_195 = arith.index_cast %get3A_194 : i32 to index
          %get3A_196 = arith.index_cast %mul3A_193 : i32 to index
          %get3A_197 = tpu.vector_load %arg9[%get3A_195, %get3A_196] {strides = array<i32>} : memref<8x4096xf32, #tpu.memory_space<vmem>>, vector<1x16xf32>,
          %get3A_198 = vector.shape_cast %get3A_197 : vector<1x16xf32> to vector<16xf32>
          %mul3A_199 = vector.broadcast %squeeze3A_191 : f32 to vector<16xf32>
          %mul3A_200 = arith.mulf %mul3A_199, %get3A_198 : vector<16xf32>
          %add3A_201 = arith.addf %add3A_189, %mul3A_200 : vector<16xf32>
          %slice3A_202 = vector.extract_strided_slice %get3A_125 {offsets = [6], sizes = [1], strides = [1]} : vector<16xf32> to vector<1xf32>
          %squeeze3A_203 = vector.extract %slice3A_202[0] : f32 from vector<1xf32>
          %mul3A_204 = arith.constant 16 : i32
          %mul3A_205 = arith.muli %scan3A_132, %mul3A_204 : i32
          %get3A_206 = arith.constant 6 : i32
          %get3A_207 = arith.index_cast %get3A_206 : i32 to index
          %get3A_208 = arith.index_cast %mul3A_205 : i32 to index
          %get3A_209 = tpu.vector_load %arg9[%get3A_207, %get3A_208] {strides = array<i32>} : memref<8x4096xf32, #tpu.memory_space<vmem>>, vector<1x16xf32>,
          %get3A_210 = vector.shape_cast %get3A_209 : vector<1x16xf32> to vector<16xf32>
          %mul3A_211 = vector.broadcast %squeeze3A_203 : f32 to vector<16xf32>
          %mul3A_212 = arith.mulf %mul3A_211, %get3A_210 : vector<16xf32>
          %add3A_213 = arith.addf %add3A_201, %mul3A_212 : vector<16xf32>
          %slice3A_214 = vector.extract_strided_slice %get3A_125 {offsets = [7], sizes = [1], strides = [1]} : vector<16xf32> to vector<1xf32>
          %squeeze3A_215 = vector.extract %slice3A_214[0] : f32 from vector<1xf32>
          %mul3A_216 = arith.constant 16 : i32
          %mul3A_217 = arith.muli %scan3A_132, %mul3A_216 : i32
          %get3A_218 = arith.constant 7 : i32
          %get3A_219 = arith.index_cast %get3A_218 : i32 to index
          %get3A_220 = arith.index_cast %mul3A_217 : i32 to index
          %get3A_221 = tpu.vector_load %arg9[%get3A_219, %get3A_220] {strides = array<i32>} : memref<8x4096xf32, #tpu.memory_space<vmem>>, vector<1x16xf32>,
          %get3A_222 = vector.shape_cast %get3A_221 : vector<1x16xf32> to vector<16xf32>
          %mul3A_223 = vector.broadcast %squeeze3A_215 : f32 to vector<16xf32>
          %mul3A_224 = arith.mulf %mul3A_223, %get3A_222 : vector<16xf32>
          %add3A_225 = arith.addf %add3A_213, %mul3A_224 : vector<16xf32>
          %mul3A_226 = arith.constant 16 : i32
          %mul3A_227 = arith.muli %scan3A_132, %mul3A_226 : i32
          %swap3A_228 = arith.index_cast %mul3A_227 : i32 to index
          %swap3A_229 = tpu.vector_load %arg10[%swap3A_228] {strides = array<i32>} : memref<4096xf32, #tpu.memory_space<vmem>>, vector<16xf32>,
          %swap3A_230 = vector.shape_cast %swap3A_229 : vector<16xf32> to vector<16xf32>
          %swap3A_231 = vector.shape_cast %add3A_225 : vector<16xf32> to vector<16xf32>
          tpu.vector_store %arg10[%swap3A_228], %swap3A_231 {add = true, strides = array<i32>} : memref<4096xf32, #tpu.memory_space<vmem>>, vector<16xf32>,
        }
        %scan3A_131 = arith.constant 256 : i32
      } else {
      }
    }
    %while3A_79 = arith.constant 1 : i32
    scf.for %while3A_80 = %while3A_77 to %while3A_73 step %while3A_79  : i32 {
      %mul3A_81 = arith.constant 2 : i32
      %mul3A_82 = arith.muli %while3A_80, %mul3A_81 : i32
      %add3A_83 = arith.constant 1 : i32
      %add3A_84 = arith.addi %mul3A_82, %add3A_83 : i32
      %lt3A = arith.cmpi slt, %add3A_84, %select_n3A : i32
      %convert_element_type3A_85 = arith.extui %lt3A : i1 to i32
      %cond3A_86 = arith.constant 0 : i32
      %cond3A_87 = arith.cmpi ne, %convert_element_type3A_85, %cond3A_86 : i32
      scf.if %cond3A_87 {
        %add3A_114 = arith.constant 1 : i32
        %add3A_115 = arith.addi %mul3A_82, %add3A_114 : i32
        %mul3A_116 = arith.constant 8 : i32
        %mul3A_117 = arith.muli %add3A_115, %mul3A_116 : i32
        %dma_start3A = tpu.memref_slice %arg6[%mul3A_117] : memref<1040xi32, #tpu.memory_space<vmem>> -> memref<8xi32, #tpu.memory_space<vmem>>
        %dma_start3A_118 = arith.constant 0 : i32
        %dma_start3A_119 = arith.constant 0 : i32
        %dma_start3A_120 = tpu.memref_slice %arg3[%dma_start3A_118, %dma_start3A_119] : memref<32768x4096xf32, #tpu.memory_space<hbm>> -> memref<32768x4096xf32, #tpu.memory_space<hbm>>
        tpu.enqueue_indirect_dma source(%dma_start3A_120 : memref<32768x4096xf32, #tpu.memory_space<hbm>>) target(%arg9 : memref<8x4096xf32, #tpu.memory_space<vmem>>) offsets(%dma_start3A : memref<8xi32, #tpu.memory_space<vmem>>) semaphore(%arg12 : memref<!tpu.dma_semaphore, #tpu.memory_space<semaphore_mem>>)
      } else {
      }
      %dma_wait3A = arith.constant 0 : i32
      %dma_wait3A_88 = tpu.memref_slice %arg6[%dma_wait3A] : memref<1040xi32, #tpu.memory_space<vmem>> -> memref<8xi32, #tpu.memory_space<vmem>>
      %dma_wait3A_89 = arith.constant 0 : i32
      %dma_wait3A_90 = arith.constant 0 : i32
      %dma_wait3A_91 = tpu.memref_slice %arg3[%dma_wait3A_89, %dma_wait3A_90] : memref<32768x4096xf32, #tpu.memory_space<hbm>> -> memref<32768x4096xf32, #tpu.memory_space<hbm>>
      tpu.wait_indirect_dma semaphore(%arg11 : memref<!tpu.dma_semaphore, #tpu.memory_space<semaphore_mem>>) src(%dma_wait3A_91 : memref<32768x4096xf32, #tpu.memory_space<hbm>>) dst(%arg8 : memref<8x4096xf32, #tpu.memory_space<vmem>>)
      %mul3A_92 = arith.constant 8 : i32
      %mul3A_93 = arith.muli %mul3A_82, %mul3A_92 : i32
      %get3A = arith.index_cast %mul3A_93 : i32 to index
      %get3A_94 = tpu.vector_load %arg7[%get3A] {strides = array<i32>} : memref<1040xf32, #tpu.memory_space<vmem>>, vector<16xf32>,
      %get3A_95 = vector.shape_cast %get3A_94 : vector<16xf32> to vector<16xf32>
      %scan3A_96 = arith.constant 0 : i32
      %scan3A_97 = arith.constant 0 : i32
      %scan3A_98 = arith.constant 256 : i32
      %scan3A_99 = arith.addi %scan3A_97, %scan3A_98 : i32
      %scan3A_100 = arith.constant 1 : i32
      scf.for %scan3A_114 = %scan3A_97 to %scan3A_99 step %scan3A_100  : i32 {
        %slice3A = vector.extract_strided_slice %get3A_95 {offsets = [0], sizes = [1], strides = [1]} : vector<16xf32> to vector<1xf32>
        %squeeze3A = vector.extract %slice3A[0] : f32 from vector<1xf32>
        %mul3A_115 = arith.constant 16 : i32
        %mul3A_116 = arith.muli %scan3A_114, %mul3A_115 : i32
        %get3A_117 = arith.constant 0 : i32
        %get3A_118 = arith.index_cast %get3A_117 : i32 to index
        %get3A_119 = arith.index_cast %mul3A_116 : i32 to index
        %get3A_120 = tpu.vector_load %arg8[%get3A_118, %get3A_119] {strides = array<i32>} : memref<8x4096xf32, #tpu.memory_space<vmem>>, vector<1x16xf32>,
        %get3A_121 = vector.shape_cast %get3A_120 : vector<1x16xf32> to vector<16xf32>
        %mul3A_122 = vector.broadcast %squeeze3A : f32 to vector<16xf32>
        %mul3A_123 = arith.mulf %mul3A_122, %get3A_121 : vector<16xf32>
        %slice3A_124 = vector.extract_strided_slice %get3A_95 {offsets = [1], sizes = [1], strides = [1]} : vector<16xf32> to vector<1xf32>
        %squeeze3A_125 = vector.extract %slice3A_124[0] : f32 from vector<1xf32>
        %mul3A_126 = arith.constant 16 : i32
        %mul3A_127 = arith.muli %scan3A_114, %mul3A_126 : i32
        %get3A_128 = arith.constant 1 : i32
        %get3A_129 = arith.index_cast %get3A_128 : i32 to index
        %get3A_130 = arith.index_cast %mul3A_127 : i32 to index
        %get3A_131 = tpu.vector_load %arg8[%get3A_129, %get3A_130] {strides = array<i32>} : memref<8x4096xf32, #tpu.memory_space<vmem>>, vector<1x16xf32>,
        %get3A_132 = vector.shape_cast %get3A_131 : vector<1x16xf32> to vector<16xf32>
        %mul3A_133 = vector.broadcast %squeeze3A_125 : f32 to vector<16xf32>
        %mul3A_134 = arith.mulf %mul3A_133, %get3A_132 : vector<16xf32>
        %add3A_135 = arith.addf %mul3A_123, %mul3A_134 : vector<16xf32>
        %slice3A_136 = vector.extract_strided_slice %get3A_95 {offsets = [2], sizes = [1], strides = [1]} : vector<16xf32> to vector<1xf32>
        %squeeze3A_137 = vector.extract %slice3A_136[0] : f32 from vector<1xf32>
        %mul3A_138 = arith.constant 16 : i32
        %mul3A_139 = arith.muli %scan3A_114, %mul3A_138 : i32
        %get3A_140 = arith.constant 2 : i32
        %get3A_141 = arith.index_cast %get3A_140 : i32 to index
        %get3A_142 = arith.index_cast %mul3A_139 : i32 to index
        %get3A_143 = tpu.vector_load %arg8[%get3A_141, %get3A_142] {strides = array<i32>} : memref<8x4096xf32, #tpu.memory_space<vmem>>, vector<1x16xf32>,
        %get3A_144 = vector.shape_cast %get3A_143 : vector<1x16xf32> to vector<16xf32>
        %mul3A_145 = vector.broadcast %squeeze3A_137 : f32 to vector<16xf32>
        %mul3A_146 = arith.mulf %mul3A_145, %get3A_144 : vector<16xf32>
        %add3A_147 = arith.addf %add3A_135, %mul3A_146 : vector<16xf32>
        %slice3A_148 = vector.extract_strided_slice %get3A_95 {offsets = [3], sizes = [1], strides = [1]} : vector<16xf32> to vector<1xf32>
        %squeeze3A_149 = vector.extract %slice3A_148[0] : f32 from vector<1xf32>
        %mul3A_150 = arith.constant 16 : i32
        %mul3A_151 = arith.muli %scan3A_114, %mul3A_150 : i32
        %get3A_152 = arith.constant 3 : i32
        %get3A_153 = arith.index_cast %get3A_152 : i32 to index
        %get3A_154 = arith.index_cast %mul3A_151 : i32 to index
        %get3A_155 = tpu.vector_load %arg8[%get3A_153, %get3A_154] {strides = array<i32>} : memref<8x4096xf32, #tpu.memory_space<vmem>>, vector<1x16xf32>,
        %get3A_156 = vector.shape_cast %get3A_155 : vector<1x16xf32> to vector<16xf32>
        %mul3A_157 = vector.broadcast %squeeze3A_149 : f32 to vector<16xf32>
        %mul3A_158 = arith.mulf %mul3A_157, %get3A_156 : vector<16xf32>
        %add3A_159 = arith.addf %add3A_147, %mul3A_158 : vector<16xf32>
        %slice3A_160 = vector.extract_strided_slice %get3A_95 {offsets = [4], sizes = [1], strides = [1]} : vector<16xf32> to vector<1xf32>
        %squeeze3A_161 = vector.extract %slice3A_160[0] : f32 from vector<1xf32>
        %mul3A_162 = arith.constant 16 : i32
        %mul3A_163 = arith.muli %scan3A_114, %mul3A_162 : i32
        %get3A_164 = arith.constant 4 : i32
        %get3A_165 = arith.index_cast %get3A_164 : i32 to index
        %get3A_166 = arith.index_cast %mul3A_163 : i32 to index
        %get3A_167 = tpu.vector_load %arg8[%get3A_165, %get3A_166] {strides = array<i32>} : memref<8x4096xf32, #tpu.memory_space<vmem>>, vector<1x16xf32>,
        %get3A_168 = vector.shape_cast %get3A_167 : vector<1x16xf32> to vector<16xf32>
        %mul3A_169 = vector.broadcast %squeeze3A_161 : f32 to vector<16xf32>
        %mul3A_170 = arith.mulf %mul3A_169, %get3A_168 : vector<16xf32>
        %add3A_171 = arith.addf %add3A_159, %mul3A_170 : vector<16xf32>
        %slice3A_172 = vector.extract_strided_slice %get3A_95 {offsets = [5], sizes = [1], strides = [1]} : vector<16xf32> to vector<1xf32>
        %squeeze3A_173 = vector.extract %slice3A_172[0] : f32 from vector<1xf32>
        %mul3A_174 = arith.constant 16 : i32
        %mul3A_175 = arith.muli %scan3A_114, %mul3A_174 : i32
        %get3A_176 = arith.constant 5 : i32
        %get3A_177 = arith.index_cast %get3A_176 : i32 to index
        %get3A_178 = arith.index_cast %mul3A_175 : i32 to index
        %get3A_179 = tpu.vector_load %arg8[%get3A_177, %get3A_178] {strides = array<i32>} : memref<8x4096xf32, #tpu.memory_space<vmem>>, vector<1x16xf32>,
        %get3A_180 = vector.shape_cast %get3A_179 : vector<1x16xf32> to vector<16xf32>
        %mul3A_181 = vector.broadcast %squeeze3A_173 : f32 to vector<16xf32>
        %mul3A_182 = arith.mulf %mul3A_181, %get3A_180 : vector<16xf32>
        %add3A_183 = arith.addf %add3A_171, %mul3A_182 : vector<16xf32>
        %slice3A_184 = vector.extract_strided_slice %get3A_95 {offsets = [6], sizes = [1], strides = [1]} : vector<16xf32> to vector<1xf32>
        %squeeze3A_185 = vector.extract %slice3A_184[0] : f32 from vector<1xf32>
        %mul3A_186 = arith.constant 16 : i32
        %mul3A_187 = arith.muli %scan3A_114, %mul3A_186 : i32
        %get3A_188 = arith.constant 6 : i32
        %get3A_189 = arith.index_cast %get3A_188 : i32 to index
        %get3A_190 = arith.index_cast %mul3A_187 : i32 to index
        %get3A_191 = tpu.vector_load %arg8[%get3A_189, %get3A_190] {strides = array<i32>} : memref<8x4096xf32, #tpu.memory_space<vmem>>, vector<1x16xf32>,
        %get3A_192 = vector.shape_cast %get3A_191 : vector<1x16xf32> to vector<16xf32>
        %mul3A_193 = vector.broadcast %squeeze3A_185 : f32 to vector<16xf32>
        %mul3A_194 = arith.mulf %mul3A_193, %get3A_192 : vector<16xf32>
        %add3A_195 = arith.addf %add3A_183, %mul3A_194 : vector<16xf32>
        %slice3A_196 = vector.extract_strided_slice %get3A_95 {offsets = [7], sizes = [1], strides = [1]} : vector<16xf32> to vector<1xf32>
        %squeeze3A_197 = vector.extract %slice3A_196[0] : f32 from vector<1xf32>
        %mul3A_198 = arith.constant 16 : i32
        %mul3A_199 = arith.muli %scan3A_114, %mul3A_198 : i32
        %get3A_200 = arith.constant 7 : i32
        %get3A_201 = arith.index_cast %get3A_200 : i32 to index
        %get3A_202 = arith.index_cast %mul3A_199 : i32 to index
        %get3A_203 = tpu.vector_load %arg8[%get3A_201, %get3A_202] {strides = array<i32>} : memref<8x4096xf32, #tpu.memory_space<vmem>>, vector<1x16xf32>,
        %get3A_204 = vector.shape_cast %get3A_203 : vector<1x16xf32> to vector<16xf32>
        %mul3A_205 = vector.broadcast %squeeze3A_197 : f32 to vector<16xf32>
        %mul3A_206 = arith.mulf %mul3A_205, %get3A_204 : vector<16xf32>
        %add3A_207 = arith.addf %add3A_195, %mul3A_206 : vector<16xf32>
        %mul3A_208 = arith.constant 16 : i32
        %mul3A_209 = arith.muli %scan3A_114, %mul3A_208 : i32
        %swap3A_210 = arith.index_cast %mul3A_209 : i32 to index
        %swap3A_211 = tpu.vector_load %arg10[%swap3A_210] {strides = array<i32>} : memref<4096xf32, #tpu.memory_space<vmem>>, vector<16xf32>,
        %swap3A_212 = vector.shape_cast %swap3A_211 : vector<16xf32> to vector<16xf32>
        %swap3A_213 = vector.shape_cast %add3A_207 : vector<16xf32> to vector<16xf32>
        tpu.vector_store %arg10[%swap3A_210], %swap3A_213 {add = true, strides = array<i32>} : memref<4096xf32, #tpu.memory_space<vmem>>, vector<16xf32>,
      }
      %scan3A_101 = arith.constant 256 : i32
      %add3A_102 = arith.constant 2 : i32
      %add3A_103 = arith.addi %mul3A_82, %add3A_102 : i32
      %lt3A_104 = arith.cmpi slt, %add3A_103, %select_n3A : i32
      %convert_element_type3A_105 = arith.extui %lt3A_104 : i1 to i32
      %cond3A_106 = arith.constant 0 : i32
      %cond3A_107 = arith.cmpi ne, %convert_element_type3A_105, %cond3A_106 : i32
      scf.if %cond3A_107 {
        %add3A_114 = arith.constant 2 : i32
        %add3A_115 = arith.addi %mul3A_82, %add3A_114 : i32
        %mul3A_116 = arith.constant 8 : i32
        %mul3A_117 = arith.muli %add3A_115, %mul3A_116 : i32
        %dma_start3A = tpu.memref_slice %arg6[%mul3A_117] : memref<1040xi32, #tpu.memory_space<vmem>> -> memref<8xi32, #tpu.memory_space<vmem>>
        %dma_start3A_118 = arith.constant 0 : i32
        %dma_start3A_119 = arith.constant 0 : i32
        %dma_start3A_120 = tpu.memref_slice %arg3[%dma_start3A_118, %dma_start3A_119] : memref<32768x4096xf32, #tpu.memory_space<hbm>> -> memref<32768x4096xf32, #tpu.memory_space<hbm>>
        tpu.enqueue_indirect_dma source(%dma_start3A_120 : memref<32768x4096xf32, #tpu.memory_space<hbm>>) target(%arg8 : memref<8x4096xf32, #tpu.memory_space<vmem>>) offsets(%dma_start3A : memref<8xi32, #tpu.memory_space<vmem>>) semaphore(%arg11 : memref<!tpu.dma_semaphore, #tpu.memory_space<semaphore_mem>>)
      } else {
      }
      %add3A_108 = arith.constant 1 : i32
      %add3A_109 = arith.addi %mul3A_82, %add3A_108 : i32
      %lt3A_110 = arith.cmpi slt, %add3A_109, %select_n3A : i32
      %convert_element_type3A_111 = arith.extui %lt3A_110 : i1 to i32
      %cond3A_112 = arith.constant 0 : i32
      %cond3A_113 = arith.cmpi ne, %convert_element_type3A_111, %cond3A_112 : i32
      scf.if %cond3A_113 {
        %dma_wait3A_114 = arith.constant 0 : i32
        %dma_wait3A_115 = tpu.memref_slice %arg6[%dma_wait3A_114] : memref<1040xi32, #tpu.memory_space<vmem>> -> memref<8xi32, #tpu.memory_space<vmem>>
        %dma_wait3A_116 = arith.constant 0 : i32
        %dma_wait3A_117 = arith.constant 0 : i32
        %dma_wait3A_118 = tpu.memref_slice %arg3[%dma_wait3A_116, %dma_wait3A_117] : memref<32768x4096xf32, #tpu.memory_space<hbm>> -> memref<32768x4096xf32, #tpu.memory_space<hbm>>
        tpu.wait_indirect_dma semaphore(%arg12 : memref<!tpu.dma_semaphore, #tpu.memory_space<semaphore_mem>>) src(%dma_wait3A_118 : memref<32768x4096xf32, #tpu.memory_space<hbm>>) dst(%arg9 : memref<8x4096xf32, #tpu.memory_space<vmem>>)
        %add3A_119 = arith.constant 1 : i32
        %add3A_120 = arith.addi %mul3A_82, %add3A_119 : i32
        %mul3A_121 = arith.constant 8 : i32
        %mul3A_122 = arith.muli %add3A_120, %mul3A_121 : i32
        %get3A_123 = arith.index_cast %mul3A_122 : i32 to index
        %get3A_124 = tpu.vector_load %arg7[%get3A_123] {strides = array<i32>} : memref<1040xf32, #tpu.memory_space<vmem>>, vector<16xf32>,
        %get3A_125 = vector.shape_cast %get3A_124 : vector<16xf32> to vector<16xf32>
        %scan3A_126 = arith.constant 0 : i32
        %scan3A_127 = arith.constant 0 : i32
        %scan3A_128 = arith.constant 256 : i32
        %scan3A_129 = arith.addi %scan3A_127, %scan3A_128 : i32
        %scan3A_130 = arith.constant 1 : i32
        scf.for %scan3A_132 = %scan3A_127 to %scan3A_129 step %scan3A_130  : i32 {
          %slice3A = vector.extract_strided_slice %get3A_125 {offsets = [0], sizes = [1], strides = [1]} : vector<16xf32> to vector<1xf32>
          %squeeze3A = vector.extract %slice3A[0] : f32 from vector<1xf32>
          %mul3A_133 = arith.constant 16 : i32
          %mul3A_134 = arith.muli %scan3A_132, %mul3A_133 : i32
          %get3A_135 = arith.constant 0 : i32
          %get3A_136 = arith.index_cast %get3A_135 : i32 to index
          %get3A_137 = arith.index_cast %mul3A_134 : i32 to index
          %get3A_138 = tpu.vector_load %arg9[%get3A_136, %get3A_137] {strides = array<i32>} : memref<8x4096xf32, #tpu.memory_space<vmem>>, vector<1x16xf32>,
          %get3A_139 = vector.shape_cast %get3A_138 : vector<1x16xf32> to vector<16xf32>
          %mul3A_140 = vector.broadcast %squeeze3A : f32 to vector<16xf32>
          %mul3A_141 = arith.mulf %mul3A_140, %get3A_139 : vector<16xf32>
          %slice3A_142 = vector.extract_strided_slice %get3A_125 {offsets = [1], sizes = [1], strides = [1]} : vector<16xf32> to vector<1xf32>
          %squeeze3A_143 = vector.extract %slice3A_142[0] : f32 from vector<1xf32>
          %mul3A_144 = arith.constant 16 : i32
          %mul3A_145 = arith.muli %scan3A_132, %mul3A_144 : i32
          %get3A_146 = arith.constant 1 : i32
          %get3A_147 = arith.index_cast %get3A_146 : i32 to index
          %get3A_148 = arith.index_cast %mul3A_145 : i32 to index
          %get3A_149 = tpu.vector_load %arg9[%get3A_147, %get3A_148] {strides = array<i32>} : memref<8x4096xf32, #tpu.memory_space<vmem>>, vector<1x16xf32>,
          %get3A_150 = vector.shape_cast %get3A_149 : vector<1x16xf32> to vector<16xf32>
          %mul3A_151 = vector.broadcast %squeeze3A_143 : f32 to vector<16xf32>
          %mul3A_152 = arith.mulf %mul3A_151, %get3A_150 : vector<16xf32>
          %add3A_153 = arith.addf %mul3A_141, %mul3A_152 : vector<16xf32>
          %slice3A_154 = vector.extract_strided_slice %get3A_125 {offsets = [2], sizes = [1], strides = [1]} : vector<16xf32> to vector<1xf32>
          %squeeze3A_155 = vector.extract %slice3A_154[0] : f32 from vector<1xf32>
          %mul3A_156 = arith.constant 16 : i32
          %mul3A_157 = arith.muli %scan3A_132, %mul3A_156 : i32
          %get3A_158 = arith.constant 2 : i32
          %get3A_159 = arith.index_cast %get3A_158 : i32 to index
          %get3A_160 = arith.index_cast %mul3A_157 : i32 to index
          %get3A_161 = tpu.vector_load %arg9[%get3A_159, %get3A_160] {strides = array<i32>} : memref<8x4096xf32, #tpu.memory_space<vmem>>, vector<1x16xf32>,
          %get3A_162 = vector.shape_cast %get3A_161 : vector<1x16xf32> to vector<16xf32>
          %mul3A_163 = vector.broadcast %squeeze3A_155 : f32 to vector<16xf32>
          %mul3A_164 = arith.mulf %mul3A_163, %get3A_162 : vector<16xf32>
          %add3A_165 = arith.addf %add3A_153, %mul3A_164 : vector<16xf32>
          %slice3A_166 = vector.extract_strided_slice %get3A_125 {offsets = [3], sizes = [1], strides = [1]} : vector<16xf32> to vector<1xf32>
          %squeeze3A_167 = vector.extract %slice3A_166[0] : f32 from vector<1xf32>
          %mul3A_168 = arith.constant 16 : i32
          %mul3A_169 = arith.muli %scan3A_132, %mul3A_168 : i32
          %get3A_170 = arith.constant 3 : i32
          %get3A_171 = arith.index_cast %get3A_170 : i32 to index
          %get3A_172 = arith.index_cast %mul3A_169 : i32 to index
          %get3A_173 = tpu.vector_load %arg9[%get3A_171, %get3A_172] {strides = array<i32>} : memref<8x4096xf32, #tpu.memory_space<vmem>>, vector<1x16xf32>,
          %get3A_174 = vector.shape_cast %get3A_173 : vector<1x16xf32> to vector<16xf32>
          %mul3A_175 = vector.broadcast %squeeze3A_167 : f32 to vector<16xf32>
          %mul3A_176 = arith.mulf %mul3A_175, %get3A_174 : vector<16xf32>
          %add3A_177 = arith.addf %add3A_165, %mul3A_176 : vector<16xf32>
          %slice3A_178 = vector.extract_strided_slice %get3A_125 {offsets = [4], sizes = [1], strides = [1]} : vector<16xf32> to vector<1xf32>
          %squeeze3A_179 = vector.extract %slice3A_178[0] : f32 from vector<1xf32>
          %mul3A_180 = arith.constant 16 : i32
          %mul3A_181 = arith.muli %scan3A_132, %mul3A_180 : i32
          %get3A_182 = arith.constant 4 : i32
          %get3A_183 = arith.index_cast %get3A_182 : i32 to index
          %get3A_184 = arith.index_cast %mul3A_181 : i32 to index
          %get3A_185 = tpu.vector_load %arg9[%get3A_183, %get3A_184] {strides = array<i32>} : memref<8x4096xf32, #tpu.memory_space<vmem>>, vector<1x16xf32>,
          %get3A_186 = vector.shape_cast %get3A_185 : vector<1x16xf32> to vector<16xf32>
          %mul3A_187 = vector.broadcast %squeeze3A_179 : f32 to vector<16xf32>
          %mul3A_188 = arith.mulf %mul3A_187, %get3A_186 : vector<16xf32>
          %add3A_189 = arith.addf %add3A_177, %mul3A_188 : vector<16xf32>
          %slice3A_190 = vector.extract_strided_slice %get3A_125 {offsets = [5], sizes = [1], strides = [1]} : vector<16xf32> to vector<1xf32>
          %squeeze3A_191 = vector.extract %slice3A_190[0] : f32 from vector<1xf32>
          %mul3A_192 = arith.constant 16 : i32
          %mul3A_193 = arith.muli %scan3A_132, %mul3A_192 : i32
          %get3A_194 = arith.constant 5 : i32
          %get3A_195 = arith.index_cast %get3A_194 : i32 to index
          %get3A_196 = arith.index_cast %mul3A_193 : i32 to index
          %get3A_197 = tpu.vector_load %arg9[%get3A_195, %get3A_196] {strides = array<i32>} : memref<8x4096xf32, #tpu.memory_space<vmem>>, vector<1x16xf32>,
          %get3A_198 = vector.shape_cast %get3A_197 : vector<1x16xf32> to vector<16xf32>
          %mul3A_199 = vector.broadcast %squeeze3A_191 : f32 to vector<16xf32>
          %mul3A_200 = arith.mulf %mul3A_199, %get3A_198 : vector<16xf32>
          %add3A_201 = arith.addf %add3A_189, %mul3A_200 : vector<16xf32>
          %slice3A_202 = vector.extract_strided_slice %get3A_125 {offsets = [6], sizes = [1], strides = [1]} : vector<16xf32> to vector<1xf32>
          %squeeze3A_203 = vector.extract %slice3A_202[0] : f32 from vector<1xf32>
          %mul3A_204 = arith.constant 16 : i32
          %mul3A_205 = arith.muli %scan3A_132, %mul3A_204 : i32
          %get3A_206 = arith.constant 6 : i32
          %get3A_207 = arith.index_cast %get3A_206 : i32 to index
          %get3A_208 = arith.index_cast %mul3A_205 : i32 to index
          %get3A_209 = tpu.vector_load %arg9[%get3A_207, %get3A_208] {strides = array<i32>} : memref<8x4096xf32, #tpu.memory_space<vmem>>, vector<1x16xf32>,
          %get3A_210 = vector.shape_cast %get3A_209 : vector<1x16xf32> to vector<16xf32>
          %mul3A_211 = vector.broadcast %squeeze3A_203 : f32 to vector<16xf32>
          %mul3A_212 = arith.mulf %mul3A_211, %get3A_210 : vector<16xf32>
          %add3A_213 = arith.addf %add3A_201, %mul3A_212 : vector<16xf32>
          %slice3A_214 = vector.extract_strided_slice %get3A_125 {offsets = [7], sizes = [1], strides = [1]} : vector<16xf32> to vector<1xf32>
          %squeeze3A_215 = vector.extract %slice3A_214[0] : f32 from vector<1xf32>
          %mul3A_216 = arith.constant 16 : i32
          %mul3A_217 = arith.muli %scan3A_132, %mul3A_216 : i32
          %get3A_218 = arith.constant 7 : i32
          %get3A_219 = arith.index_cast %get3A_218 : i32 to index
          %get3A_220 = arith.index_cast %mul3A_217 : i32 to index
          %get3A_221 = tpu.vector_load %arg9[%get3A_219, %get3A_220] {strides = array<i32>} : memref<8x4096xf32, #tpu.memory_space<vmem>>, vector<1x16xf32>,
          %get3A_222 = vector.shape_cast %get3A_221 : vector<1x16xf32> to vector<16xf32>
          %mul3A_223 = vector.broadcast %squeeze3A_215 : f32 to vector<16xf32>
          %mul3A_224 = arith.mulf %mul3A_223, %get3A_222 : vector<16xf32>
          %add3A_225 = arith.addf %add3A_213, %mul3A_224 : vector<16xf32>
          %mul3A_226 = arith.constant 16 : i32
          %mul3A_227 = arith.muli %scan3A_132, %mul3A_226 : i32
          %swap3A_228 = arith.index_cast %mul3A_227 : i32 to index
          %swap3A_229 = tpu.vector_load %arg10[%swap3A_228] {strides = array<i32>} : memref<4096xf32, #tpu.memory_space<vmem>>, vector<16xf32>,
          %swap3A_230 = vector.shape_cast %swap3A_229 : vector<16xf32> to vector<16xf32>
          %swap3A_231 = vector.shape_cast %add3A_225 : vector<16xf32> to vector<16xf32>
          tpu.vector_store %arg10[%swap3A_228], %swap3A_231 {add = true, strides = array<i32>} : memref<4096xf32, #tpu.memory_space<vmem>>, vector<16xf32>,
        }
        %scan3A_131 = arith.constant 256 : i32
      } else {
      }
    }
    "tpu.region"() ({
      %run_scoped3A = tpu.sem_alloc : memref<!tpu.dma_semaphore, #tpu.memory_space<semaphore_mem>>
      %dma_start3A = arith.constant 0 : i32
      %dma_start3A_80 = tpu.memref_slice %arg4[%add3A, %dma_start3A] : memref<32x4096xf32, #tpu.memory_space<hbm>> -> memref<1x4096xf32, #tpu.memory_space<hbm>>
      %dma_start3A_81 = tpu.memref_squeeze %dma_start3A_80 : memref<1x4096xf32, #tpu.memory_space<hbm>> -> memref<4096xf32, #tpu.memory_space<hbm>>
      %dma_start3A_82 = arith.constant 0 : i32
      %dma_start3A_83 = tpu.memref_slice %arg4[%add3A, %dma_start3A_82] : memref<32x4096xf32, #tpu.memory_space<hbm>> -> memref<1x4096xf32, #tpu.memory_space<hbm>>
      %dma_start3A_84 = tpu.memref_squeeze %dma_start3A_83 : memref<1x4096xf32, #tpu.memory_space<hbm>> -> memref<4096xf32, #tpu.memory_space<hbm>>
      tpu.enqueue_dma source(%arg10 : memref<4096xf32, #tpu.memory_space<vmem>>) target(%dma_start3A_84 : memref<4096xf32, #tpu.memory_space<hbm>>) target_semaphore(%run_scoped3A : memref<!tpu.dma_semaphore, #tpu.memory_space<semaphore_mem>>)
      %dma_wait3A = arith.constant 0 : i32
      %dma_wait3A_85 = tpu.memref_slice %arg4[%add3A, %dma_wait3A] : memref<32x4096xf32, #tpu.memory_space<hbm>> -> memref<1x4096xf32, #tpu.memory_space<hbm>>
      %dma_wait3A_86 = tpu.memref_squeeze %dma_wait3A_85 : memref<1x4096xf32, #tpu.memory_space<hbm>> -> memref<4096xf32, #tpu.memory_space<hbm>>
      %dma_wait3A_87 = arith.constant 0 : i32
      %dma_wait3A_88 = tpu.memref_slice %arg4[%add3A, %dma_wait3A_87] : memref<32x4096xf32, #tpu.memory_space<hbm>> -> memref<1x4096xf32, #tpu.memory_space<hbm>>
      %dma_wait3A_89 = tpu.memref_squeeze %dma_wait3A_88 : memref<1x4096xf32, #tpu.memory_space<hbm>> -> memref<4096xf32, #tpu.memory_space<hbm>>
      tpu.wait_dma2 semaphore(%run_scoped3A : memref<!tpu.dma_semaphore, #tpu.memory_space<semaphore_mem>>) src(%arg10 : memref<4096xf32, #tpu.memory_space<vmem>>) dst(%dma_wait3A_89 : memref<4096xf32, #tpu.memory_space<hbm>>)
      tpu.yield
    }) : () -> ()
    return
  }
}

module attributes {stable_mosaic.version = 14 : i64} {
  func.func @_matvec_body(%arg0: i32, %arg1: memref<1024x4096xf32, #tpu.memory_space<vmem>>, %arg2: memref<4096x1xf32, #tpu.memory_space<vmem>>, %arg3: memref<1024x1xf32, #tpu.memory_space<vmem>>) attributes {dimension_semantics = [#tpu.dimension_semantics<arbitrary>], iteration_bounds = array<i64: 32>, scalar_prefetch = 0 : i64, scratch_operands = 0 : i64, tpu.core_type = #tpu.core_type<tc>, window_params = [{transform_indices = @transform_0, window_bounds = array<i64: 1024, 4096>}, {pipeline_mode = #tpu.pipeline_mode<synchronous>, transform_indices = @transform_1, window_bounds = array<i64: 4096, 1>}, {transform_indices = @transform_2, window_bounds = array<i64: 1024, 1>}]} {
    %get3A = arith.constant 0 : index
    %get3A_0 = arith.constant 0 : index
    %get3A_1 = vector.load %arg1[%get3A, %get3A_0] : memref<1024x4096xf32, #tpu.memory_space<vmem>>, vector<1024x4096xf32>
    %get3A_2 = arith.constant 0 : index
    %get3A_3 = arith.constant 0 : index
    %get3A_4 = vector.load %arg2[%get3A_2, %get3A_3] : memref<4096x1xf32, #tpu.memory_space<vmem>>, vector<4096x1xf32>
    %dot_general3A = arith.constant dense<0.000000e+00> : vector<1024x1xf32>
    %dot_general3A_5 = tpu.matmul %get3A_1, %get3A_4, %dot_general3A {dimension_numbers = #tpu.dot_dimension_numbers<[1], [0], [0], [1], [0, 0, 1, 1], [], []>, transpose_lhs_hint = false} : vector<1024x4096xf32>, vector<4096x1xf32>, vector<1024x1xf32> -> vector<1024x1xf32>
    %swap3A = arith.constant 0 : index
    %swap3A_6 = arith.constant 0 : index
    %swap3A_7 = vector.load %arg3[%swap3A, %swap3A_6] : memref<1024x1xf32, #tpu.memory_space<vmem>>, vector<1024x1xf32>
    tpu.vector_store %arg3[%swap3A, %swap3A_6], %dot_general3A_5 {strides = array<i32>} : memref<1024x1xf32, #tpu.memory_space<vmem>>, vector<1024x1xf32>,
    return
  }
  func.func @transform_0(%arg0: i32) -> (i32, i32) {
    %c0_i32 = arith.constant 0 : i32
    %c0_i32_0 = arith.constant 0 : i32
    return %arg0, %c0_i32 : i32, i32
  }
  func.func @transform_1(%arg0: i32) -> (i32, i32) {
    %c0_i32 = arith.constant 0 : i32
    %c0_i32_0 = arith.constant 0 : i32
    %c0_i32_1 = arith.constant 0 : i32
    return %c0_i32, %c0_i32_0 : i32, i32
  }
  func.func @transform_2(%arg0: i32) -> (i32, i32) {
    %c0_i32 = arith.constant 0 : i32
    %c0_i32_0 = arith.constant 0 : i32
    return %arg0, %c0_i32 : i32, i32
  }
}

module attributes {stable_mosaic.version = 14 : i64} {
  func.func @_reduce_body(%arg0: memref<32x4096xf32, #tpu.memory_space<vmem>>, %arg1: memref<1x4096xf32, #tpu.memory_space<vmem>>) attributes {dimension_semantics = [], scalar_prefetch = 0 : i64, scratch_operands = 0 : i64, tpu.core_type = #tpu.core_type<tc>} {
    %get3A = arith.constant 0 : index
    %get3A_0 = arith.constant 0 : index
    %get3A_1 = vector.load %arg0[%get3A, %get3A_0] : memref<32x4096xf32, #tpu.memory_space<vmem>>, vector<32x4096xf32>
    %reduce_sum3A = arith.constant dense<0.000000e+00> : vector<4096xf32>
    %reduce_sum3A_2 = vector.multi_reduction <add>, %get3A_1, %reduce_sum3A [0] : vector<32x4096xf32> to vector<4096xf32>
    %broadcast_in_dim3A = vector.shape_cast %reduce_sum3A_2 : vector<4096xf32> to vector<1x4096xf32>
    %swap3A = arith.constant 0 : index
    %swap3A_3 = arith.constant 0 : index
    %swap3A_4 = vector.load %arg1[%swap3A, %swap3A_3] : memref<1x4096xf32, #tpu.memory_space<vmem>>, vector<1x4096xf32>
    tpu.vector_store %arg1[%swap3A, %swap3A_3], %broadcast_in_dim3A {strides = array<i32>} : memref<1x4096xf32, #tpu.memory_space<vmem>>, vector<1x4096xf32>,
    return
  }
}

module attributes {stable_mosaic.version = 14 : i64} {
  func.func @_weights_body(%arg0: memref<256x128xf32, #tpu.memory_space<vmem>>, %arg1: memref<32x128xf32, #tpu.memory_space<vmem>>, %arg2: memref<256x128xf32, #tpu.memory_space<vmem>>) attributes {dimension_semantics = [], scalar_prefetch = 0 : i64, scratch_operands = 0 : i64, tpu.core_type = #tpu.core_type<tc>} {
    %get3A = arith.constant 0 : index
    %get3A_0 = arith.constant 0 : index
    %get3A_1 = vector.load %arg0[%get3A, %get3A_0] : memref<256x128xf32, #tpu.memory_space<vmem>>, vector<256x128xf32>
    %bitcast_convert_type3A = tpu.bitcast %get3A_1 : vector<256x128xf32> -> vector<256x128xi32>
    %shift_right_arithmetic3A = arith.constant 31 : i32
    %shift_right_arithmetic3A_2 = vector.broadcast %shift_right_arithmetic3A : i32 to vector<256x128xi32>
    %shift_right_arithmetic3A_3 = arith.shrsi %bitcast_convert_type3A, %shift_right_arithmetic3A_2 : vector<256x128xi32>
    %shift_right_logical3A = arith.constant 1 : i32
    %shift_right_logical3A_4 = vector.broadcast %shift_right_logical3A : i32 to vector<256x128xi32>
    %shift_right_logical3A_5 = arith.shrui %shift_right_arithmetic3A_3, %shift_right_logical3A_4 : vector<256x128xi32>
    %xor3A = arith.xori %bitcast_convert_type3A, %shift_right_logical3A_5 : vector<256x128xi32>
    %or3A = arith.constant 0 : i32
    %or3A_6 = arith.constant -2147483648 : i32
    %or3A_7 = arith.ori %or3A, %or3A_6 : i32
    %xor3A_8 = arith.constant -2147483648 : i32
    %xor3A_9 = arith.xori %or3A_7, %xor3A_8 : i32
    %ge3A = vector.broadcast %xor3A_9 : i32 to vector<256x128xi32>
    %ge3A_10 = arith.cmpi sge, %xor3A, %ge3A : vector<256x128xi32>
    %convert_element_type3A = arith.extui %ge3A_10 : vector<256x128xi1> to vector<256x128xi32>
    %reduce_sum3A = vector.shape_cast %convert_element_type3A : vector<256x128xi32> to vector<1x256x128xi32>
    %reduce_sum3A_11 = arith.constant dense<0> : vector<1xi32>
    %reduce_sum3A_12 = vector.multi_reduction <add>, %reduce_sum3A, %reduce_sum3A_11 [1, 2] : vector<1x256x128xi32> to vector<1xi32>
    %reduce_sum3A_13 = vector.shape_cast %reduce_sum3A_12 : vector<1xi32> to vector<1x1x1xi32>
    %reduce_sum3A_14 = vector.extract %reduce_sum3A_13[0, 0, 0] : i32 from vector<1x1x1xi32>
    %ge3A_15 = arith.constant 2048 : i32
    %ge3A_16 = arith.cmpi sge, %reduce_sum3A_14, %ge3A_15 : i32
    %jit3A = arith.constant 0 : i32
    %select_n3A = arith.select %ge3A_16, %or3A_7, %jit3A : i32
    %or3A_17 = arith.constant 1073741824 : i32
    %or3A_18 = arith.ori %select_n3A, %or3A_17 : i32
    %xor3A_19 = arith.constant -2147483648 : i32
    %xor3A_20 = arith.xori %or3A_18, %xor3A_19 : i32
    %ge3A_21 = vector.broadcast %xor3A_20 : i32 to vector<256x128xi32>
    %ge3A_22 = arith.cmpi sge, %xor3A, %ge3A_21 : vector<256x128xi32>
    %convert_element_type3A_23 = arith.extui %ge3A_22 : vector<256x128xi1> to vector<256x128xi32>
    %reduce_sum3A_24 = vector.shape_cast %convert_element_type3A_23 : vector<256x128xi32> to vector<1x256x128xi32>
    %reduce_sum3A_25 = arith.constant dense<0> : vector<1xi32>
    %reduce_sum3A_26 = vector.multi_reduction <add>, %reduce_sum3A_24, %reduce_sum3A_25 [1, 2] : vector<1x256x128xi32> to vector<1xi32>
    %reduce_sum3A_27 = vector.shape_cast %reduce_sum3A_26 : vector<1xi32> to vector<1x1x1xi32>
    %reduce_sum3A_28 = vector.extract %reduce_sum3A_27[0, 0, 0] : i32 from vector<1x1x1xi32>
    %ge3A_29 = arith.constant 2048 : i32
    %ge3A_30 = arith.cmpi sge, %reduce_sum3A_28, %ge3A_29 : i32
    %select_n3A_31 = arith.select %ge3A_30, %or3A_18, %select_n3A : i32
    %or3A_32 = arith.constant 536870912 : i32
    %or3A_33 = arith.ori %select_n3A_31, %or3A_32 : i32
    %xor3A_34 = arith.constant -2147483648 : i32
    %xor3A_35 = arith.xori %or3A_33, %xor3A_34 : i32
    %ge3A_36 = vector.broadcast %xor3A_35 : i32 to vector<256x128xi32>
    %ge3A_37 = arith.cmpi sge, %xor3A, %ge3A_36 : vector<256x128xi32>
    %convert_element_type3A_38 = arith.extui %ge3A_37 : vector<256x128xi1> to vector<256x128xi32>
    %reduce_sum3A_39 = vector.shape_cast %convert_element_type3A_38 : vector<256x128xi32> to vector<1x256x128xi32>
    %reduce_sum3A_40 = arith.constant dense<0> : vector<1xi32>
    %reduce_sum3A_41 = vector.multi_reduction <add>, %reduce_sum3A_39, %reduce_sum3A_40 [1, 2] : vector<1x256x128xi32> to vector<1xi32>
    %reduce_sum3A_42 = vector.shape_cast %reduce_sum3A_41 : vector<1xi32> to vector<1x1x1xi32>
    %reduce_sum3A_43 = vector.extract %reduce_sum3A_42[0, 0, 0] : i32 from vector<1x1x1xi32>
    %ge3A_44 = arith.constant 2048 : i32
    %ge3A_45 = arith.cmpi sge, %reduce_sum3A_43, %ge3A_44 : i32
    %select_n3A_46 = arith.select %ge3A_45, %or3A_33, %select_n3A_31 : i32
    %or3A_47 = arith.constant 268435456 : i32
    %or3A_48 = arith.ori %select_n3A_46, %or3A_47 : i32
    %xor3A_49 = arith.constant -2147483648 : i32
    %xor3A_50 = arith.xori %or3A_48, %xor3A_49 : i32
    %ge3A_51 = vector.broadcast %xor3A_50 : i32 to vector<256x128xi32>
    %ge3A_52 = arith.cmpi sge, %xor3A, %ge3A_51 : vector<256x128xi32>
    %convert_element_type3A_53 = arith.extui %ge3A_52 : vector<256x128xi1> to vector<256x128xi32>
    %reduce_sum3A_54 = vector.shape_cast %convert_element_type3A_53 : vector<256x128xi32> to vector<1x256x128xi32>
    %reduce_sum3A_55 = arith.constant dense<0> : vector<1xi32>
    %reduce_sum3A_56 = vector.multi_reduction <add>, %reduce_sum3A_54, %reduce_sum3A_55 [1, 2] : vector<1x256x128xi32> to vector<1xi32>
    %reduce_sum3A_57 = vector.shape_cast %reduce_sum3A_56 : vector<1xi32> to vector<1x1x1xi32>
    %reduce_sum3A_58 = vector.extract %reduce_sum3A_57[0, 0, 0] : i32 from vector<1x1x1xi32>
    %ge3A_59 = arith.constant 2048 : i32
    %ge3A_60 = arith.cmpi sge, %reduce_sum3A_58, %ge3A_59 : i32
    %select_n3A_61 = arith.select %ge3A_60, %or3A_48, %select_n3A_46 : i32
    %or3A_62 = arith.constant 134217728 : i32
    %or3A_63 = arith.ori %select_n3A_61, %or3A_62 : i32
    %xor3A_64 = arith.constant -2147483648 : i32
    %xor3A_65 = arith.xori %or3A_63, %xor3A_64 : i32
    %ge3A_66 = vector.broadcast %xor3A_65 : i32 to vector<256x128xi32>
    %ge3A_67 = arith.cmpi sge, %xor3A, %ge3A_66 : vector<256x128xi32>
    %convert_element_type3A_68 = arith.extui %ge3A_67 : vector<256x128xi1> to vector<256x128xi32>
    %reduce_sum3A_69 = vector.shape_cast %convert_element_type3A_68 : vector<256x128xi32> to vector<1x256x128xi32>
    %reduce_sum3A_70 = arith.constant dense<0> : vector<1xi32>
    %reduce_sum3A_71 = vector.multi_reduction <add>, %reduce_sum3A_69, %reduce_sum3A_70 [1, 2] : vector<1x256x128xi32> to vector<1xi32>
    %reduce_sum3A_72 = vector.shape_cast %reduce_sum3A_71 : vector<1xi32> to vector<1x1x1xi32>
    %reduce_sum3A_73 = vector.extract %reduce_sum3A_72[0, 0, 0] : i32 from vector<1x1x1xi32>
    %ge3A_74 = arith.constant 2048 : i32
    %ge3A_75 = arith.cmpi sge, %reduce_sum3A_73, %ge3A_74 : i32
    %select_n3A_76 = arith.select %ge3A_75, %or3A_63, %select_n3A_61 : i32
    %or3A_77 = arith.constant 67108864 : i32
    %or3A_78 = arith.ori %select_n3A_76, %or3A_77 : i32
    %xor3A_79 = arith.constant -2147483648 : i32
    %xor3A_80 = arith.xori %or3A_78, %xor3A_79 : i32
    %ge3A_81 = vector.broadcast %xor3A_80 : i32 to vector<256x128xi32>
    %ge3A_82 = arith.cmpi sge, %xor3A, %ge3A_81 : vector<256x128xi32>
    %convert_element_type3A_83 = arith.extui %ge3A_82 : vector<256x128xi1> to vector<256x128xi32>
    %reduce_sum3A_84 = vector.shape_cast %convert_element_type3A_83 : vector<256x128xi32> to vector<1x256x128xi32>
    %reduce_sum3A_85 = arith.constant dense<0> : vector<1xi32>
    %reduce_sum3A_86 = vector.multi_reduction <add>, %reduce_sum3A_84, %reduce_sum3A_85 [1, 2] : vector<1x256x128xi32> to vector<1xi32>
    %reduce_sum3A_87 = vector.shape_cast %reduce_sum3A_86 : vector<1xi32> to vector<1x1x1xi32>
    %reduce_sum3A_88 = vector.extract %reduce_sum3A_87[0, 0, 0] : i32 from vector<1x1x1xi32>
    %ge3A_89 = arith.constant 2048 : i32
    %ge3A_90 = arith.cmpi sge, %reduce_sum3A_88, %ge3A_89 : i32
    %select_n3A_91 = arith.select %ge3A_90, %or3A_78, %select_n3A_76 : i32
    %or3A_92 = arith.constant 33554432 : i32
    %or3A_93 = arith.ori %select_n3A_91, %or3A_92 : i32
    %xor3A_94 = arith.constant -2147483648 : i32
    %xor3A_95 = arith.xori %or3A_93, %xor3A_94 : i32
    %ge3A_96 = vector.broadcast %xor3A_95 : i32 to vector<256x128xi32>
    %ge3A_97 = arith.cmpi sge, %xor3A, %ge3A_96 : vector<256x128xi32>
    %convert_element_type3A_98 = arith.extui %ge3A_97 : vector<256x128xi1> to vector<256x128xi32>
    %reduce_sum3A_99 = vector.shape_cast %convert_element_type3A_98 : vector<256x128xi32> to vector<1x256x128xi32>
    %reduce_sum3A_100 = arith.constant dense<0> : vector<1xi32>
    %reduce_sum3A_101 = vector.multi_reduction <add>, %reduce_sum3A_99, %reduce_sum3A_100 [1, 2] : vector<1x256x128xi32> to vector<1xi32>
    %reduce_sum3A_102 = vector.shape_cast %reduce_sum3A_101 : vector<1xi32> to vector<1x1x1xi32>
    %reduce_sum3A_103 = vector.extract %reduce_sum3A_102[0, 0, 0] : i32 from vector<1x1x1xi32>
    %ge3A_104 = arith.constant 2048 : i32
    %ge3A_105 = arith.cmpi sge, %reduce_sum3A_103, %ge3A_104 : i32
    %select_n3A_106 = arith.select %ge3A_105, %or3A_93, %select_n3A_91 : i32
    %or3A_107 = arith.constant 16777216 : i32
    %or3A_108 = arith.ori %select_n3A_106, %or3A_107 : i32
    %xor3A_109 = arith.constant -2147483648 : i32
    %xor3A_110 = arith.xori %or3A_108, %xor3A_109 : i32
    %ge3A_111 = vector.broadcast %xor3A_110 : i32 to vector<256x128xi32>
    %ge3A_112 = arith.cmpi sge, %xor3A, %ge3A_111 : vector<256x128xi32>
    %convert_element_type3A_113 = arith.extui %ge3A_112 : vector<256x128xi1> to vector<256x128xi32>
    %reduce_sum3A_114 = vector.shape_cast %convert_element_type3A_113 : vector<256x128xi32> to vector<1x256x128xi32>
    %reduce_sum3A_115 = arith.constant dense<0> : vector<1xi32>
    %reduce_sum3A_116 = vector.multi_reduction <add>, %reduce_sum3A_114, %reduce_sum3A_115 [1, 2] : vector<1x256x128xi32> to vector<1xi32>
    %reduce_sum3A_117 = vector.shape_cast %reduce_sum3A_116 : vector<1xi32> to vector<1x1x1xi32>
    %reduce_sum3A_118 = vector.extract %reduce_sum3A_117[0, 0, 0] : i32 from vector<1x1x1xi32>
    %ge3A_119 = arith.constant 2048 : i32
    %ge3A_120 = arith.cmpi sge, %reduce_sum3A_118, %ge3A_119 : i32
    %select_n3A_121 = arith.select %ge3A_120, %or3A_108, %select_n3A_106 : i32
    %or3A_122 = arith.constant 8388608 : i32
    %or3A_123 = arith.ori %select_n3A_121, %or3A_122 : i32
    %xor3A_124 = arith.constant -2147483648 : i32
    %xor3A_125 = arith.xori %or3A_123, %xor3A_124 : i32
    %ge3A_126 = vector.broadcast %xor3A_125 : i32 to vector<256x128xi32>
    %ge3A_127 = arith.cmpi sge, %xor3A, %ge3A_126 : vector<256x128xi32>
    %convert_element_type3A_128 = arith.extui %ge3A_127 : vector<256x128xi1> to vector<256x128xi32>
    %reduce_sum3A_129 = vector.shape_cast %convert_element_type3A_128 : vector<256x128xi32> to vector<1x256x128xi32>
    %reduce_sum3A_130 = arith.constant dense<0> : vector<1xi32>
    %reduce_sum3A_131 = vector.multi_reduction <add>, %reduce_sum3A_129, %reduce_sum3A_130 [1, 2] : vector<1x256x128xi32> to vector<1xi32>
    %reduce_sum3A_132 = vector.shape_cast %reduce_sum3A_131 : vector<1xi32> to vector<1x1x1xi32>
    %reduce_sum3A_133 = vector.extract %reduce_sum3A_132[0, 0, 0] : i32 from vector<1x1x1xi32>
    %ge3A_134 = arith.constant 2048 : i32
    %ge3A_135 = arith.cmpi sge, %reduce_sum3A_133, %ge3A_134 : i32
    %select_n3A_136 = arith.select %ge3A_135, %or3A_123, %select_n3A_121 : i32
    %or3A_137 = arith.constant 4194304 : i32
    %or3A_138 = arith.ori %select_n3A_136, %or3A_137 : i32
    %xor3A_139 = arith.constant -2147483648 : i32
    %xor3A_140 = arith.xori %or3A_138, %xor3A_139 : i32
    %ge3A_141 = vector.broadcast %xor3A_140 : i32 to vector<256x128xi32>
    %ge3A_142 = arith.cmpi sge, %xor3A, %ge3A_141 : vector<256x128xi32>
    %convert_element_type3A_143 = arith.extui %ge3A_142 : vector<256x128xi1> to vector<256x128xi32>
    %reduce_sum3A_144 = vector.shape_cast %convert_element_type3A_143 : vector<256x128xi32> to vector<1x256x128xi32>
    %reduce_sum3A_145 = arith.constant dense<0> : vector<1xi32>
    %reduce_sum3A_146 = vector.multi_reduction <add>, %reduce_sum3A_144, %reduce_sum3A_145 [1, 2] : vector<1x256x128xi32> to vector<1xi32>
    %reduce_sum3A_147 = vector.shape_cast %reduce_sum3A_146 : vector<1xi32> to vector<1x1x1xi32>
    %reduce_sum3A_148 = vector.extract %reduce_sum3A_147[0, 0, 0] : i32 from vector<1x1x1xi32>
    %ge3A_149 = arith.constant 2048 : i32
    %ge3A_150 = arith.cmpi sge, %reduce_sum3A_148, %ge3A_149 : i32
    %select_n3A_151 = arith.select %ge3A_150, %or3A_138, %select_n3A_136 : i32
    %or3A_152 = arith.constant 2097152 : i32
    %or3A_153 = arith.ori %select_n3A_151, %or3A_152 : i32
    %xor3A_154 = arith.constant -2147483648 : i32
    %xor3A_155 = arith.xori %or3A_153, %xor3A_154 : i32
    %ge3A_156 = vector.broadcast %xor3A_155 : i32 to vector<256x128xi32>
    %ge3A_157 = arith.cmpi sge, %xor3A, %ge3A_156 : vector<256x128xi32>
    %convert_element_type3A_158 = arith.extui %ge3A_157 : vector<256x128xi1> to vector<256x128xi32>
    %reduce_sum3A_159 = vector.shape_cast %convert_element_type3A_158 : vector<256x128xi32> to vector<1x256x128xi32>
    %reduce_sum3A_160 = arith.constant dense<0> : vector<1xi32>
    %reduce_sum3A_161 = vector.multi_reduction <add>, %reduce_sum3A_159, %reduce_sum3A_160 [1, 2] : vector<1x256x128xi32> to vector<1xi32>
    %reduce_sum3A_162 = vector.shape_cast %reduce_sum3A_161 : vector<1xi32> to vector<1x1x1xi32>
    %reduce_sum3A_163 = vector.extract %reduce_sum3A_162[0, 0, 0] : i32 from vector<1x1x1xi32>
    %ge3A_164 = arith.constant 2048 : i32
    %ge3A_165 = arith.cmpi sge, %reduce_sum3A_163, %ge3A_164 : i32
    %select_n3A_166 = arith.select %ge3A_165, %or3A_153, %select_n3A_151 : i32
    %or3A_167 = arith.constant 1048576 : i32
    %or3A_168 = arith.ori %select_n3A_166, %or3A_167 : i32
    %xor3A_169 = arith.constant -2147483648 : i32
    %xor3A_170 = arith.xori %or3A_168, %xor3A_169 : i32
    %ge3A_171 = vector.broadcast %xor3A_170 : i32 to vector<256x128xi32>
    %ge3A_172 = arith.cmpi sge, %xor3A, %ge3A_171 : vector<256x128xi32>
    %convert_element_type3A_173 = arith.extui %ge3A_172 : vector<256x128xi1> to vector<256x128xi32>
    %reduce_sum3A_174 = vector.shape_cast %convert_element_type3A_173 : vector<256x128xi32> to vector<1x256x128xi32>
    %reduce_sum3A_175 = arith.constant dense<0> : vector<1xi32>
    %reduce_sum3A_176 = vector.multi_reduction <add>, %reduce_sum3A_174, %reduce_sum3A_175 [1, 2] : vector<1x256x128xi32> to vector<1xi32>
    %reduce_sum3A_177 = vector.shape_cast %reduce_sum3A_176 : vector<1xi32> to vector<1x1x1xi32>
    %reduce_sum3A_178 = vector.extract %reduce_sum3A_177[0, 0, 0] : i32 from vector<1x1x1xi32>
    %ge3A_179 = arith.constant 2048 : i32
    %ge3A_180 = arith.cmpi sge, %reduce_sum3A_178, %ge3A_179 : i32
    %select_n3A_181 = arith.select %ge3A_180, %or3A_168, %select_n3A_166 : i32
    %or3A_182 = arith.constant 524288 : i32
    %or3A_183 = arith.ori %select_n3A_181, %or3A_182 : i32
    %xor3A_184 = arith.constant -2147483648 : i32
    %xor3A_185 = arith.xori %or3A_183, %xor3A_184 : i32
    %ge3A_186 = vector.broadcast %xor3A_185 : i32 to vector<256x128xi32>
    %ge3A_187 = arith.cmpi sge, %xor3A, %ge3A_186 : vector<256x128xi32>
    %convert_element_type3A_188 = arith.extui %ge3A_187 : vector<256x128xi1> to vector<256x128xi32>
    %reduce_sum3A_189 = vector.shape_cast %convert_element_type3A_188 : vector<256x128xi32> to vector<1x256x128xi32>
    %reduce_sum3A_190 = arith.constant dense<0> : vector<1xi32>
    %reduce_sum3A_191 = vector.multi_reduction <add>, %reduce_sum3A_189, %reduce_sum3A_190 [1, 2] : vector<1x256x128xi32> to vector<1xi32>
    %reduce_sum3A_192 = vector.shape_cast %reduce_sum3A_191 : vector<1xi32> to vector<1x1x1xi32>
    %reduce_sum3A_193 = vector.extract %reduce_sum3A_192[0, 0, 0] : i32 from vector<1x1x1xi32>
    %ge3A_194 = arith.constant 2048 : i32
    %ge3A_195 = arith.cmpi sge, %reduce_sum3A_193, %ge3A_194 : i32
    %select_n3A_196 = arith.select %ge3A_195, %or3A_183, %select_n3A_181 : i32
    %or3A_197 = arith.constant 262144 : i32
    %or3A_198 = arith.ori %select_n3A_196, %or3A_197 : i32
    %xor3A_199 = arith.constant -2147483648 : i32
    %xor3A_200 = arith.xori %or3A_198, %xor3A_199 : i32
    %ge3A_201 = vector.broadcast %xor3A_200 : i32 to vector<256x128xi32>
    %ge3A_202 = arith.cmpi sge, %xor3A, %ge3A_201 : vector<256x128xi32>
    %convert_element_type3A_203 = arith.extui %ge3A_202 : vector<256x128xi1> to vector<256x128xi32>
    %reduce_sum3A_204 = vector.shape_cast %convert_element_type3A_203 : vector<256x128xi32> to vector<1x256x128xi32>
    %reduce_sum3A_205 = arith.constant dense<0> : vector<1xi32>
    %reduce_sum3A_206 = vector.multi_reduction <add>, %reduce_sum3A_204, %reduce_sum3A_205 [1, 2] : vector<1x256x128xi32> to vector<1xi32>
    %reduce_sum3A_207 = vector.shape_cast %reduce_sum3A_206 : vector<1xi32> to vector<1x1x1xi32>
    %reduce_sum3A_208 = vector.extract %reduce_sum3A_207[0, 0, 0] : i32 from vector<1x1x1xi32>
    %ge3A_209 = arith.constant 2048 : i32
    %ge3A_210 = arith.cmpi sge, %reduce_sum3A_208, %ge3A_209 : i32
    %select_n3A_211 = arith.select %ge3A_210, %or3A_198, %select_n3A_196 : i32
    %or3A_212 = arith.constant 131072 : i32
    %or3A_213 = arith.ori %select_n3A_211, %or3A_212 : i32
    %xor3A_214 = arith.constant -2147483648 : i32
    %xor3A_215 = arith.xori %or3A_213, %xor3A_214 : i32
    %ge3A_216 = vector.broadcast %xor3A_215 : i32 to vector<256x128xi32>
    %ge3A_217 = arith.cmpi sge, %xor3A, %ge3A_216 : vector<256x128xi32>
    %convert_element_type3A_218 = arith.extui %ge3A_217 : vector<256x128xi1> to vector<256x128xi32>
    %reduce_sum3A_219 = vector.shape_cast %convert_element_type3A_218 : vector<256x128xi32> to vector<1x256x128xi32>
    %reduce_sum3A_220 = arith.constant dense<0> : vector<1xi32>
    %reduce_sum3A_221 = vector.multi_reduction <add>, %reduce_sum3A_219, %reduce_sum3A_220 [1, 2] : vector<1x256x128xi32> to vector<1xi32>
    %reduce_sum3A_222 = vector.shape_cast %reduce_sum3A_221 : vector<1xi32> to vector<1x1x1xi32>
    %reduce_sum3A_223 = vector.extract %reduce_sum3A_222[0, 0, 0] : i32 from vector<1x1x1xi32>
    %ge3A_224 = arith.constant 2048 : i32
    %ge3A_225 = arith.cmpi sge, %reduce_sum3A_223, %ge3A_224 : i32
    %select_n3A_226 = arith.select %ge3A_225, %or3A_213, %select_n3A_211 : i32
    %or3A_227 = arith.constant 65536 : i32
    %or3A_228 = arith.ori %select_n3A_226, %or3A_227 : i32
    %xor3A_229 = arith.constant -2147483648 : i32
    %xor3A_230 = arith.xori %or3A_228, %xor3A_229 : i32
    %ge3A_231 = vector.broadcast %xor3A_230 : i32 to vector<256x128xi32>
    %ge3A_232 = arith.cmpi sge, %xor3A, %ge3A_231 : vector<256x128xi32>
    %convert_element_type3A_233 = arith.extui %ge3A_232 : vector<256x128xi1> to vector<256x128xi32>
    %reduce_sum3A_234 = vector.shape_cast %convert_element_type3A_233 : vector<256x128xi32> to vector<1x256x128xi32>
    %reduce_sum3A_235 = arith.constant dense<0> : vector<1xi32>
    %reduce_sum3A_236 = vector.multi_reduction <add>, %reduce_sum3A_234, %reduce_sum3A_235 [1, 2] : vector<1x256x128xi32> to vector<1xi32>
    %reduce_sum3A_237 = vector.shape_cast %reduce_sum3A_236 : vector<1xi32> to vector<1x1x1xi32>
    %reduce_sum3A_238 = vector.extract %reduce_sum3A_237[0, 0, 0] : i32 from vector<1x1x1xi32>
    %ge3A_239 = arith.constant 2048 : i32
    %ge3A_240 = arith.cmpi sge, %reduce_sum3A_238, %ge3A_239 : i32
    %select_n3A_241 = arith.select %ge3A_240, %or3A_228, %select_n3A_226 : i32
    %or3A_242 = arith.constant 32768 : i32
    %or3A_243 = arith.ori %select_n3A_241, %or3A_242 : i32
    %xor3A_244 = arith.constant -2147483648 : i32
    %xor3A_245 = arith.xori %or3A_243, %xor3A_244 : i32
    %ge3A_246 = vector.broadcast %xor3A_245 : i32 to vector<256x128xi32>
    %ge3A_247 = arith.cmpi sge, %xor3A, %ge3A_246 : vector<256x128xi32>
    %convert_element_type3A_248 = arith.extui %ge3A_247 : vector<256x128xi1> to vector<256x128xi32>
    %reduce_sum3A_249 = vector.shape_cast %convert_element_type3A_248 : vector<256x128xi32> to vector<1x256x128xi32>
    %reduce_sum3A_250 = arith.constant dense<0> : vector<1xi32>
    %reduce_sum3A_251 = vector.multi_reduction <add>, %reduce_sum3A_249, %reduce_sum3A_250 [1, 2] : vector<1x256x128xi32> to vector<1xi32>
    %reduce_sum3A_252 = vector.shape_cast %reduce_sum3A_251 : vector<1xi32> to vector<1x1x1xi32>
    %reduce_sum3A_253 = vector.extract %reduce_sum3A_252[0, 0, 0] : i32 from vector<1x1x1xi32>
    %ge3A_254 = arith.constant 2048 : i32
    %ge3A_255 = arith.cmpi sge, %reduce_sum3A_253, %ge3A_254 : i32
    %select_n3A_256 = arith.select %ge3A_255, %or3A_243, %select_n3A_241 : i32
    %or3A_257 = arith.constant 16384 : i32
    %or3A_258 = arith.ori %select_n3A_256, %or3A_257 : i32
    %xor3A_259 = arith.constant -2147483648 : i32
    %xor3A_260 = arith.xori %or3A_258, %xor3A_259 : i32
    %ge3A_261 = vector.broadcast %xor3A_260 : i32 to vector<256x128xi32>
    %ge3A_262 = arith.cmpi sge, %xor3A, %ge3A_261 : vector<256x128xi32>
    %convert_element_type3A_263 = arith.extui %ge3A_262 : vector<256x128xi1> to vector<256x128xi32>
    %reduce_sum3A_264 = vector.shape_cast %convert_element_type3A_263 : vector<256x128xi32> to vector<1x256x128xi32>
    %reduce_sum3A_265 = arith.constant dense<0> : vector<1xi32>
    %reduce_sum3A_266 = vector.multi_reduction <add>, %reduce_sum3A_264, %reduce_sum3A_265 [1, 2] : vector<1x256x128xi32> to vector<1xi32>
    %reduce_sum3A_267 = vector.shape_cast %reduce_sum3A_266 : vector<1xi32> to vector<1x1x1xi32>
    %reduce_sum3A_268 = vector.extract %reduce_sum3A_267[0, 0, 0] : i32 from vector<1x1x1xi32>
    %ge3A_269 = arith.constant 2048 : i32
    %ge3A_270 = arith.cmpi sge, %reduce_sum3A_268, %ge3A_269 : i32
    %select_n3A_271 = arith.select %ge3A_270, %or3A_258, %select_n3A_256 : i32
    %or3A_272 = arith.constant 8192 : i32
    %or3A_273 = arith.ori %select_n3A_271, %or3A_272 : i32
    %xor3A_274 = arith.constant -2147483648 : i32
    %xor3A_275 = arith.xori %or3A_273, %xor3A_274 : i32
    %ge3A_276 = vector.broadcast %xor3A_275 : i32 to vector<256x128xi32>
    %ge3A_277 = arith.cmpi sge, %xor3A, %ge3A_276 : vector<256x128xi32>
    %convert_element_type3A_278 = arith.extui %ge3A_277 : vector<256x128xi1> to vector<256x128xi32>
    %reduce_sum3A_279 = vector.shape_cast %convert_element_type3A_278 : vector<256x128xi32> to vector<1x256x128xi32>
    %reduce_sum3A_280 = arith.constant dense<0> : vector<1xi32>
    %reduce_sum3A_281 = vector.multi_reduction <add>, %reduce_sum3A_279, %reduce_sum3A_280 [1, 2] : vector<1x256x128xi32> to vector<1xi32>
    %reduce_sum3A_282 = vector.shape_cast %reduce_sum3A_281 : vector<1xi32> to vector<1x1x1xi32>
    %reduce_sum3A_283 = vector.extract %reduce_sum3A_282[0, 0, 0] : i32 from vector<1x1x1xi32>
    %ge3A_284 = arith.constant 2048 : i32
    %ge3A_285 = arith.cmpi sge, %reduce_sum3A_283, %ge3A_284 : i32
    %select_n3A_286 = arith.select %ge3A_285, %or3A_273, %select_n3A_271 : i32
    %or3A_287 = arith.constant 4096 : i32
    %or3A_288 = arith.ori %select_n3A_286, %or3A_287 : i32
    %xor3A_289 = arith.constant -2147483648 : i32
    %xor3A_290 = arith.xori %or3A_288, %xor3A_289 : i32
    %ge3A_291 = vector.broadcast %xor3A_290 : i32 to vector<256x128xi32>
    %ge3A_292 = arith.cmpi sge, %xor3A, %ge3A_291 : vector<256x128xi32>
    %convert_element_type3A_293 = arith.extui %ge3A_292 : vector<256x128xi1> to vector<256x128xi32>
    %reduce_sum3A_294 = vector.shape_cast %convert_element_type3A_293 : vector<256x128xi32> to vector<1x256x128xi32>
    %reduce_sum3A_295 = arith.constant dense<0> : vector<1xi32>
    %reduce_sum3A_296 = vector.multi_reduction <add>, %reduce_sum3A_294, %reduce_sum3A_295 [1, 2] : vector<1x256x128xi32> to vector<1xi32>
    %reduce_sum3A_297 = vector.shape_cast %reduce_sum3A_296 : vector<1xi32> to vector<1x1x1xi32>
    %reduce_sum3A_298 = vector.extract %reduce_sum3A_297[0, 0, 0] : i32 from vector<1x1x1xi32>
    %ge3A_299 = arith.constant 2048 : i32
    %ge3A_300 = arith.cmpi sge, %reduce_sum3A_298, %ge3A_299 : i32
    %select_n3A_301 = arith.select %ge3A_300, %or3A_288, %select_n3A_286 : i32
    %or3A_302 = arith.constant 2048 : i32
    %or3A_303 = arith.ori %select_n3A_301, %or3A_302 : i32
    %xor3A_304 = arith.constant -2147483648 : i32
    %xor3A_305 = arith.xori %or3A_303, %xor3A_304 : i32
    %ge3A_306 = vector.broadcast %xor3A_305 : i32 to vector<256x128xi32>
    %ge3A_307 = arith.cmpi sge, %xor3A, %ge3A_306 : vector<256x128xi32>
    %convert_element_type3A_308 = arith.extui %ge3A_307 : vector<256x128xi1> to vector<256x128xi32>
    %reduce_sum3A_309 = vector.shape_cast %convert_element_type3A_308 : vector<256x128xi32> to vector<1x256x128xi32>
    %reduce_sum3A_310 = arith.constant dense<0> : vector<1xi32>
    %reduce_sum3A_311 = vector.multi_reduction <add>, %reduce_sum3A_309, %reduce_sum3A_310 [1, 2] : vector<1x256x128xi32> to vector<1xi32>
    %reduce_sum3A_312 = vector.shape_cast %reduce_sum3A_311 : vector<1xi32> to vector<1x1x1xi32>
    %reduce_sum3A_313 = vector.extract %reduce_sum3A_312[0, 0, 0] : i32 from vector<1x1x1xi32>
    %ge3A_314 = arith.constant 2048 : i32
    %ge3A_315 = arith.cmpi sge, %reduce_sum3A_313, %ge3A_314 : i32
    %select_n3A_316 = arith.select %ge3A_315, %or3A_303, %select_n3A_301 : i32
    %or3A_317 = arith.constant 1024 : i32
    %or3A_318 = arith.ori %select_n3A_316, %or3A_317 : i32
    %xor3A_319 = arith.constant -2147483648 : i32
    %xor3A_320 = arith.xori %or3A_318, %xor3A_319 : i32
    %ge3A_321 = vector.broadcast %xor3A_320 : i32 to vector<256x128xi32>
    %ge3A_322 = arith.cmpi sge, %xor3A, %ge3A_321 : vector<256x128xi32>
    %convert_element_type3A_323 = arith.extui %ge3A_322 : vector<256x128xi1> to vector<256x128xi32>
    %reduce_sum3A_324 = vector.shape_cast %convert_element_type3A_323 : vector<256x128xi32> to vector<1x256x128xi32>
    %reduce_sum3A_325 = arith.constant dense<0> : vector<1xi32>
    %reduce_sum3A_326 = vector.multi_reduction <add>, %reduce_sum3A_324, %reduce_sum3A_325 [1, 2] : vector<1x256x128xi32> to vector<1xi32>
    %reduce_sum3A_327 = vector.shape_cast %reduce_sum3A_326 : vector<1xi32> to vector<1x1x1xi32>
    %reduce_sum3A_328 = vector.extract %reduce_sum3A_327[0, 0, 0] : i32 from vector<1x1x1xi32>
    %ge3A_329 = arith.constant 2048 : i32
    %ge3A_330 = arith.cmpi sge, %reduce_sum3A_328, %ge3A_329 : i32
    %select_n3A_331 = arith.select %ge3A_330, %or3A_318, %select_n3A_316 : i32
    %or3A_332 = arith.constant 512 : i32
    %or3A_333 = arith.ori %select_n3A_331, %or3A_332 : i32
    %xor3A_334 = arith.constant -2147483648 : i32
    %xor3A_335 = arith.xori %or3A_333, %xor3A_334 : i32
    %ge3A_336 = vector.broadcast %xor3A_335 : i32 to vector<256x128xi32>
    %ge3A_337 = arith.cmpi sge, %xor3A, %ge3A_336 : vector<256x128xi32>
    %convert_element_type3A_338 = arith.extui %ge3A_337 : vector<256x128xi1> to vector<256x128xi32>
    %reduce_sum3A_339 = vector.shape_cast %convert_element_type3A_338 : vector<256x128xi32> to vector<1x256x128xi32>
    %reduce_sum3A_340 = arith.constant dense<0> : vector<1xi32>
    %reduce_sum3A_341 = vector.multi_reduction <add>, %reduce_sum3A_339, %reduce_sum3A_340 [1, 2] : vector<1x256x128xi32> to vector<1xi32>
    %reduce_sum3A_342 = vector.shape_cast %reduce_sum3A_341 : vector<1xi32> to vector<1x1x1xi32>
    %reduce_sum3A_343 = vector.extract %reduce_sum3A_342[0, 0, 0] : i32 from vector<1x1x1xi32>
    %ge3A_344 = arith.constant 2048 : i32
    %ge3A_345 = arith.cmpi sge, %reduce_sum3A_343, %ge3A_344 : i32
    %select_n3A_346 = arith.select %ge3A_345, %or3A_333, %select_n3A_331 : i32
    %or3A_347 = arith.constant 256 : i32
    %or3A_348 = arith.ori %select_n3A_346, %or3A_347 : i32
    %xor3A_349 = arith.constant -2147483648 : i32
    %xor3A_350 = arith.xori %or3A_348, %xor3A_349 : i32
    %ge3A_351 = vector.broadcast %xor3A_350 : i32 to vector<256x128xi32>
    %ge3A_352 = arith.cmpi sge, %xor3A, %ge3A_351 : vector<256x128xi32>
    %convert_element_type3A_353 = arith.extui %ge3A_352 : vector<256x128xi1> to vector<256x128xi32>
    %reduce_sum3A_354 = vector.shape_cast %convert_element_type3A_353 : vector<256x128xi32> to vector<1x256x128xi32>
    %reduce_sum3A_355 = arith.constant dense<0> : vector<1xi32>
    %reduce_sum3A_356 = vector.multi_reduction <add>, %reduce_sum3A_354, %reduce_sum3A_355 [1, 2] : vector<1x256x128xi32> to vector<1xi32>
    %reduce_sum3A_357 = vector.shape_cast %reduce_sum3A_356 : vector<1xi32> to vector<1x1x1xi32>
    %reduce_sum3A_358 = vector.extract %reduce_sum3A_357[0, 0, 0] : i32 from vector<1x1x1xi32>
    %ge3A_359 = arith.constant 2048 : i32
    %ge3A_360 = arith.cmpi sge, %reduce_sum3A_358, %ge3A_359 : i32
    %select_n3A_361 = arith.select %ge3A_360, %or3A_348, %select_n3A_346 : i32
    %or3A_362 = arith.constant 128 : i32
    %or3A_363 = arith.ori %select_n3A_361, %or3A_362 : i32
    %xor3A_364 = arith.constant -2147483648 : i32
    %xor3A_365 = arith.xori %or3A_363, %xor3A_364 : i32
    %ge3A_366 = vector.broadcast %xor3A_365 : i32 to vector<256x128xi32>
    %ge3A_367 = arith.cmpi sge, %xor3A, %ge3A_366 : vector<256x128xi32>
    %convert_element_type3A_368 = arith.extui %ge3A_367 : vector<256x128xi1> to vector<256x128xi32>
    %reduce_sum3A_369 = vector.shape_cast %convert_element_type3A_368 : vector<256x128xi32> to vector<1x256x128xi32>
    %reduce_sum3A_370 = arith.constant dense<0> : vector<1xi32>
    %reduce_sum3A_371 = vector.multi_reduction <add>, %reduce_sum3A_369, %reduce_sum3A_370 [1, 2] : vector<1x256x128xi32> to vector<1xi32>
    %reduce_sum3A_372 = vector.shape_cast %reduce_sum3A_371 : vector<1xi32> to vector<1x1x1xi32>
    %reduce_sum3A_373 = vector.extract %reduce_sum3A_372[0, 0, 0] : i32 from vector<1x1x1xi32>
    %ge3A_374 = arith.constant 2048 : i32
    %ge3A_375 = arith.cmpi sge, %reduce_sum3A_373, %ge3A_374 : i32
    %select_n3A_376 = arith.select %ge3A_375, %or3A_363, %select_n3A_361 : i32
    %or3A_377 = arith.constant 64 : i32
    %or3A_378 = arith.ori %select_n3A_376, %or3A_377 : i32
    %xor3A_379 = arith.constant -2147483648 : i32
    %xor3A_380 = arith.xori %or3A_378, %xor3A_379 : i32
    %ge3A_381 = vector.broadcast %xor3A_380 : i32 to vector<256x128xi32>
    %ge3A_382 = arith.cmpi sge, %xor3A, %ge3A_381 : vector<256x128xi32>
    %convert_element_type3A_383 = arith.extui %ge3A_382 : vector<256x128xi1> to vector<256x128xi32>
    %reduce_sum3A_384 = vector.shape_cast %convert_element_type3A_383 : vector<256x128xi32> to vector<1x256x128xi32>
    %reduce_sum3A_385 = arith.constant dense<0> : vector<1xi32>
    %reduce_sum3A_386 = vector.multi_reduction <add>, %reduce_sum3A_384, %reduce_sum3A_385 [1, 2] : vector<1x256x128xi32> to vector<1xi32>
    %reduce_sum3A_387 = vector.shape_cast %reduce_sum3A_386 : vector<1xi32> to vector<1x1x1xi32>
    %reduce_sum3A_388 = vector.extract %reduce_sum3A_387[0, 0, 0] : i32 from vector<1x1x1xi32>
    %ge3A_389 = arith.constant 2048 : i32
    %ge3A_390 = arith.cmpi sge, %reduce_sum3A_388, %ge3A_389 : i32
    %select_n3A_391 = arith.select %ge3A_390, %or3A_378, %select_n3A_376 : i32
    %or3A_392 = arith.constant 32 : i32
    %or3A_393 = arith.ori %select_n3A_391, %or3A_392 : i32
    %xor3A_394 = arith.constant -2147483648 : i32
    %xor3A_395 = arith.xori %or3A_393, %xor3A_394 : i32
    %ge3A_396 = vector.broadcast %xor3A_395 : i32 to vector<256x128xi32>
    %ge3A_397 = arith.cmpi sge, %xor3A, %ge3A_396 : vector<256x128xi32>
    %convert_element_type3A_398 = arith.extui %ge3A_397 : vector<256x128xi1> to vector<256x128xi32>
    %reduce_sum3A_399 = vector.shape_cast %convert_element_type3A_398 : vector<256x128xi32> to vector<1x256x128xi32>
    %reduce_sum3A_400 = arith.constant dense<0> : vector<1xi32>
    %reduce_sum3A_401 = vector.multi_reduction <add>, %reduce_sum3A_399, %reduce_sum3A_400 [1, 2] : vector<1x256x128xi32> to vector<1xi32>
    %reduce_sum3A_402 = vector.shape_cast %reduce_sum3A_401 : vector<1xi32> to vector<1x1x1xi32>
    %reduce_sum3A_403 = vector.extract %reduce_sum3A_402[0, 0, 0] : i32 from vector<1x1x1xi32>
    %ge3A_404 = arith.constant 2048 : i32
    %ge3A_405 = arith.cmpi sge, %reduce_sum3A_403, %ge3A_404 : i32
    %select_n3A_406 = arith.select %ge3A_405, %or3A_393, %select_n3A_391 : i32
    %or3A_407 = arith.constant 16 : i32
    %or3A_408 = arith.ori %select_n3A_406, %or3A_407 : i32
    %xor3A_409 = arith.constant -2147483648 : i32
    %xor3A_410 = arith.xori %or3A_408, %xor3A_409 : i32
    %ge3A_411 = vector.broadcast %xor3A_410 : i32 to vector<256x128xi32>
    %ge3A_412 = arith.cmpi sge, %xor3A, %ge3A_411 : vector<256x128xi32>
    %convert_element_type3A_413 = arith.extui %ge3A_412 : vector<256x128xi1> to vector<256x128xi32>
    %reduce_sum3A_414 = vector.shape_cast %convert_element_type3A_413 : vector<256x128xi32> to vector<1x256x128xi32>
    %reduce_sum3A_415 = arith.constant dense<0> : vector<1xi32>
    %reduce_sum3A_416 = vector.multi_reduction <add>, %reduce_sum3A_414, %reduce_sum3A_415 [1, 2] : vector<1x256x128xi32> to vector<1xi32>
    %reduce_sum3A_417 = vector.shape_cast %reduce_sum3A_416 : vector<1xi32> to vector<1x1x1xi32>
    %reduce_sum3A_418 = vector.extract %reduce_sum3A_417[0, 0, 0] : i32 from vector<1x1x1xi32>
    %ge3A_419 = arith.constant 2048 : i32
    %ge3A_420 = arith.cmpi sge, %reduce_sum3A_418, %ge3A_419 : i32
    %select_n3A_421 = arith.select %ge3A_420, %or3A_408, %select_n3A_406 : i32
    %or3A_422 = arith.constant 8 : i32
    %or3A_423 = arith.ori %select_n3A_421, %or3A_422 : i32
    %xor3A_424 = arith.constant -2147483648 : i32
    %xor3A_425 = arith.xori %or3A_423, %xor3A_424 : i32
    %ge3A_426 = vector.broadcast %xor3A_425 : i32 to vector<256x128xi32>
    %ge3A_427 = arith.cmpi sge, %xor3A, %ge3A_426 : vector<256x128xi32>
    %convert_element_type3A_428 = arith.extui %ge3A_427 : vector<256x128xi1> to vector<256x128xi32>
    %reduce_sum3A_429 = vector.shape_cast %convert_element_type3A_428 : vector<256x128xi32> to vector<1x256x128xi32>
    %reduce_sum3A_430 = arith.constant dense<0> : vector<1xi32>
    %reduce_sum3A_431 = vector.multi_reduction <add>, %reduce_sum3A_429, %reduce_sum3A_430 [1, 2] : vector<1x256x128xi32> to vector<1xi32>
    %reduce_sum3A_432 = vector.shape_cast %reduce_sum3A_431 : vector<1xi32> to vector<1x1x1xi32>
    %reduce_sum3A_433 = vector.extract %reduce_sum3A_432[0, 0, 0] : i32 from vector<1x1x1xi32>
    %ge3A_434 = arith.constant 2048 : i32
    %ge3A_435 = arith.cmpi sge, %reduce_sum3A_433, %ge3A_434 : i32
    %select_n3A_436 = arith.select %ge3A_435, %or3A_423, %select_n3A_421 : i32
    %or3A_437 = arith.constant 4 : i32
    %or3A_438 = arith.ori %select_n3A_436, %or3A_437 : i32
    %xor3A_439 = arith.constant -2147483648 : i32
    %xor3A_440 = arith.xori %or3A_438, %xor3A_439 : i32
    %ge3A_441 = vector.broadcast %xor3A_440 : i32 to vector<256x128xi32>
    %ge3A_442 = arith.cmpi sge, %xor3A, %ge3A_441 : vector<256x128xi32>
    %convert_element_type3A_443 = arith.extui %ge3A_442 : vector<256x128xi1> to vector<256x128xi32>
    %reduce_sum3A_444 = vector.shape_cast %convert_element_type3A_443 : vector<256x128xi32> to vector<1x256x128xi32>
    %reduce_sum3A_445 = arith.constant dense<0> : vector<1xi32>
    %reduce_sum3A_446 = vector.multi_reduction <add>, %reduce_sum3A_444, %reduce_sum3A_445 [1, 2] : vector<1x256x128xi32> to vector<1xi32>
    %reduce_sum3A_447 = vector.shape_cast %reduce_sum3A_446 : vector<1xi32> to vector<1x1x1xi32>
    %reduce_sum3A_448 = vector.extract %reduce_sum3A_447[0, 0, 0] : i32 from vector<1x1x1xi32>
    %ge3A_449 = arith.constant 2048 : i32
    %ge3A_450 = arith.cmpi sge, %reduce_sum3A_448, %ge3A_449 : i32
    %select_n3A_451 = arith.select %ge3A_450, %or3A_438, %select_n3A_436 : i32
    %or3A_452 = arith.constant 2 : i32
    %or3A_453 = arith.ori %select_n3A_451, %or3A_452 : i32
    %xor3A_454 = arith.constant -2147483648 : i32
    %xor3A_455 = arith.xori %or3A_453, %xor3A_454 : i32
    %ge3A_456 = vector.broadcast %xor3A_455 : i32 to vector<256x128xi32>
    %ge3A_457 = arith.cmpi sge, %xor3A, %ge3A_456 : vector<256x128xi32>
    %convert_element_type3A_458 = arith.extui %ge3A_457 : vector<256x128xi1> to vector<256x128xi32>
    %reduce_sum3A_459 = vector.shape_cast %convert_element_type3A_458 : vector<256x128xi32> to vector<1x256x128xi32>
    %reduce_sum3A_460 = arith.constant dense<0> : vector<1xi32>
    %reduce_sum3A_461 = vector.multi_reduction <add>, %reduce_sum3A_459, %reduce_sum3A_460 [1, 2] : vector<1x256x128xi32> to vector<1xi32>
    %reduce_sum3A_462 = vector.shape_cast %reduce_sum3A_461 : vector<1xi32> to vector<1x1x1xi32>
    %reduce_sum3A_463 = vector.extract %reduce_sum3A_462[0, 0, 0] : i32 from vector<1x1x1xi32>
    %ge3A_464 = arith.constant 2048 : i32
    %ge3A_465 = arith.cmpi sge, %reduce_sum3A_463, %ge3A_464 : i32
    %select_n3A_466 = arith.select %ge3A_465, %or3A_453, %select_n3A_451 : i32
    %or3A_467 = arith.constant 1 : i32
    %or3A_468 = arith.ori %select_n3A_466, %or3A_467 : i32
    %xor3A_469 = arith.constant -2147483648 : i32
    %xor3A_470 = arith.xori %or3A_468, %xor3A_469 : i32
    %ge3A_471 = vector.broadcast %xor3A_470 : i32 to vector<256x128xi32>
    %ge3A_472 = arith.cmpi sge, %xor3A, %ge3A_471 : vector<256x128xi32>
    %convert_element_type3A_473 = arith.extui %ge3A_472 : vector<256x128xi1> to vector<256x128xi32>
    %reduce_sum3A_474 = vector.shape_cast %convert_element_type3A_473 : vector<256x128xi32> to vector<1x256x128xi32>
    %reduce_sum3A_475 = arith.constant dense<0> : vector<1xi32>
    %reduce_sum3A_476 = vector.multi_reduction <add>, %reduce_sum3A_474, %reduce_sum3A_475 [1, 2] : vector<1x256x128xi32> to vector<1xi32>
    %reduce_sum3A_477 = vector.shape_cast %reduce_sum3A_476 : vector<1xi32> to vector<1x1x1xi32>
    %reduce_sum3A_478 = vector.extract %reduce_sum3A_477[0, 0, 0] : i32 from vector<1x1x1xi32>
    %ge3A_479 = arith.constant 2048 : i32
    %ge3A_480 = arith.cmpi sge, %reduce_sum3A_478, %ge3A_479 : i32
    %select_n3A_481 = arith.select %ge3A_480, %or3A_468, %select_n3A_466 : i32
    %xor3A_482 = arith.constant -2147483648 : i32
    %xor3A_483 = arith.xori %select_n3A_481, %xor3A_482 : i32
    %gt3A = vector.broadcast %xor3A_483 : i32 to vector<256x128xi32>
    %gt3A_484 = arith.cmpi sgt, %xor3A, %gt3A : vector<256x128xi32>
    %eq3A = vector.broadcast %xor3A_483 : i32 to vector<256x128xi32>
    %eq3A_485 = arith.cmpi eq, %xor3A, %eq3A : vector<256x128xi32>
    %convert_element_type3A_486 = arith.extui %gt3A_484 : vector<256x128xi1> to vector<256x128xi32>
    %reduce_sum3A_487 = vector.shape_cast %convert_element_type3A_486 : vector<256x128xi32> to vector<1x256x128xi32>
    %reduce_sum3A_488 = arith.constant dense<0> : vector<1xi32>
    %reduce_sum3A_489 = vector.multi_reduction <add>, %reduce_sum3A_487, %reduce_sum3A_488 [1, 2] : vector<1x256x128xi32> to vector<1xi32>
    %reduce_sum3A_490 = vector.shape_cast %reduce_sum3A_489 : vector<1xi32> to vector<1x1x1xi32>
    %reduce_sum3A_491 = vector.extract %reduce_sum3A_490[0, 0, 0] : i32 from vector<1x1x1xi32>
    %sub3A = arith.constant 2048 : i32
    %sub3A_492 = arith.subi %sub3A, %reduce_sum3A_491 : i32
    %iota3A = tpu.iota {dimensions = array<i32: 0>} : vector<256x128xi32>
    %iota3A_493 = tpu.iota {dimensions = array<i32: 1>} : vector<256x128xi32>
    %mul3A = arith.constant 128 : i32
    %mul3A_494 = vector.broadcast %mul3A : i32 to vector<256x128xi32>
    %mul3A_495 = arith.muli %iota3A, %mul3A_494 : vector<256x128xi32>
    %add3A = arith.addi %mul3A_495, %iota3A_493 : vector<256x128xi32>
    %convert_element_type3A_496 = arith.extui %eq3A_485 : vector<256x128xi1> to vector<256x128xi32>
    %add3A_497 = arith.constant 0 : i32
    %add3A_498 = arith.constant 16383 : i32
    %add3A_499 = arith.addi %add3A_497, %add3A_498 : i32
    %le3A = vector.broadcast %add3A_499 : i32 to vector<256x128xi32>
    %le3A_500 = arith.cmpi sle, %add3A, %le3A : vector<256x128xi32>
    %jit3A_501 = arith.constant 0 : i32
    %broadcast_in_dim3A = vector.broadcast %jit3A_501 : i32 to vector<256x128xi32>
    %select_n3A_502 = arith.select %le3A_500, %convert_element_type3A_496, %broadcast_in_dim3A : vector<256x128xi1>, vector<256x128xi32>
    %reduce_sum3A_503 = vector.shape_cast %select_n3A_502 : vector<256x128xi32> to vector<1x256x128xi32>
    %reduce_sum3A_504 = arith.constant dense<0> : vector<1xi32>
    %reduce_sum3A_505 = vector.multi_reduction <add>, %reduce_sum3A_503, %reduce_sum3A_504 [1, 2] : vector<1x256x128xi32> to vector<1xi32>
    %reduce_sum3A_506 = vector.shape_cast %reduce_sum3A_505 : vector<1xi32> to vector<1x1x1xi32>
    %reduce_sum3A_507 = vector.extract %reduce_sum3A_506[0, 0, 0] : i32 from vector<1x1x1xi32>
    %ge3A_508 = arith.cmpi sge, %reduce_sum3A_507, %sub3A_492 : i32
    %add3A_509 = arith.constant 0 : i32
    %add3A_510 = arith.constant 16384 : i32
    %add3A_511 = arith.addi %add3A_509, %add3A_510 : i32
    %jit3A_512 = arith.constant 0 : i32
    %select_n3A_513 = arith.select %ge3A_508, %jit3A_512, %add3A_511 : i32
    %add3A_514 = arith.constant 8191 : i32
    %add3A_515 = arith.addi %select_n3A_513, %add3A_514 : i32
    %le3A_516 = vector.broadcast %add3A_515 : i32 to vector<256x128xi32>
    %le3A_517 = arith.cmpi sle, %add3A, %le3A_516 : vector<256x128xi32>
    %jit3A_518 = arith.constant 0 : i32
    %broadcast_in_dim3A_519 = vector.broadcast %jit3A_518 : i32 to vector<256x128xi32>
    %select_n3A_520 = arith.select %le3A_517, %convert_element_type3A_496, %broadcast_in_dim3A_519 : vector<256x128xi1>, vector<256x128xi32>
    %reduce_sum3A_521 = vector.shape_cast %select_n3A_520 : vector<256x128xi32> to vector<1x256x128xi32>
    %reduce_sum3A_522 = arith.constant dense<0> : vector<1xi32>
    %reduce_sum3A_523 = vector.multi_reduction <add>, %reduce_sum3A_521, %reduce_sum3A_522 [1, 2] : vector<1x256x128xi32> to vector<1xi32>
    %reduce_sum3A_524 = vector.shape_cast %reduce_sum3A_523 : vector<1xi32> to vector<1x1x1xi32>
    %reduce_sum3A_525 = vector.extract %reduce_sum3A_524[0, 0, 0] : i32 from vector<1x1x1xi32>
    %ge3A_526 = arith.cmpi sge, %reduce_sum3A_525, %sub3A_492 : i32
    %add3A_527 = arith.constant 8192 : i32
    %add3A_528 = arith.addi %select_n3A_513, %add3A_527 : i32
    %select_n3A_529 = arith.select %ge3A_526, %select_n3A_513, %add3A_528 : i32
    %add3A_530 = arith.constant 4095 : i32
    %add3A_531 = arith.addi %select_n3A_529, %add3A_530 : i32
    %le3A_532 = vector.broadcast %add3A_531 : i32 to vector<256x128xi32>
    %le3A_533 = arith.cmpi sle, %add3A, %le3A_532 : vector<256x128xi32>
    %jit3A_534 = arith.constant 0 : i32
    %broadcast_in_dim3A_535 = vector.broadcast %jit3A_534 : i32 to vector<256x128xi32>
    %select_n3A_536 = arith.select %le3A_533, %convert_element_type3A_496, %broadcast_in_dim3A_535 : vector<256x128xi1>, vector<256x128xi32>
    %reduce_sum3A_537 = vector.shape_cast %select_n3A_536 : vector<256x128xi32> to vector<1x256x128xi32>
    %reduce_sum3A_538 = arith.constant dense<0> : vector<1xi32>
    %reduce_sum3A_539 = vector.multi_reduction <add>, %reduce_sum3A_537, %reduce_sum3A_538 [1, 2] : vector<1x256x128xi32> to vector<1xi32>
    %reduce_sum3A_540 = vector.shape_cast %reduce_sum3A_539 : vector<1xi32> to vector<1x1x1xi32>
    %reduce_sum3A_541 = vector.extract %reduce_sum3A_540[0, 0, 0] : i32 from vector<1x1x1xi32>
    %ge3A_542 = arith.cmpi sge, %reduce_sum3A_541, %sub3A_492 : i32
    %add3A_543 = arith.constant 4096 : i32
    %add3A_544 = arith.addi %select_n3A_529, %add3A_543 : i32
    %select_n3A_545 = arith.select %ge3A_542, %select_n3A_529, %add3A_544 : i32
    %add3A_546 = arith.constant 2047 : i32
    %add3A_547 = arith.addi %select_n3A_545, %add3A_546 : i32
    %le3A_548 = vector.broadcast %add3A_547 : i32 to vector<256x128xi32>
    %le3A_549 = arith.cmpi sle, %add3A, %le3A_548 : vector<256x128xi32>
    %jit3A_550 = arith.constant 0 : i32
    %broadcast_in_dim3A_551 = vector.broadcast %jit3A_550 : i32 to vector<256x128xi32>
    %select_n3A_552 = arith.select %le3A_549, %convert_element_type3A_496, %broadcast_in_dim3A_551 : vector<256x128xi1>, vector<256x128xi32>
    %reduce_sum3A_553 = vector.shape_cast %select_n3A_552 : vector<256x128xi32> to vector<1x256x128xi32>
    %reduce_sum3A_554 = arith.constant dense<0> : vector<1xi32>
    %reduce_sum3A_555 = vector.multi_reduction <add>, %reduce_sum3A_553, %reduce_sum3A_554 [1, 2] : vector<1x256x128xi32> to vector<1xi32>
    %reduce_sum3A_556 = vector.shape_cast %reduce_sum3A_555 : vector<1xi32> to vector<1x1x1xi32>
    %reduce_sum3A_557 = vector.extract %reduce_sum3A_556[0, 0, 0] : i32 from vector<1x1x1xi32>
    %ge3A_558 = arith.cmpi sge, %reduce_sum3A_557, %sub3A_492 : i32
    %add3A_559 = arith.constant 2048 : i32
    %add3A_560 = arith.addi %select_n3A_545, %add3A_559 : i32
    %select_n3A_561 = arith.select %ge3A_558, %select_n3A_545, %add3A_560 : i32
    %add3A_562 = arith.constant 1023 : i32
    %add3A_563 = arith.addi %select_n3A_561, %add3A_562 : i32
    %le3A_564 = vector.broadcast %add3A_563 : i32 to vector<256x128xi32>
    %le3A_565 = arith.cmpi sle, %add3A, %le3A_564 : vector<256x128xi32>
    %jit3A_566 = arith.constant 0 : i32
    %broadcast_in_dim3A_567 = vector.broadcast %jit3A_566 : i32 to vector<256x128xi32>
    %select_n3A_568 = arith.select %le3A_565, %convert_element_type3A_496, %broadcast_in_dim3A_567 : vector<256x128xi1>, vector<256x128xi32>
    %reduce_sum3A_569 = vector.shape_cast %select_n3A_568 : vector<256x128xi32> to vector<1x256x128xi32>
    %reduce_sum3A_570 = arith.constant dense<0> : vector<1xi32>
    %reduce_sum3A_571 = vector.multi_reduction <add>, %reduce_sum3A_569, %reduce_sum3A_570 [1, 2] : vector<1x256x128xi32> to vector<1xi32>
    %reduce_sum3A_572 = vector.shape_cast %reduce_sum3A_571 : vector<1xi32> to vector<1x1x1xi32>
    %reduce_sum3A_573 = vector.extract %reduce_sum3A_572[0, 0, 0] : i32 from vector<1x1x1xi32>
    %ge3A_574 = arith.cmpi sge, %reduce_sum3A_573, %sub3A_492 : i32
    %add3A_575 = arith.constant 1024 : i32
    %add3A_576 = arith.addi %select_n3A_561, %add3A_575 : i32
    %select_n3A_577 = arith.select %ge3A_574, %select_n3A_561, %add3A_576 : i32
    %add3A_578 = arith.constant 511 : i32
    %add3A_579 = arith.addi %select_n3A_577, %add3A_578 : i32
    %le3A_580 = vector.broadcast %add3A_579 : i32 to vector<256x128xi32>
    %le3A_581 = arith.cmpi sle, %add3A, %le3A_580 : vector<256x128xi32>
    %jit3A_582 = arith.constant 0 : i32
    %broadcast_in_dim3A_583 = vector.broadcast %jit3A_582 : i32 to vector<256x128xi32>
    %select_n3A_584 = arith.select %le3A_581, %convert_element_type3A_496, %broadcast_in_dim3A_583 : vector<256x128xi1>, vector<256x128xi32>
    %reduce_sum3A_585 = vector.shape_cast %select_n3A_584 : vector<256x128xi32> to vector<1x256x128xi32>
    %reduce_sum3A_586 = arith.constant dense<0> : vector<1xi32>
    %reduce_sum3A_587 = vector.multi_reduction <add>, %reduce_sum3A_585, %reduce_sum3A_586 [1, 2] : vector<1x256x128xi32> to vector<1xi32>
    %reduce_sum3A_588 = vector.shape_cast %reduce_sum3A_587 : vector<1xi32> to vector<1x1x1xi32>
    %reduce_sum3A_589 = vector.extract %reduce_sum3A_588[0, 0, 0] : i32 from vector<1x1x1xi32>
    %ge3A_590 = arith.cmpi sge, %reduce_sum3A_589, %sub3A_492 : i32
    %add3A_591 = arith.constant 512 : i32
    %add3A_592 = arith.addi %select_n3A_577, %add3A_591 : i32
    %select_n3A_593 = arith.select %ge3A_590, %select_n3A_577, %add3A_592 : i32
    %add3A_594 = arith.constant 255 : i32
    %add3A_595 = arith.addi %select_n3A_593, %add3A_594 : i32
    %le3A_596 = vector.broadcast %add3A_595 : i32 to vector<256x128xi32>
    %le3A_597 = arith.cmpi sle, %add3A, %le3A_596 : vector<256x128xi32>
    %jit3A_598 = arith.constant 0 : i32
    %broadcast_in_dim3A_599 = vector.broadcast %jit3A_598 : i32 to vector<256x128xi32>
    %select_n3A_600 = arith.select %le3A_597, %convert_element_type3A_496, %broadcast_in_dim3A_599 : vector<256x128xi1>, vector<256x128xi32>
    %reduce_sum3A_601 = vector.shape_cast %select_n3A_600 : vector<256x128xi32> to vector<1x256x128xi32>
    %reduce_sum3A_602 = arith.constant dense<0> : vector<1xi32>
    %reduce_sum3A_603 = vector.multi_reduction <add>, %reduce_sum3A_601, %reduce_sum3A_602 [1, 2] : vector<1x256x128xi32> to vector<1xi32>
    %reduce_sum3A_604 = vector.shape_cast %reduce_sum3A_603 : vector<1xi32> to vector<1x1x1xi32>
    %reduce_sum3A_605 = vector.extract %reduce_sum3A_604[0, 0, 0] : i32 from vector<1x1x1xi32>
    %ge3A_606 = arith.cmpi sge, %reduce_sum3A_605, %sub3A_492 : i32
    %add3A_607 = arith.constant 256 : i32
    %add3A_608 = arith.addi %select_n3A_593, %add3A_607 : i32
    %select_n3A_609 = arith.select %ge3A_606, %select_n3A_593, %add3A_608 : i32
    %add3A_610 = arith.constant 127 : i32
    %add3A_611 = arith.addi %select_n3A_609, %add3A_610 : i32
    %le3A_612 = vector.broadcast %add3A_611 : i32 to vector<256x128xi32>
    %le3A_613 = arith.cmpi sle, %add3A, %le3A_612 : vector<256x128xi32>
    %jit3A_614 = arith.constant 0 : i32
    %broadcast_in_dim3A_615 = vector.broadcast %jit3A_614 : i32 to vector<256x128xi32>
    %select_n3A_616 = arith.select %le3A_613, %convert_element_type3A_496, %broadcast_in_dim3A_615 : vector<256x128xi1>, vector<256x128xi32>
    %reduce_sum3A_617 = vector.shape_cast %select_n3A_616 : vector<256x128xi32> to vector<1x256x128xi32>
    %reduce_sum3A_618 = arith.constant dense<0> : vector<1xi32>
    %reduce_sum3A_619 = vector.multi_reduction <add>, %reduce_sum3A_617, %reduce_sum3A_618 [1, 2] : vector<1x256x128xi32> to vector<1xi32>
    %reduce_sum3A_620 = vector.shape_cast %reduce_sum3A_619 : vector<1xi32> to vector<1x1x1xi32>
    %reduce_sum3A_621 = vector.extract %reduce_sum3A_620[0, 0, 0] : i32 from vector<1x1x1xi32>
    %ge3A_622 = arith.cmpi sge, %reduce_sum3A_621, %sub3A_492 : i32
    %add3A_623 = arith.constant 128 : i32
    %add3A_624 = arith.addi %select_n3A_609, %add3A_623 : i32
    %select_n3A_625 = arith.select %ge3A_622, %select_n3A_609, %add3A_624 : i32
    %add3A_626 = arith.constant 63 : i32
    %add3A_627 = arith.addi %select_n3A_625, %add3A_626 : i32
    %le3A_628 = vector.broadcast %add3A_627 : i32 to vector<256x128xi32>
    %le3A_629 = arith.cmpi sle, %add3A, %le3A_628 : vector<256x128xi32>
    %jit3A_630 = arith.constant 0 : i32
    %broadcast_in_dim3A_631 = vector.broadcast %jit3A_630 : i32 to vector<256x128xi32>
    %select_n3A_632 = arith.select %le3A_629, %convert_element_type3A_496, %broadcast_in_dim3A_631 : vector<256x128xi1>, vector<256x128xi32>
    %reduce_sum3A_633 = vector.shape_cast %select_n3A_632 : vector<256x128xi32> to vector<1x256x128xi32>
    %reduce_sum3A_634 = arith.constant dense<0> : vector<1xi32>
    %reduce_sum3A_635 = vector.multi_reduction <add>, %reduce_sum3A_633, %reduce_sum3A_634 [1, 2] : vector<1x256x128xi32> to vector<1xi32>
    %reduce_sum3A_636 = vector.shape_cast %reduce_sum3A_635 : vector<1xi32> to vector<1x1x1xi32>
    %reduce_sum3A_637 = vector.extract %reduce_sum3A_636[0, 0, 0] : i32 from vector<1x1x1xi32>
    %ge3A_638 = arith.cmpi sge, %reduce_sum3A_637, %sub3A_492 : i32
    %add3A_639 = arith.constant 64 : i32
    %add3A_640 = arith.addi %select_n3A_625, %add3A_639 : i32
    %select_n3A_641 = arith.select %ge3A_638, %select_n3A_625, %add3A_640 : i32
    %add3A_642 = arith.constant 31 : i32
    %add3A_643 = arith.addi %select_n3A_641, %add3A_642 : i32
    %le3A_644 = vector.broadcast %add3A_643 : i32 to vector<256x128xi32>
    %le3A_645 = arith.cmpi sle, %add3A, %le3A_644 : vector<256x128xi32>
    %jit3A_646 = arith.constant 0 : i32
    %broadcast_in_dim3A_647 = vector.broadcast %jit3A_646 : i32 to vector<256x128xi32>
    %select_n3A_648 = arith.select %le3A_645, %convert_element_type3A_496, %broadcast_in_dim3A_647 : vector<256x128xi1>, vector<256x128xi32>
    %reduce_sum3A_649 = vector.shape_cast %select_n3A_648 : vector<256x128xi32> to vector<1x256x128xi32>
    %reduce_sum3A_650 = arith.constant dense<0> : vector<1xi32>
    %reduce_sum3A_651 = vector.multi_reduction <add>, %reduce_sum3A_649, %reduce_sum3A_650 [1, 2] : vector<1x256x128xi32> to vector<1xi32>
    %reduce_sum3A_652 = vector.shape_cast %reduce_sum3A_651 : vector<1xi32> to vector<1x1x1xi32>
    %reduce_sum3A_653 = vector.extract %reduce_sum3A_652[0, 0, 0] : i32 from vector<1x1x1xi32>
    %ge3A_654 = arith.cmpi sge, %reduce_sum3A_653, %sub3A_492 : i32
    %add3A_655 = arith.constant 32 : i32
    %add3A_656 = arith.addi %select_n3A_641, %add3A_655 : i32
    %select_n3A_657 = arith.select %ge3A_654, %select_n3A_641, %add3A_656 : i32
    %add3A_658 = arith.constant 15 : i32
    %add3A_659 = arith.addi %select_n3A_657, %add3A_658 : i32
    %le3A_660 = vector.broadcast %add3A_659 : i32 to vector<256x128xi32>
    %le3A_661 = arith.cmpi sle, %add3A, %le3A_660 : vector<256x128xi32>
    %jit3A_662 = arith.constant 0 : i32
    %broadcast_in_dim3A_663 = vector.broadcast %jit3A_662 : i32 to vector<256x128xi32>
    %select_n3A_664 = arith.select %le3A_661, %convert_element_type3A_496, %broadcast_in_dim3A_663 : vector<256x128xi1>, vector<256x128xi32>
    %reduce_sum3A_665 = vector.shape_cast %select_n3A_664 : vector<256x128xi32> to vector<1x256x128xi32>
    %reduce_sum3A_666 = arith.constant dense<0> : vector<1xi32>
    %reduce_sum3A_667 = vector.multi_reduction <add>, %reduce_sum3A_665, %reduce_sum3A_666 [1, 2] : vector<1x256x128xi32> to vector<1xi32>
    %reduce_sum3A_668 = vector.shape_cast %reduce_sum3A_667 : vector<1xi32> to vector<1x1x1xi32>
    %reduce_sum3A_669 = vector.extract %reduce_sum3A_668[0, 0, 0] : i32 from vector<1x1x1xi32>
    %ge3A_670 = arith.cmpi sge, %reduce_sum3A_669, %sub3A_492 : i32
    %add3A_671 = arith.constant 16 : i32
    %add3A_672 = arith.addi %select_n3A_657, %add3A_671 : i32
    %select_n3A_673 = arith.select %ge3A_670, %select_n3A_657, %add3A_672 : i32
    %add3A_674 = arith.constant 7 : i32
    %add3A_675 = arith.addi %select_n3A_673, %add3A_674 : i32
    %le3A_676 = vector.broadcast %add3A_675 : i32 to vector<256x128xi32>
    %le3A_677 = arith.cmpi sle, %add3A, %le3A_676 : vector<256x128xi32>
    %jit3A_678 = arith.constant 0 : i32
    %broadcast_in_dim3A_679 = vector.broadcast %jit3A_678 : i32 to vector<256x128xi32>
    %select_n3A_680 = arith.select %le3A_677, %convert_element_type3A_496, %broadcast_in_dim3A_679 : vector<256x128xi1>, vector<256x128xi32>
    %reduce_sum3A_681 = vector.shape_cast %select_n3A_680 : vector<256x128xi32> to vector<1x256x128xi32>
    %reduce_sum3A_682 = arith.constant dense<0> : vector<1xi32>
    %reduce_sum3A_683 = vector.multi_reduction <add>, %reduce_sum3A_681, %reduce_sum3A_682 [1, 2] : vector<1x256x128xi32> to vector<1xi32>
    %reduce_sum3A_684 = vector.shape_cast %reduce_sum3A_683 : vector<1xi32> to vector<1x1x1xi32>
    %reduce_sum3A_685 = vector.extract %reduce_sum3A_684[0, 0, 0] : i32 from vector<1x1x1xi32>
    %ge3A_686 = arith.cmpi sge, %reduce_sum3A_685, %sub3A_492 : i32
    %add3A_687 = arith.constant 8 : i32
    %add3A_688 = arith.addi %select_n3A_673, %add3A_687 : i32
    %select_n3A_689 = arith.select %ge3A_686, %select_n3A_673, %add3A_688 : i32
    %add3A_690 = arith.constant 3 : i32
    %add3A_691 = arith.addi %select_n3A_689, %add3A_690 : i32
    %le3A_692 = vector.broadcast %add3A_691 : i32 to vector<256x128xi32>
    %le3A_693 = arith.cmpi sle, %add3A, %le3A_692 : vector<256x128xi32>
    %jit3A_694 = arith.constant 0 : i32
    %broadcast_in_dim3A_695 = vector.broadcast %jit3A_694 : i32 to vector<256x128xi32>
    %select_n3A_696 = arith.select %le3A_693, %convert_element_type3A_496, %broadcast_in_dim3A_695 : vector<256x128xi1>, vector<256x128xi32>
    %reduce_sum3A_697 = vector.shape_cast %select_n3A_696 : vector<256x128xi32> to vector<1x256x128xi32>
    %reduce_sum3A_698 = arith.constant dense<0> : vector<1xi32>
    %reduce_sum3A_699 = vector.multi_reduction <add>, %reduce_sum3A_697, %reduce_sum3A_698 [1, 2] : vector<1x256x128xi32> to vector<1xi32>
    %reduce_sum3A_700 = vector.shape_cast %reduce_sum3A_699 : vector<1xi32> to vector<1x1x1xi32>
    %reduce_sum3A_701 = vector.extract %reduce_sum3A_700[0, 0, 0] : i32 from vector<1x1x1xi32>
    %ge3A_702 = arith.cmpi sge, %reduce_sum3A_701, %sub3A_492 : i32
    %add3A_703 = arith.constant 4 : i32
    %add3A_704 = arith.addi %select_n3A_689, %add3A_703 : i32
    %select_n3A_705 = arith.select %ge3A_702, %select_n3A_689, %add3A_704 : i32
    %add3A_706 = arith.constant 1 : i32
    %add3A_707 = arith.addi %select_n3A_705, %add3A_706 : i32
    %le3A_708 = vector.broadcast %add3A_707 : i32 to vector<256x128xi32>
    %le3A_709 = arith.cmpi sle, %add3A, %le3A_708 : vector<256x128xi32>
    %jit3A_710 = arith.constant 0 : i32
    %broadcast_in_dim3A_711 = vector.broadcast %jit3A_710 : i32 to vector<256x128xi32>
    %select_n3A_712 = arith.select %le3A_709, %convert_element_type3A_496, %broadcast_in_dim3A_711 : vector<256x128xi1>, vector<256x128xi32>
    %reduce_sum3A_713 = vector.shape_cast %select_n3A_712 : vector<256x128xi32> to vector<1x256x128xi32>
    %reduce_sum3A_714 = arith.constant dense<0> : vector<1xi32>
    %reduce_sum3A_715 = vector.multi_reduction <add>, %reduce_sum3A_713, %reduce_sum3A_714 [1, 2] : vector<1x256x128xi32> to vector<1xi32>
    %reduce_sum3A_716 = vector.shape_cast %reduce_sum3A_715 : vector<1xi32> to vector<1x1x1xi32>
    %reduce_sum3A_717 = vector.extract %reduce_sum3A_716[0, 0, 0] : i32 from vector<1x1x1xi32>
    %ge3A_718 = arith.cmpi sge, %reduce_sum3A_717, %sub3A_492 : i32
    %add3A_719 = arith.constant 2 : i32
    %add3A_720 = arith.addi %select_n3A_705, %add3A_719 : i32
    %select_n3A_721 = arith.select %ge3A_718, %select_n3A_705, %add3A_720 : i32
    %add3A_722 = arith.constant 0 : i32
    %add3A_723 = arith.addi %select_n3A_721, %add3A_722 : i32
    %le3A_724 = vector.broadcast %add3A_723 : i32 to vector<256x128xi32>
    %le3A_725 = arith.cmpi sle, %add3A, %le3A_724 : vector<256x128xi32>
    %jit3A_726 = arith.constant 0 : i32
    %broadcast_in_dim3A_727 = vector.broadcast %jit3A_726 : i32 to vector<256x128xi32>
    %select_n3A_728 = arith.select %le3A_725, %convert_element_type3A_496, %broadcast_in_dim3A_727 : vector<256x128xi1>, vector<256x128xi32>
    %reduce_sum3A_729 = vector.shape_cast %select_n3A_728 : vector<256x128xi32> to vector<1x256x128xi32>
    %reduce_sum3A_730 = arith.constant dense<0> : vector<1xi32>
    %reduce_sum3A_731 = vector.multi_reduction <add>, %reduce_sum3A_729, %reduce_sum3A_730 [1, 2] : vector<1x256x128xi32> to vector<1xi32>
    %reduce_sum3A_732 = vector.shape_cast %reduce_sum3A_731 : vector<1xi32> to vector<1x1x1xi32>
    %reduce_sum3A_733 = vector.extract %reduce_sum3A_732[0, 0, 0] : i32 from vector<1x1x1xi32>
    %ge3A_734 = arith.cmpi sge, %reduce_sum3A_733, %sub3A_492 : i32
    %add3A_735 = arith.constant 1 : i32
    %add3A_736 = arith.addi %select_n3A_721, %add3A_735 : i32
    %select_n3A_737 = arith.select %ge3A_734, %select_n3A_721, %add3A_736 : i32
    %le3A_738 = vector.broadcast %select_n3A_737 : i32 to vector<256x128xi32>
    %le3A_739 = arith.cmpi sle, %add3A, %le3A_738 : vector<256x128xi32>
    %and3A = arith.andi %eq3A_485, %le3A_739 : vector<256x128xi1>
    %gt3A_740 = arith.constant 0 : i32
    %gt3A_741 = arith.cmpi sgt, %sub3A_492, %gt3A_740 : i32
    %and3A_742 = vector.broadcast %gt3A_741 : i1 to vector<256x128xi1>
    %and3A_743 = arith.andi %and3A, %and3A_742 : vector<256x128xi1>
    %or3A_744 = arith.ori %gt3A_484, %and3A_743 : vector<256x128xi1>
    %get3A_745 = arith.constant 0 : index
    %get3A_746 = arith.constant 0 : index
    %get3A_747 = vector.load %arg1[%get3A_745, %get3A_746] : memref<32x128xf32, #tpu.memory_space<vmem>>, vector<32x128xf32>
    %mul3A_748 = arith.mulf %get3A_747, %get3A_747 : vector<32x128xf32>
    %reduce_sum3A_749 = vector.shape_cast %mul3A_748 : vector<32x128xf32> to vector<1x32x128xf32>
    %reduce_sum3A_750 = arith.constant dense<0.000000e+00> : vector<1xf32>
    %reduce_sum3A_751 = vector.multi_reduction <add>, %reduce_sum3A_749, %reduce_sum3A_750 [1, 2] : vector<1x32x128xf32> to vector<1xf32>
    %reduce_sum3A_752 = vector.shape_cast %reduce_sum3A_751 : vector<1xf32> to vector<1x1x1xf32>
    %reduce_sum3A_753 = vector.extract %reduce_sum3A_752[0, 0, 0] : f32 from vector<1x1x1xf32>
    %sqrt3A = math.sqrt %reduce_sum3A_753 : f32
    %div3A = vector.broadcast %sqrt3A : f32 to vector<256x128xf32>
    %div3A_754 = arith.divf %get3A_1, %div3A : vector<256x128xf32>
    %neg3A = arith.constant 0.000000e+00 : f32
    %neg3A_755 = vector.broadcast %neg3A : f32 to vector<256x128xf32>
    %neg3A_756 = arith.subf %neg3A_755, %div3A_754 : vector<256x128xf32>
    %exp3A = math.exp %neg3A_756 : vector<256x128xf32>
    %add3A_757 = arith.constant 1.000000e+00 : f32
    %add3A_758 = vector.broadcast %add3A_757 : f32 to vector<256x128xf32>
    %add3A_759 = arith.addf %add3A_758, %exp3A : vector<256x128xf32>
    %div3A_760 = arith.constant 1.000000e+00 : f32
    %div3A_761 = vector.broadcast %div3A_760 : f32 to vector<256x128xf32>
    %div3A_762 = arith.divf %div3A_761, %add3A_759 : vector<256x128xf32>
    %jit3A_763 = arith.constant 0.000000e+00 : f32
    %broadcast_in_dim3A_764 = vector.broadcast %jit3A_763 : f32 to vector<256x128xf32>
    %select_n3A_765 = arith.select %or3A_744, %div3A_762, %broadcast_in_dim3A_764 : vector<256x128xi1>, vector<256x128xf32>
    %swap3A = arith.constant 0 : index
    %swap3A_766 = arith.constant 0 : index
    %swap3A_767 = vector.load %arg2[%swap3A, %swap3A_766] : memref<256x128xf32, #tpu.memory_space<vmem>>, vector<256x128xf32>
    tpu.vector_store %arg2[%swap3A, %swap3A_766], %select_n3A_765 {strides = array<i32>} : memref<256x128xf32, #tpu.memory_space<vmem>>, vector<256x128xf32>,
    return
  }
}

</mosaic_0001>

<sc_bundles>
// kernel: kernel.6.cloned.1.call-start
scs
__scs_entry_jumppad:
0x0: {  	(pc) =	sbr.rel $0x88, $3  }
0x1: {  	(tag) =	ssettag $0x0;
	lr =	simm.s32 $0x1  }
0x2: {  	[smem:$0x3F9F] =	sst lr;
	_ =	strace $0xD0000000  }
0x3: {  	_ = 	snop  }
0x4: {  	_ = 	snop  }
0x5: {  	_ = 	snop  }
0x6: {  	_ = 	snop  }
0x7: {  	_ = 	snop  }
__scs_overlays_trampoline_lowered:
0x8: {  	[smem:$0x3FAE] =	sst s0  }
0x9: {  	[smem:$0x3FAF] =	sst s1  }
0xa: {  	[smem:$0x3FB0] =	sst s2  }
0xb: {  	[smem:$0x3FB1] =	sst s3  }
0xc: {  	[smem:$0x3FB2] =	sst s4  }
0xd: {  	[smem:$0x3FB3] =	sst s5  }
0xe: {  	[smem:$0x3FB4] =	sst s6  }
0xf: {  	[smem:$0x3FB5] =	sst s7  }
0x10: {  	[smem:$0x3FB6] =	sst s8  }
0x11: {  	[smem:$0x3FB7] =	sst s9;
	s0 =	simm.s32 @!p0 $0x0  }
0x12: {  	s1 =	sld [smem:$0x3F9D];
	s0 =	simm.s32 @p0 $0x1  }
0x13: {  	[smem:$0x3FB8] =	sst s0;
	s0 =	simm.s32 @!p1 $0x0  }
0x14: {  	s2 =	sld [smem:$0x3F9C];
	s0 =	simm.s32 @p1 $0x1  }
0x15: {  	[smem:$0x3FB9] =	sst s0;
	s0 =	simm.s32 @!p2 $0x0  }
0x16: {  	s3 =	sld [smem:$0x3FDB];
	s0 =	simm.s32 @p2 $0x1  }
0x17: {  	s4 =	simm.s32 $0x1BF5;
	[smem:$0x3FBB] =	sst s0  }
0x18: {  	s0 =	sld [smem:$0x3F9E];
	_ =	swait.ge [sflag:s4], $0x0  }
0x19: {  	s7 =	sld [smem:$0x3F9F]  }
0x1a: {  	s8 =	sadd.s32 $0xFFFFE003, lr  }
0x1b: {  	s9 =	sadd.s32 $0xFFFFFEF7, lr;
	s5 =	simm.s32 $0xFFFFFFFF;
	p2 =	slt.u32 s8, $0xFFFFF086  }
0x1c: {  	p1 =	slt.u32 s9, $0xF7A;
	s5 =	simm.s32 @!p2 $0x0  }
0x1d: {  	s5 =	simm.s32 @p1 $0x1;
	p0 =	seq.s32 s7, s2  }
0x1e: {  	s7 =	smul.u32 @!p0 $0xF7A, s2;
	p2 =	seq.s32 @!p0 s5, $0x0  }
0x1f: {  	s9 =	smul.u32 $0xF7A, s1;
	s8 =	simm.s32 @!p0 $0x1BF5;
	p2 =	por !p2, p0  }
0x20: {  	[sflag:s8] =	ssyncset.s32 @!p0 $0xFFFFF086;
	s6 =	sadd.s32 @!p0 s3, s7;
	s7 =	simm.s32 @!p0 $0x108  }
0x21: {  	s3 =	sadd.s32 s3, s9;
	s6 =	sadd.s32 @!p0 $0x88, s6;
	s7 =	simm.s32 @p2 $0x1082  }
0x22: {  	[simem:s7], [sflag:s8] =	dma.local @!p0 [hbm:s6], $0xF7A  }
0x23: {  	s9 =	sor.u32 $0xD0000000, s2;
	s6 =	simm.s32 $0x108;
	_ =	swait.ge @!p0 [sflag:s8], $0x0  }
0x24: {  	s3 =	sadd.s32 $0x88, s3;
	s6 =	simm.s32 @!p1 $0x1082;
	[sflag:s4] =	ssyncset.s32 $0xFFFFF086  }
0x25: {  	[simem:s6], [sflag:s4] =	dma.local [hbm:s3], $0xF7A  }
0x26: {  	[smem:$0x3F9F] =	sst s1;
	(tag) =	ssettag s2;
	_ =	strace s9  }
0x27: {  	s1 =	sld [smem:$0x3FAF]  }
0x28: {  	s2 =	sld [smem:$0x3FB0]  }
0x29: {  	s4 =	sld [smem:$0x3FB2]  }
0x2a: {  	p0 =	seq.s32 s5, $0x0;
	s5 =	sld [smem:$0x3FB3]  }
0x2b: {  	s6 =	sld [smem:$0x3FB4]  }
0x2c: {  	s7 =	sld [smem:$0x3FB5]  }
0x2d: {  	s3 =	simm.s32 $0x108;
	s8 =	sld [smem:$0x3FB6]  }
0x2e: {  	s3 =	simm.s32 @!p0 $0x1082;
	s9 =	sld [smem:$0x3FB7]  }
0x2f: {  	lr =	sadd.s32 s0, s3;
	s0 =	sld [smem:$0x3FAE]  }
0x30: {  	s3 =	sld [smem:$0x3FB1]  }
0x31: {  	[smem:$0x3FBA] =	sst s10  }
0x32: {  	s10 =	sld [smem:$0x3FB8];
	_ =	sdelay $0x3  }
0x33: {  	p0 =	seq.s32 s10, $0x1;
	s10 =	sld [smem:$0x3FBA];
	_ =	sdelay $0x3  }
0x34: {  	[smem:$0x3FBA] =	sst s10  }
0x35: {  	s10 =	sld [smem:$0x3FB9];
	_ =	sdelay $0x3  }
0x36: {  	p1 =	seq.s32 s10, $0x1;
	s10 =	sld [smem:$0x3FBA];
	_ =	sdelay $0x3  }
0x37: {  	[smem:$0x3FBA] =	sst s10  }
0x38: {  	s10 =	sld [smem:$0x3FBB]  }
0x39: {  	_ = 	snop;
	(pc) =	sbr.ind lr, $3  }
0x3a: {  	_ = 	snop  }
0x3b: {  	_ = 	snop  }
0x3c: {  	p2 =	seq.s32 s10, $0x1;
	s10 =	sld [smem:$0x3FBA]  }
0x3d: {  	_ =	shalt  }
0x3e: {  	_ =	shalt  }
0x3f: {  	_ =	shalt  }
0x40: {  	_ =	shalt  }
0x41: {  	_ =	shalt  }
0x42: {  	_ =	shalt  }
0x43: {  	_ =	shalt  }
0x44: {  	_ =	shalt  }
0x45: {  	_ =	shalt  }
0x46: {  	_ =	shalt  }
0x47: {  	_ =	shalt  }
0x48: {  	_ =	shalt  }
0x49: {  	_ =	shalt  }
0x4a: {  	_ =	shalt  }
0x4b: {  	_ =	shalt  }
0x4c: {  	_ =	shalt  }
0x4d: {  	_ =	shalt  }
0x4e: {  	_ =	shalt  }
0x4f: {  	_ =	shalt  }
0x50: {  	_ =	shalt  }
0x51: {  	_ =	shalt  }
0x52: {  	_ =	shalt  }
0x53: {  	_ =	shalt  }
0x54: {  	_ =	shalt  }
0x55: {  	_ =	shalt  }
0x56: {  	_ =	shalt  }
0x57: {  	_ =	shalt  }
0x58: {  	_ =	shalt  }
0x59: {  	_ =	shalt  }
0x5a: {  	_ =	shalt  }
0x5b: {  	_ =	shalt  }
0x5c: {  	_ =	shalt  }
0x5d: {  	_ =	shalt  }
0x5e: {  	_ =	shalt  }
0x5f: {  	_ =	shalt  }
0x60: {  	_ =	shalt  }
0x61: {  	_ =	shalt  }
0x62: {  	_ =	shalt  }
0x63: {  	_ =	shalt  }
0x64: {  	_ =	shalt  }
0x65: {  	_ =	shalt  }
0x66: {  	_ =	shalt  }
0x67: {  	_ =	shalt  }
0x68: {  	_ =	shalt  }
0x69: {  	_ =	shalt  }
0x6a: {  	_ =	shalt  }
0x6b: {  	_ =	shalt  }
0x6c: {  	_ =	shalt  }
0x6d: {  	_ =	shalt  }
0x6e: {  	_ =	shalt  }
0x6f: {  	_ =	shalt  }
0x70: {  	_ =	shalt  }
0x71: {  	_ =	shalt  }
0x72: {  	_ =	shalt  }
0x73: {  	_ =	shalt  }
0x74: {  	_ =	shalt  }
0x75: {  	_ =	shalt  }
0x76: {  	_ =	shalt  }
0x77: {  	_ =	shalt  }
0x78: {  	_ =	shalt  }
0x79: {  	_ =	shalt  }
0x7a: {  	_ =	shalt  }
0x7b: {  	_ =	shalt  }
0x7c: {  	_ =	shalt  }
0x7d: {  	_ =	shalt  }
0x7e: {  	_ =	shalt  }
0x7f: {  	_ =	shalt  }
0x80: {  	_ =	shalt  }
0x81: {  	_ =	shalt  }
0x82: {  	_ =	shalt  }
0x83: {  	_ =	shalt  }
0x84: {  	_ =	shalt  }
0x85: {  	_ =	shalt  }
0x86: {  	_ =	shalt  }
0x87: {  	_ =	shalt  }
.Lfunc_end0:
.L_simem_size_0:
called_computation_lowered:
.L_overlay_start_0:
0x88: {  	s2 =	sld [smem:$0x3FD9]  }
0x89: {  	s3 =	sld [smem:$0x3FFE];
	_ =	sdelay $0x1  }
0x8a: {  	s1 =	srdreg.scid  }
0x8b: {  	s0 =	sand.u32 $0x1, s1  }
0x8c: {  	s17 =	sshll.u32 s0, $0xA;
	s2 =	sadd.s32 s3, s2  }
0x8d: {  	s2 =	sadd.s32 s2, s17  }
0x8e: {  	[smem:$0x3FC6] =	sst s2  }
0x8f: {  	_ = 	snop  }
0x90: {  	s2 =	sld [smem:$0x3FC9];
	(tm) =	ssettm $0x1  }
0x91: {  	s18 =	sld [smem:$0x3FFB];
	_ =	sdelay $0x3  }
0x92: {  	_ =	strace s18  }
0x93: {  	s3 =	sld [smem:$0x3FFC];
	_ =	sdelay $0x3  }
0x94: {  	_ =	strace s3  }
0x95: {  	s3 =	sld [smem:$0x3FFD];
	_ =	sdelay $0x3  }
0x96: {  	_ =	strace s3  }
0x97: {  	_ =	strace $0x8FFFFFFF  }
0x98: {  	s19 =	sld [smem:$0x3FDB];
	_ =	sdelay $0x1  }
0x99: {  	s4 =	simm.s32 $_scs_section_size  }
0x9a: {  	s5 =	simm.s32 $_size__tile_overlayer_lowered;
	s6 =	simm.s32 $_tile_overlayer_lowered  }
0x9b: {  	s22 =	simm.s32 $0x1BFF;
	s21 =	sshll.u32 s6, $0x1;
	s3 =	sadd.s32 s4, s19  }
0x9c: {  	s7 =	simm.s32 $0x0;
	s20 =	sshll.u32 s5, $0x1;
	s5 =	sadd.s32 s21, s3  }
0x9d: {  	[timem:s7], [sflag:s22] =	dma.local [hbm:s5], s20  }
0x9e: {  	_ =	swait.ge [sflag:s22], s20  }
0x9f: {  	s4 =	ssub.s32 $0x0, s20;
	[sflag:s22] =	ssyncset.done $0x0  }
0xa0: {  	[sflag:s22] =	ssyncadd.s32 s4;
	_ =	sdelay $0x1  }
0xa1: {  	s23 =	simm.s32 $0x1B8B  }
0xa2: {  	_ =	swait.ge [sflag:s23], $0x1  }
0xa3: {  	[sflag:s23] =	ssyncset.done $0x0  }
0xa4: {  	s25 =	simm.s32 $0x1B8E;
	s24 =	sld [smem:$0x3FFE];
	[sflag:s23] =	ssyncadd.s32 $0xFFFFFFFF  }
0xa5: {  	s26 =	simm.s32 $execute0_lowered;
	[smem:$0x3FD2] =	sst s25  }
0xa6: {  	s5 =	sshll.u32 s26, $0x1;
	_ =	strace $0x80000046;
	[dreg:$0x1] =	wrdreg $0xFFFFFFFF  }
0xa7: {  	s28 =	simm.s32 $_size_execute0_lowered;
	s3 =	sadd.s32 s3, s5;
	[dreg:$0x0] =	wrdreg $0x0  }
0xa8: {  	s5 =	sshll.u32 s28, $0x1;
	[dreg:$0x2] =	wrdreg s3  }
0xa9: {  	[dreg:$0x3] =	wrdreg s5  }
0xaa: {  	[dreg:$0x4] =	wrdreg $0xC0  }
0xab: {  	_ =	task [dreg:s7], $0x5FFFF  }
0xac: {  	[dreg:$0x1] =	wrdreg $0xFFFFFFFF  }
0xad: {  	[dreg:$0x0] =	wrdreg $0x60  }
0xae: {  	[dreg:$0x2] =	wrdreg s24  }
0xaf: {  	[dreg:$0x3] =	wrdreg s2  }
0xb0: {  	[dreg:$0x4] =	wrdreg $0x9  }
0xb1: {  	_ =	task.clear_ibuf [dreg:s7], $0x5FFFF;
	_ =	strace $0x90000046  }
0xb2: {  	s29 =	simm.s32 $0x9;
	_ =	strace $0x80000048  }
0xb3: {  	_ =	swait.ge [sflag:s29], $0x1  }
0xb4: {  	[sflag:s29] =	ssyncadd.s32 $0xFFFFFFFF  }
0xb5: {  	_ =	strace $0x90000048  }
0xb6: {  	_ =	sfence  }
0xb7: {  	s30 =	sld [smem:$0x0];
	_ =	sdelay $0x2  }
0xb8: {  	s31 =	sshll.u32 s1, $0xD;
	s1 =	sshrl.u32 s1, $0x2  }
0xb9: {  	s3 =	sand.u32 $0x4000, s31;
	s1 =	sadd.s32 s1, s30  }
0xba: {  	s0 =	sor.u32 s3, s0;
	s1 =	sshll.u32 s1, $0x11  }
0xbb: {  	s0 =	sor.u32 s1, s0  }
0xbc: {  	s0 =	sadd.s32 $0x8F2B, s0  }
0xbd: {  	[sflag:s0] =	ssyncadd.remote.s32 $0x1  }
0xbe: {  	_ =	sfence.sel $0xFFFF  }
0xbf: {  	[dreg:$0x0] =	wrdreg $0xFFFFFFFF;
	(pc) =	sbr.abs _section_cstart, $3  }
0xc0: {  	[dreg:$0x1] =	wrdreg $0xFFFFFFFF  }
0xc1: {  	_ =	task.clear_ibuf [dreg:s7], $0x2FFFF;
	_ =	strace $0x9FFFFFFF  }
0xc2: {  	(tm) =	ssettm $0x7FFFFFFF  }
0xc3: {  	_ =	shalt  }
tec
execute0_lowered:
.L_overlay_start_1:
0x0: {  	(tag) =	ssettag $0x1  }
0x1: {  	s0 =	srdreg.scid;
	s1 =	rddreg [dreg:$0x0]  }
0x2: {  	s2 =	stileid.u32;
	s19 =	rddreg [dreg:$0x1]  }
0x3: {  	s5 =	simm.s32 $0x0;
	s0 =	sand.u32 $0x1, s0;
	s3 =	sshll.u32 s2, $0x8  }
0x4: {  	s26 =	sshll.u32 s2, $0xD;
	[smem:$0x7FF] =	sst s5;
	s24 =	sadd.s32 $0x100, s19  }
0x5: {  	s6 =	sadd.s32 $0x200, s19;
	s7 =	sadd.s32 $0x300, s19;
	s8 =	sadd.s32 $0x400, s19  }
0x6: {  	s9 =	sadd.s32 $0x500, s19;
	s10 =	sadd.s32 $0x600, s19;
	s11 =	sadd.s32 $0x700, s19  }
0x7: {  	s12 =	sadd.s32 $0x800, s19;
	s13 =	sadd.s32 $0x900, s19;
	s14 =	sadd.s32 $0xA00, s19  }
0x8: {  	s15 =	sadd.s32 $0xB00, s19;
	s16 =	sadd.s32 $0xC00, s19;
	s17 =	sadd.s32 $0xD00, s19  }
0x9: {  	s18 =	sadd.s32 $0xE00, s19;
	s30 =	sshll.u32 s2, $0xB;
	s4 =	sshll.u32 s0, $0x7  }
0xa: {  	_ =	strace $0x80000047;
	s28 =	ssub.s32 $0x2, s0;
	s3 =	sor.u32 s4, s3  }
0xb: {  	s0 =	sshll.u32 s0, $0xA;
	[dreg:$0x5] =	wrdreg s24;
	s4 =	sor.u32 s26, s3  }
0xc: {  	s29 =	sshrl.u32 s28, $0x1;
	s0 =	sor.u32 s0, s30;
	s4 =	sand.u32 $0x18380, s4  }
.Ltmp0:
0xd: {  	s3 =	sadd.s32 s3, s1;
	s4 =	sshrl.u32 s4, $0x3;
	(pc) =	sbr.rel .LBB2_1-.Ltmp0, $4  }
0xe: {  	[dreg:$0x3] =	wrdreg s0;
	s3 =	sadd.s32 $0x600, s3;
	s1 =	sadd.s32 s4, s1  }
0xf: {  	[dreg:$0x4] =	wrdreg s3;
	s4 =	ssub.s32 s28, s29;
	s1 =	sadd.s32 $0x1600, s1  }
0x10: {  	s19 =	sadd.s32 $0xF00, s19;
	s31 =	smax.u32 s4, $0x1;
	[dreg:$0x6] =	wrdreg s1  }
0x11: {  	v0 =	vimm.f32 $0.0e+00;
	v1 =	vimm.s32 $0x0;
	s2 =	simm.s32 $0x3;
	[dreg:$0x7] =	wrdreg s31;
	s1 =	simm.s32 $0x0  }
.LBB2_13:
0x12: {  	s0 =	rddreg [dreg:$0x6]  }
0x13: {  	s1 =	simm.s32 $0x80;
	s2 =	simm.s32 $0x400;
	s3 =	simm.s32 $0x10D00  }
0x14: {  	[hbm4b:s0+s1] =	stream.strided.scatter [tilespmem:s3], [sflag:$0x3], $0x1000, s2, s1, $0x38;
	[tilespmem:$0x11D00] =	vst v63  }
0x15: {  	s2 =	simm.s32 $0x3  }
0x16: {  	_ =	swait.ge [sflag:s2], $0x1000  }
0x17: {  	s30 =	rddreg [dreg:$0x8]  }
0x18: {  	s31 =	rddreg [dreg:$0x7];
	s1 =	sadd.s32 $0x1, s30  }
0x19: {  	p0 =	sne.s32 s1, s31  }
.Ltmp1:
0x1a: {  	_ = 	snop;
	(pc) =	sbr.rel @!p0 .LBB2_14-.Ltmp1, $3  }
0x1b: {  	_ =	sdelay $0x1  }
0x1c: {  	[sflag:s2] =	ssyncset.done $0x0  }
0x1d: {  	[sflag:s2] =	ssyncadd.s32 $0xFFFFF000  }
.LBB2_1:
0x1e: {  	[dreg:$0x8] =	wrdreg s1  }
0x1f: {  	s0 =	simm.s32 $0x0;
	s31 =	rddreg [dreg:$0x4]  }
0x20: {  	[tilespmem:s0], [sflag:$0x3] =	stream.linear.gather [hbm4b:s31+s0], $0x400, $0x38;
	[tilespmem:$0x11D00] =	vst v63  }
0x21: {  	_ =	swait.ge [sflag:s2], $0x400  }
0x22: {  	[sflag:s2] =	ssyncset.done $0x0  }
0x23: {  	s0 =	simm.s32 $0x0;
	[sflag:s2] =	ssyncadd.s32 $0xFFFFFC00  }
.LBB2_2:
0x24: {  	p0 =	sne.s32 s0, $0x3FC0  }
.Ltmp2:
0x25: {  	_ = 	snop;
	(pc) =	sbr.rel @p0 .LBB2_2-.Ltmp2, $3  }
0x26: {  	_ =	sdelay $0x1  }
0x27: {  	s1 =	sshra.s32 s0, $0x2  }
0x28: {  	s0 =	sadd.s32 $0x40, s0;
	[tilespmem:s1+$0x10D00] =	vst v0  }
0x29: {  	s4 =	simm.s32 $0x0  }
0x2a: {  	v10 =	vld [tilespmem:s4+$0x0];
	_ =	sdelay $0x4  }
0x2b: {  	(v2sf) =	vpush v10, $0x0  }
0x2c: {  	(v2sf) =	vpush v10, $0x1  }
0x2d: {  	(v2sf) =	vpush v10, $0x2  }
0x2e: {  	(v2sf) =	vpush v10, $0xE;
	_ =	sdelay $0x1  }
0x2f: {  	(v2sf) =	vpush v10, $0x3;
	_ =	sdelay $0x2  }
0x30: {  	s0 =	rddreg [dreg:$0x3]  }
0x31: {  	s31 =	simm.s32 $0x10;
	s20 =	sadd.s32 $0x0, s0  }
0x32: {  	s25 =	simm.s32 $0x20;
	s3 =	sadd.s32 $0x3, s20;
	s0 =	sadd.s32 $0x2, s20  }
0x33: {  	s21 =	sadd.s32 $0x1, s20;
	s22 =	sadd.s32 $0x7, s20;
	s26 =	sadd.s32 $0x8, s20  }
0x34: {  	s28 =	sadd.s32 $0xD, s20;
	s5 =	sadd.s32 $0x4, s20;
	s29 =	sadd.s32 $0x5, s20;
	v3 =	vmov s20  }
0x35: {  	s1 =	sadd.s32 $0xF, s20;
	s23 =	sadd.s32 $0x6, s20;
	s24 =	sadd.s32 $0x9, s20;
	v14 =	vmov s0;
	v11 =	vmov s5;
	(v2sf) =	vpush v10, $0x4  }
0x36: {  	s2 =	sadd.s32 $0xB, s20;
	v13 =	vmov s29;
	s0 =	sadd.s32 $0xE, s20;
	v12 =	vmov s23;
	s5 =	sadd.s32 $0xA, s20;
	(v2sf) =	vpush v10, $0x5  }
0x37: {  	v9 =	vmov s22;
	s20 =	sadd.s32 $0xC, s20;
	s22 =	simm.s32 $0x1;
	v2 =	vadd.f32 $0.0e+00, v10;
	(v2sf) =	vpush v10, $0x6;
	s30 =	spop (v2sf)  }
0x38: {  	v8 =	vmov s26;
	v7 =	vmov s24;
	s26 =	simm.s32 $0x10;
	(v2sf) =	vpush v10, $0x7;
	p0 =	sgt.f32 s30, $0.0e+00;
	s30 =	spop (v2sf)  }
0x39: {  	v5 =	vmov s2;
	v15 =	vbroadcast v2, $0x0;
	(v2sf) =	vpush v10, $0x8;
	p1 =	sgt.f32 s30, $0.0e+00;
	s23 =	spop (v2sf);
	s30 =	simm.s32 $0x1  }
0x3a: {  	[tilespmem:s4+$0x400] =	vst v3;
	v3 =	vmov s28;
	v17 =	vmov s21;
	(v2sf) =	vpush v10, $0x9;
	s22 =	simm.s32 @!p0 $0x0;
	s24 =	spop (v2sf);
	p2 =	sgt.f32 s23, $0.0e+00  }
0x3b: {  	v6 =	vmov s5;
	v4 =	vmov s20;
	[tilespmem:s4+$0x880] =	vst v15;
	(v2sf) =	vpush v10, $0xA;
	s20 =	sadd.s32 $0x0, s22;
	s30 =	simm.s32 @!p1 $0x0;
	p0 =	sgt.f32 s24, $0.0e+00  }
0x3c: {  	v16 =	vbroadcast v2, $0x2;
	v15 =	vbroadcast v2, $0x1;
	s22 =	spop (v2sf);
	(v2sf) =	vpush v10, $0xB;
	s4 =	sadd.s32 s30, s20;
	[tilespmem:s20+$0x400] =	vst v17;
	s30 =	simm.s32 $0x10  }
.LBB2_4:
0x3d: {  	_ =	sdelay $0x4  }
0x3e: {  	s28 =	rddreg [dreg:$0x3];
	s29 =	simm.s32 $0x1;
	[tilespmem:s20+$0x880] =	vst v15  }
0x3f: {  	p3 =	sgt.f32 s22, $0.0e+00;
	s29 =	simm.s32 @!p2 $0x0;
	s20 =	simm.s32 $0x1;
	[tilespmem:s4+$0x400] =	vst v14  }
0x40: {  	[tilespmem:s4+$0x880] =	vst v16;
	s29 =	sadd.s32 s29, s4;
	v14 =	vmov s3;
	v16 =	vbroadcast v2, $0x3;
	s4 =	sadd.s32 s26, s28;
	s24 =	spop (v2sf)  }
0x41: {  	s20 =	simm.s32 @!p3 $0x0;
	[tilespmem:s29+$0x400] =	vst v14;
	v14 =	vbroadcast v2, $0x4;
	(v2sf) =	vpush v10, $0xC;
	p2 =	sgt.f32 s24, $0.0e+00;
	s2 =	spop (v2sf)  }
0x42: {  	s20 =	sadd.s32 s20, s29;
	[tilespmem:s29+$0x880] =	vst v16;
	s29 =	simm.s32 $0x1;
	s5 =	spop (v2sf)  }
0x43: {  	[tilespmem:s20+$0x880] =	vst v14;
	(v2sf) =	vpush v10, $0xD;
	p3 =	sgt.f32 s2, $0.0e+00;
	s29 =	simm.s32 @!p2 $0x0;
	s24 =	spop (v2sf)  }
0x44: {  	[tilespmem:s20+$0x400] =	vst v11;
	(v2sf) =	vpush v10, $0xF;
	v10 =	vbroadcast v2, $0x5;
	s20 =	sadd.s32 s29, s20;
	p2 =	sgt.f32 s24, $0.0e+00;
	s24 =	simm.s32 $0x1  }
0x45: {  	s26 =	sadd.s32 $0x2, s4;
	[tilespmem:s20+$0x400] =	vst v13;
	s24 =	simm.s32 @!p3 $0x0;
	p3 =	sgt.f32 s5, $0.0e+00  }
0x46: {  	v14 =	vmov s26;
	s26 =	simm.s32 $0x1;
	[tilespmem:s20+$0x880] =	vst v10;
	v10 =	vbroadcast v2, $0x6;
	s23 =	sadd.s32 s24, s20  }
0x47: {  	s21 =	smov.u32 s25;
	s2 =	spop (v2sf);
	[tilespmem:s23+$0x400] =	vst v12;
	s26 =	simm.s32 @!p3 $0x0  }
0x48: {  	p4 =	sgt.f32 s2, $0.0e+00;
	s2 =	simm.s32 $0x1;
	[tilespmem:s23+$0x880] =	vst v10;
	v10 =	vbroadcast v2, $0x7;
	s24 =	sadd.s32 s26, s23  }
0x49: {  	s22 =	sadd.s32 $0x8, s4;
	s2 =	simm.s32 @!p2 $0x0;
	s23 =	sadd.s32 $0x4, s4;
	[tilespmem:s24+$0x400] =	vst v9  }
0x4a: {  	s5 =	spop (v2sf);
	v11 =	vmov s23;
	[tilespmem:s24+$0x880] =	vst v10;
	s2 =	sadd.s32 s2, s24;
	v9 =	vbroadcast v2, $0x8;
	s23 =	simm.s32 $0x1  }
0x4b: {  	p3 =	sgt.f32 s5, $0.0e+00;
	s5 =	sadd.s32 $0x5, s4;
	[tilespmem:s2+$0x400] =	vst v8;
	s23 =	simm.s32 @!p4 $0x0  }
0x4c: {  	s26 =	spop (v2sf);
	v13 =	vmov s5;
	s5 =	simm.s32 $0x1;
	v8 =	vbroadcast v2, $0x9;
	[tilespmem:s2+$0x880] =	vst v9;
	s2 =	sadd.s32 s23, s2  }
0x4d: {  	p2 =	sgt.f32 s26, $0.0e+00;
	s26 =	sadd.s32 $0x6, s4;
	s5 =	simm.s32 @!p3 $0x0;
	[tilespmem:s2+$0x400] =	vst v7  }
0x4e: {  	s23 =	spop (v2sf);
	v7 =	vbroadcast v2, $0xA;
	[tilespmem:s2+$0x880] =	vst v8;
	s2 =	sadd.s32 s5, s2;
	s5 =	simm.s32 $0x1  }
0x4f: {  	v12 =	vmov s26;
	s26 =	smov.u32 s21;
	p3 =	sgt.f32 s23, $0.0e+00;
	[tilespmem:s2+$0x400] =	vst v6;
	s5 =	simm.s32 @!p2 $0x0  }
0x50: {  	v17 =	vbroadcast v2, $0xB;
	s21 =	simm.s32 $0x1;
	[tilespmem:s2+$0x880] =	vst v7;
	s2 =	sadd.s32 s5, s2;
	s23 =	spop (v2sf)  }
0x51: {  	s29 =	sadd.s32 $0x7, s4;
	s21 =	simm.s32 @!p3 $0x0;
	[tilespmem:s2+$0x400] =	vst v5;
	p2 =	sgt.f32 s23, $0.0e+00  }
0x52: {  	v9 =	vmov s29;
	v8 =	vmov s22;
	s22 =	simm.s32 $0x1;
	v6 =	vbroadcast v2, $0xC;
	[tilespmem:s2+$0x880] =	vst v17;
	s2 =	sadd.s32 s21, s2;
	s29 =	spop (v2sf)  }
0x53: {  	[tilespmem:s2+$0x400] =	vst v4;
	p3 =	sgt.f32 s29, $0.0e+00;
	s22 =	simm.s32 @!p2 $0x0  }
0x54: {  	v5 =	vbroadcast v2, $0xD;
	[tilespmem:s2+$0x880] =	vst v6;
	s2 =	sadd.s32 s22, s2;
	s22 =	simm.s32 $0x1  }
0x55: {  	s21 =	spop (v2sf);
	[tilespmem:s2+$0x400] =	vst v3;
	s22 =	simm.s32 @!p3 $0x0  }
0x56: {  	v10 =	vmov s0;
	v4 =	vbroadcast v2, $0xE;
	p2 =	sgt.f32 s21, $0.0e+00;
	s21 =	simm.s32 $0x1;
	[tilespmem:s2+$0x880] =	vst v5;
	s2 =	sadd.s32 s22, s2  }
0x57: {  	s21 =	simm.s32 @!p0 $0x0;
	[tilespmem:s2+$0x400] =	vst v10  }
0x58: {  	v16 =	vmov s1;
	v2 =	vbroadcast v2, $0xF;
	[tilespmem:s2+$0x880] =	vst v4;
	s2 =	sadd.s32 s21, s2  }
0x59: {  	[tilespmem:s2+$0x400] =	vst v16  }
0x5a: {  	[tilespmem:s2+$0x880] =	vst v2  }
0x5b: {  	v10 =	vld [tilespmem:s30+$0x0];
	_ =	sdelay $0x4  }
0x5c: {  	(v2sf) =	vpush v10, $0x0;
	_ =	sdelay $0x1  }
0x5d: {  	(v2sf) =	vpush v10, $0x1  }
0x5e: {  	(v2sf) =	vpush v10, $0x2  }
0x5f: {  	(v2sf) =	vpush v10, $0xE;
	_ =	sdelay $0x1  }
0x60: {  	(v2sf) =	vpush v10, $0x3;
	_ =	sdelay $0x4  }
0x61: {  	s31 =	sadd.s32 $0x10, s31;
	p1 =	sne.s32 s25, $0x3F0;
	s25 =	sadd.s32 $0x10, s25  }
0x62: {  	s3 =	sadd.s32 $0x3, s4;
	s28 =	sadd.s32 $0x1, s4;
	s24 =	sadd.s32 $0xE, s4  }
0x63: {  	s1 =	sadd.s32 $0xF, s4;
	s20 =	sadd.s32 $0xD, s4;
	s0 =	smov.u32 s24  }
0x64: {  	s24 =	sadd.s32 $0xB, s4;
	s5 =	simm.s32 $0x1;
	s23 =	sadd.s32 $0x9, s4;
	(v2sf) =	vpush v10, $0x4  }
0x65: {  	v15 =	vmov s4;
	s29 =	sadd.s32 $0xA, s4;
	s4 =	sadd.s32 $0xC, s4;
	(v2sf) =	vpush v10, $0x5;
	s22 =	spop (v2sf)  }
0x66: {  	s5 =	simm.s32 @!p2 $0x0;
	v4 =	vmov s4;
	s4 =	simm.s32 $0x1;
	v2 =	vadd.f32 $0.0e+00, v10;
	(v2sf) =	vpush v10, $0x6;
	p0 =	sgt.f32 s22, $0.0e+00  }
.Ltmp3:
0x67: {  	v7 =	vmov s23;
	s5 =	sadd.s32 s5, s2;
	(v2sf) =	vpush v10, $0x7;
	s23 =	spop (v2sf);
	(pc) =	sbr.rel @p1 .LBB2_4-.Ltmp3, $4  }
0x68: {  	v5 =	vmov s24;
	v17 =	vbroadcast v2, $0x0;
	(v2sf) =	vpush v10, $0x8;
	p2 =	sgt.f32 s23, $0.0e+00;
	s24 =	spop (v2sf);
	s4 =	simm.s32 @!p0 $0x0  }
0x69: {  	v6 =	vmov s29;
	v3 =	vmov s20;
	[tilespmem:s5+$0x400] =	vst v15;
	(v2sf) =	vpush v10, $0x9;
	s29 =	spop (v2sf);
	s20 =	sadd.s32 s4, s5;
	s4 =	simm.s32 $0x1  }
0x6a: {  	s30 =	smov.u32 s31;
	[tilespmem:s5+$0x880] =	vst v17;
	v17 =	vmov s28;
	(v2sf) =	vpush v10, $0xA;
	p0 =	sgt.f32 s29, $0.0e+00;
	s4 =	simm.s32 @!p2 $0x0  }
0x6b: {  	v16 =	vbroadcast v2, $0x2;
	v15 =	vbroadcast v2, $0x1;
	s22 =	spop (v2sf);
	(v2sf) =	vpush v10, $0xB;
	p2 =	sgt.f32 s24, $0.0e+00;
	[tilespmem:s20+$0x400] =	vst v17;
	s4 =	sadd.s32 s4, s20  }
0x6c: {  	_ =	sdelay $0x4  }
0x6d: {  	s2 =	simm.s32 $0x1;
	[tilespmem:s20+$0x880] =	vst v15  }
0x6e: {  	p1 =	sgt.f32 s22, $0.0e+00;
	s2 =	simm.s32 @!p2 $0x0;
	[tilespmem:s4+$0x400] =	vst v14  }
0x6f: {  	v32 =	vmov s3;
	v33 =	vbroadcast v2, $0x3;
	s3 =	simm.s32 $0x1;
	[tilespmem:s4+$0x880] =	vst v16;
	s2 =	sadd.s32 s2, s4;
	s5 =	spop (v2sf)  }
0x70: {  	(v2sf) =	vpush v10, $0xC;
	v34 =	vbroadcast v2, $0x4;
	s3 =	simm.s32 @!p1 $0x0;
	[tilespmem:s2+$0x400] =	vst v32;
	p2 =	sgt.f32 s5, $0.0e+00  }
0x71: {  	[tilespmem:s2+$0x880] =	vst v33;
	s2 =	sadd.s32 s3, s2;
	s3 =	simm.s32 $0x1;
	s29 =	spop (v2sf)  }
0x72: {  	(v2sf) =	vpush v10, $0xD;
	[tilespmem:s2+$0x880] =	vst v34;
	p1 =	sgt.f32 s29, $0.0e+00;
	s3 =	simm.s32 @!p2 $0x0  }
0x73: {  	v35 =	vbroadcast v2, $0x5;
	[tilespmem:s2+$0x400] =	vst v11;
	s5 =	spop (v2sf);
	s2 =	sadd.s32 s3, s2;
	s3 =	simm.s32 $0x1  }
0x74: {  	[tilespmem:s2+$0x400] =	vst v13;
	s3 =	simm.s32 @!p1 $0x0;
	p1 =	sgt.f32 s5, $0.0e+00  }
0x75: {  	v36 =	vbroadcast v2, $0x6;
	s20 =	spop (v2sf);
	[tilespmem:s2+$0x880] =	vst v35;
	s2 =	sadd.s32 s3, s2;
	s3 =	simm.s32 $0x1  }
0x76: {  	p2 =	sgt.f32 s20, $0.0e+00;
	[tilespmem:s2+$0x400] =	vst v12;
	s3 =	simm.s32 @!p1 $0x0  }
0x77: {  	v37 =	vbroadcast v2, $0x7;
	s21 =	spop (v2sf);
	[tilespmem:s2+$0x880] =	vst v36;
	s2 =	sadd.s32 s3, s2;
	s3 =	simm.s32 $0x1  }
0x78: {  	p1 =	sgt.f32 s21, $0.0e+00;
	[tilespmem:s2+$0x400] =	vst v9;
	s3 =	simm.s32 @!p2 $0x0  }
0x79: {  	v38 =	vbroadcast v2, $0x8;
	s22 =	spop (v2sf);
	[tilespmem:s2+$0x880] =	vst v37;
	s2 =	sadd.s32 s3, s2;
	s3 =	simm.s32 $0x1  }
0x7a: {  	p2 =	sgt.f32 s22, $0.0e+00;
	[tilespmem:s2+$0x400] =	vst v8;
	s3 =	simm.s32 @!p1 $0x0  }
0x7b: {  	v39 =	vbroadcast v2, $0x9;
	s23 =	spop (v2sf);
	[tilespmem:s2+$0x880] =	vst v38;
	s2 =	sadd.s32 s3, s2;
	s3 =	simm.s32 $0x1  }
0x7c: {  	p1 =	sgt.f32 s23, $0.0e+00;
	[tilespmem:s2+$0x400] =	vst v7;
	s3 =	simm.s32 @!p2 $0x0  }
0x7d: {  	v40 =	vbroadcast v2, $0xA;
	s24 =	spop (v2sf);
	[tilespmem:s2+$0x880] =	vst v39;
	s2 =	sadd.s32 s3, s2;
	s3 =	simm.s32 $0x1  }
0x7e: {  	p2 =	sgt.f32 s24, $0.0e+00;
	[tilespmem:s2+$0x400] =	vst v6;
	s3 =	simm.s32 @!p1 $0x0  }
0x7f: {  	v41 =	vbroadcast v2, $0xB;
	s25 =	spop (v2sf);
	[tilespmem:s2+$0x880] =	vst v40;
	s2 =	sadd.s32 s3, s2;
	s3 =	simm.s32 $0x1  }
0x80: {  	p1 =	sgt.f32 s25, $0.0e+00;
	[tilespmem:s2+$0x400] =	vst v5;
	s3 =	simm.s32 @!p2 $0x0  }
0x81: {  	v42 =	vbroadcast v2, $0xC;
	s29 =	spop (v2sf);
	[tilespmem:s2+$0x880] =	vst v41;
	s2 =	sadd.s32 s3, s2;
	s3 =	simm.s32 $0x1  }
0x82: {  	p2 =	sgt.f32 s29, $0.0e+00;
	[tilespmem:s2+$0x400] =	vst v4;
	s3 =	simm.s32 @!p1 $0x0  }
0x83: {  	v43 =	vbroadcast v2, $0xD;
	[tilespmem:s2+$0x880] =	vst v42;
	s2 =	sadd.s32 s3, s2;
	s3 =	simm.s32 $0x1  }
0x84: {  	[tilespmem:s2+$0x400] =	vst v3;
	s3 =	simm.s32 @!p2 $0x0  }
0x85: {  	v44 =	vbroadcast v2, $0xE;
	v3 =	vmov s0;
	[tilespmem:s2+$0x880] =	vst v43;
	s5 =	sadd.s32 s3, s2;
	s2 =	simm.s32 $0x1  }
0x86: {  	[tilespmem:s5+$0x400] =	vst v3;
	s2 =	simm.s32 @!p0 $0x0  }
0x87: {  	v2 =	vbroadcast v2, $0xF;
	v3 =	vmov s1;
	[tilespmem:s5+$0x880] =	vst v44;
	s2 =	sadd.s32 s2, s5  }
0x88: {  	[tilespmem:s2+$0x400] =	vst v3  }
0x89: {  	[tilespmem:s2+$0x880] =	vst v2  }
0x8a: {  	v3 =	vld [tilespmem:s30+$0x0];
	_ =	sdelay $0x2  }
0x8b: {  	(v2sf) =	vpush v10, $0xF;
	_ =	sdelay $0x1  }
0x8c: {  	(v2sf) =	vpush v3, $0x0  }
0x8d: {  	(v2sf) =	vpush v3, $0x1  }
0x8e: {  	(v2sf) =	vpush v3, $0x2;
	_ =	sdelay $0x1  }
0x8f: {  	(v2sf) =	vpush v3, $0xE  }
0x90: {  	(v2sf) =	vpush v3, $0x3;
	_ =	sdelay $0x2  }
0x91: {  	(v2sf) =	vpush v3, $0x4  }
0x92: {  	(v2sf) =	vpush v3, $0x5;
	_ =	sdelay $0x1  }
0x93: {  	(v2sf) =	vpush v3, $0x6  }
0x94: {  	s20 =	rddreg [dreg:$0x3]  }
0x95: {  	s0 =	sadd.s32 s26, s20;
	s21 =	spop (v2sf)  }
0x96: {  	s28 =	simm.s32 $0x1;
	s23 =	sadd.s32 $0x2, s0;
	p0 =	sgt.f32 s21, $0.0e+00;
	(v2sf) =	vpush v3, $0x7  }
0x97: {  	s24 =	sadd.s32 $0x1, s0;
	s20 =	sadd.s32 $0x7, s0;
	v2 =	vadd.f32 $0.0e+00, v3;
	s21 =	spop (v2sf)  }
0x98: {  	s28 =	simm.s32 @!p0 $0x0;
	(v2sf) =	vpush v3, $0x8;
	p1 =	sgt.f32 s21, $0.0e+00;
	s29 =	spop (v2sf)  }
0x99: {  	v45 =	vmov s0;
	s2 =	sadd.s32 s28, s2;
	v46 =	vbroadcast v2, $0x0;
	s21 =	simm.s32 $0x1;
	s28 =	spop (v2sf)  }
0x9a: {  	[tilespmem:s2+$0x400] =	vst v45;
	p0 =	sgt.f32 s29, $0.0e+00;
	s21 =	simm.s32 @!p1 $0x0;
	p1 =	sgt.f32 s28, $0.0e+00  }
0x9b: {  	v47 =	vmov s24;
	v48 =	vbroadcast v2, $0x1;
	[tilespmem:s2+$0x880] =	vst v46;
	(v2sf) =	vpush v3, $0x9;
	s28 =	simm.s32 $0x1;
	s29 =	sadd.s32 s21, s2;
	s2 =	spop (v2sf)  }
0x9c: {  	(v2sf) =	vpush v3, $0xA;
	s28 =	simm.s32 @!p0 $0x0;
	[tilespmem:s29+$0x400] =	vst v47;
	p0 =	sgt.f32 s2, $0.0e+00;
	s2 =	spop (v2sf)  }
0x9d: {  	v49 =	vmov s23;
	v50 =	vbroadcast v2, $0x2;
	(v2sf) =	vpush v3, $0xB;
	s24 =	sadd.s32 s28, s29;
	[tilespmem:s29+$0x880] =	vst v48;
	p2 =	sgt.f32 s2, $0.0e+00;
	s2 =	simm.s32 $0x1  }
0x9e: {  	s26 =	sadd.s32 $0x4, s0;
	s5 =	sadd.s32 $0x3, s0;
	(v2sf) =	vpush v3, $0xC;
	[tilespmem:s24+$0x400] =	vst v49;
	s2 =	simm.s32 @!p1 $0x0  }
0x9f: {  	s23 =	simm.s32 $0x1;
	v51 =	vmov s5;
	v52 =	vbroadcast v2, $0x3;
	(v2sf) =	vpush v3, $0xD;
	s29 =	spop (v2sf);
	[tilespmem:s24+$0x880] =	vst v50;
	s2 =	sadd.s32 s2, s24  }
0xa0: {  	(v2sf) =	vpush v3, $0xF;
	v3 =	vbroadcast v2, $0x4;
	p1 =	sgt.f32 s29, $0.0e+00;
	s24 =	spop (v2sf);
	s23 =	simm.s32 @!p2 $0x0;
	[tilespmem:s2+$0x400] =	vst v51  }
0xa1: {  	p2 =	sgt.f32 s24, $0.0e+00;
	s24 =	simm.s32 $0x1;
	[tilespmem:s2+$0x880] =	vst v52;
	s2 =	sadd.s32 s23, s2  }
0xa2: {  	s22 =	sadd.s32 $0x5, s0;
	v53 =	vmov s26;
	s5 =	spop (v2sf);
	s24 =	simm.s32 @!p1 $0x0;
	[tilespmem:s2+$0x880] =	vst v3  }
0xa3: {  	v54 =	vbroadcast v2, $0x5;
	p1 =	sgt.f32 s5, $0.0e+00;
	s5 =	simm.s32 $0x1;
	v3 =	vmov s22;
	[tilespmem:s2+$0x400] =	vst v53;
	s24 =	sadd.s32 s24, s2  }
0xa4: {  	s4 =	sadd.s32 $0x8, s0;
	s25 =	sadd.s32 $0x6, s0;
	s5 =	simm.s32 @!p2 $0x0;
	[tilespmem:s24+$0x400] =	vst v3  }
0xa5: {  	v55 =	vbroadcast v2, $0x6;
	s29 =	spop (v2sf);
	s2 =	simm.s32 $0x1;
	s5 =	sadd.s32 s5, s24;
	v3 =	vmov s25;
	[tilespmem:s24+$0x880] =	vst v54  }
0xa6: {  	s3 =	sadd.s32 $0x9, s0;
	p2 =	sgt.f32 s29, $0.0e+00;
	s2 =	simm.s32 @!p1 $0x0;
	[tilespmem:s5+$0x400] =	vst v3  }
0xa7: {  	v56 =	vbroadcast v2, $0x7;
	s23 =	simm.s32 $0x1;
	s26 =	spop (v2sf);
	v3 =	vmov s20;
	[tilespmem:s5+$0x880] =	vst v55;
	s2 =	sadd.s32 s2, s5  }
0xa8: {  	s1 =	sadd.s32 $0xB, s0;
	p3 =	sgt.f32 s26, $0.0e+00;
	s23 =	simm.s32 @!p2 $0x0;
	[tilespmem:s2+$0x400] =	vst v3  }
0xa9: {  	v57 =	vbroadcast v2, $0x8;
	s21 =	sadd.s32 $0xA, s0;
	s22 =	simm.s32 $0x1;
	s24 =	sadd.s32 s23, s2;
	v3 =	vmov s4;
	[tilespmem:s2+$0x880] =	vst v56  }
0xaa: {  	s5 =	sadd.s32 $0xC, s0;
	s22 =	simm.s32 @!p3 $0x0;
	s29 =	spop (v2sf);
	[tilespmem:s24+$0x400] =	vst v3  }
0xab: {  	s4 =	simm.s32 $0x1;
	s25 =	sadd.s32 s22, s24;
	v3 =	vmov s3;
	[tilespmem:s24+$0x880] =	vst v57;
	p1 =	sgt.f32 s29, $0.0e+00  }
0xac: {  	s22 =	simm.s32 $0x1;
	s20 =	spop (v2sf);
	[tilespmem:s25+$0x400] =	vst v3;
	v3 =	vmov s21;
	s21 =	simm.s32 $0x1  }
0xad: {  	p2 =	sgt.f32 s20, $0.0e+00;
	s26 =	spop (v2sf);
	s22 =	simm.s32 @!p1 $0x0  }
0xae: {  	v58 =	vbroadcast v2, $0x9;
	s20 =	simm.s32 $0x1;
	s29 =	sadd.s32 s22, s25;
	s22 =	spop (v2sf)  }
0xaf: {  	p1 =	sgt.f32 s26, $0.0e+00;
	s4 =	simm.s32 @!p2 $0x0;
	p2 =	sgt.f32 s22, $0.0e+00  }
0xb0: {  	v59 =	vbroadcast v2, $0xA;
	[tilespmem:s25+$0x880] =	vst v58;
	s23 =	spop (v2sf);
	s22 =	simm.s32 $0x1;
	s24 =	sadd.s32 s4, s29  }
0xb1: {  	[tilespmem:s29+$0x400] =	vst v3;
	v3 =	vmov s1;
	s1 =	simm.s32 $0x1;
	s22 =	simm.s32 @!p1 $0x0;
	p3 =	sgt.f32 s23, $0.0e+00  }
0xb2: {  	v60 =	vbroadcast v2, $0xB;
	[tilespmem:s29+$0x880] =	vst v59;
	s25 =	spop (v2sf);
	s4 =	sadd.s32 s22, s24;
	s21 =	simm.s32 @!p2 $0x0  }
0xb3: {  	[tilespmem:s24+$0x400] =	vst v3;
	p1 =	sgt.f32 s25, $0.0e+00;
	s26 =	sadd.s32 s21, s4;
	s1 =	simm.s32 @!p3 $0x0  }
0xb4: {  	v61 =	vbroadcast v2, $0xC;
	s2 =	simm.s32 $0x1;
	s20 =	simm.s32 @!p0 $0x0;
	v3 =	vmov s5;
	[tilespmem:s24+$0x880] =	vst v60;
	s1 =	sadd.s32 s1, s26  }
0xb5: {  	s29 =	sadd.s32 $0xD, s0;
	[tilespmem:s4+$0x400] =	vst v3;
	s2 =	simm.s32 @!p1 $0x0;
	s20 =	sadd.s32 s20, s1  }
0xb6: {  	v62 =	vbroadcast v2, $0xD;
	v3 =	vmov s29;
	[tilespmem:s4+$0x880] =	vst v61;
	s2 =	sadd.s32 s2, s20  }
0xb7: {  	s5 =	sadd.s32 $0xE, s0;
	[tilespmem:s26+$0x400] =	vst v3;
	s21 =	sadd.s32 $0x7, s2  }
0xb8: {  	v63 =	vbroadcast v2, $0xE;
	s0 =	sadd.s32 $0xF, s0;
	v3 =	vmov s5;
	[tilespmem:s26+$0x880] =	vst v62;
	s22 =	sand.u32 $0x7, s21  }
0xb9: {  	[tilespmem:s1+$0x400] =	vst v3;
	s23 =	sshra.s32 s21, $0x1F;
	p4 =	slt.s32 s21, $0x1;
	p3 =	sne.s32 s22, $0x0  }
0xba: {  	v2 =	vbroadcast v2, $0xF;
	v3 =	vmov s0;
	[tilespmem:s1+$0x880] =	vst v63;
	s24 =	sshrl.u32 s23, $0x1D;
	p0 =	por !p4, !p3  }
0xbb: {  	s1 =	simm.s32 $0x1;
	[tilespmem:s20+$0x400] =	vst v3;
	s0 =	sadd.s32 s24, s21;
	p0 =	por !p0, !p0  }
0xbc: {  	[tilespmem:s20+$0x880] =	vst v2;
	s0 =	sshra.s32 s0, $0x3;
	s1 =	simm.s32 @!p0 $0x0  }
0xbd: {  	[tilespmem:s2+$0x400] =	vst v1;
	s30 =	ssub.s32 s0, s1  }
0xbe: {  	[tilespmem:s2+$0x880] =	vst v0;
	p0 =	slt.s32 s30, $0x1  }
0xbf: {  	v2 =	vld.msk @!p0 [tilespmem:$0x400], $0xff;
	_ =	sdelay $0x4  }
0xc0: {  	v3 =	vshll.u32 @!p0 v2, $0x5  }
0xc1: {  	v4 =	vlaneseq.u32 @!p0;
	v2 =	vand.u32 @!p0 $0x7, v2;
	v3 =	vand.u32 @!p0 $0xFFFFFF00, v3  }
0xc2: {  	v2 =	vor.u32 @!p0 v2, v3;
	v3 =	vand.u32 @!p0 $0x7, v4;
	v4 =	vshrl.u32 @!p0 v4, $0x3  }
0xc3: {  	v2 =	vperm.xlane @!p0 v2, v3;
	v3 =	vmul.u32 @!p0 $0x8, v4;
	_ =	sdelay $0x1  }
0xc4: {  	v2 =	vadd.s32 @!p0 v3, v2;
	_ =	sdelay $0x3  }
0xc5: {  	s23 =	rddreg [dreg:$0x1];
	vm0 =	vmmov @!p0 $0xffff;
	s0 =	simm.s32 @!p0 $0x0;
	s1 =	simm.s32 @!p0 $0xD00  }
0xc6: {  	[tilespmem:s1], [sflag:$0x1] =	stream.indirect_vreg.gather @!p0 [hbm4b:s23+s0], $0x80, v2, vm0, $0xb8;
	[tilespmem:$0x11D00] =	vst v63  }
0xc7: {  	s24 =	rddreg [dreg:$0x5];
	s1 =	simm.s32 @!p0 $0x1500  }
0xc8: {  	[tilespmem:s1], [sflag:$0x1] =	stream.indirect_vreg.gather @!p0 [hbm4b:s24+s0], $0x80, v2, vm0, $0xb8;
	[tilespmem:$0x11D00] =	vst v63  }
0xc9: {  	s1 =	simm.s32 @!p0 $0x1D00  }
0xca: {  	[tilespmem:s1], [sflag:$0x1] =	stream.indirect_vreg.gather @!p0 [hbm4b:s6+s0], $0x80, v2, vm0, $0xb8;
	[tilespmem:$0x11D00] =	vst v63  }
0xcb: {  	s1 =	simm.s32 @!p0 $0x2500  }
0xcc: {  	[tilespmem:s1], [sflag:$0x1] =	stream.indirect_vreg.gather @!p0 [hbm4b:s7+s0], $0x80, v2, vm0, $0xb8;
	[tilespmem:$0x11D00] =	vst v63  }
0xcd: {  	s1 =	simm.s32 @!p0 $0x2D00  }
0xce: {  	[tilespmem:s1], [sflag:$0x1] =	stream.indirect_vreg.gather @!p0 [hbm4b:s8+s0], $0x80, v2, vm0, $0xb8;
	[tilespmem:$0x11D00] =	vst v63  }
0xcf: {  	s1 =	simm.s32 @!p0 $0x3500  }
0xd0: {  	[tilespmem:s1], [sflag:$0x1] =	stream.indirect_vreg.gather @!p0 [hbm4b:s9+s0], $0x80, v2, vm0, $0xb8;
	[tilespmem:$0x11D00] =	vst v63  }
0xd1: {  	s1 =	simm.s32 @!p0 $0x3D00  }
0xd2: {  	[tilespmem:s1], [sflag:$0x1] =	stream.indirect_vreg.gather @!p0 [hbm4b:s10+s0], $0x80, v2, vm0, $0xb8;
	[tilespmem:$0x11D00] =	vst v63  }
0xd3: {  	s1 =	simm.s32 @!p0 $0x4500  }
0xd4: {  	[tilespmem:s1], [sflag:$0x1] =	stream.indirect_vreg.gather @!p0 [hbm4b:s11+s0], $0x80, v2, vm0, $0xb8;
	[tilespmem:$0x11D00] =	vst v63  }
0xd5: {  	s1 =	simm.s32 @!p0 $0x4D00  }
0xd6: {  	[tilespmem:s1], [sflag:$0x1] =	stream.indirect_vreg.gather @!p0 [hbm4b:s12+s0], $0x80, v2, vm0, $0xb8;
	[tilespmem:$0x11D00] =	vst v63  }
0xd7: {  	s1 =	simm.s32 @!p0 $0x5500  }
0xd8: {  	[tilespmem:s1], [sflag:$0x1] =	stream.indirect_vreg.gather @!p0 [hbm4b:s13+s0], $0x80, v2, vm0, $0xb8;
	[tilespmem:$0x11D00] =	vst v63  }
0xd9: {  	s1 =	simm.s32 @!p0 $0x5D00  }
0xda: {  	[tilespmem:s1], [sflag:$0x1] =	stream.indirect_vreg.gather @!p0 [hbm4b:s14+s0], $0x80, v2, vm0, $0xb8;
	[tilespmem:$0x11D00] =	vst v63  }
0xdb: {  	s1 =	simm.s32 @!p0 $0x6500  }
0xdc: {  	[tilespmem:s1], [sflag:$0x1] =	stream.indirect_vreg.gather @!p0 [hbm4b:s15+s0], $0x80, v2, vm0, $0xb8;
	[tilespmem:$0x11D00] =	vst v63  }
0xdd: {  	s1 =	simm.s32 @!p0 $0x6D00  }
0xde: {  	[tilespmem:s1], [sflag:$0x1] =	stream.indirect_vreg.gather @!p0 [hbm4b:s16+s0], $0x80, v2, vm0, $0xb8;
	[tilespmem:$0x11D00] =	vst v63  }
0xdf: {  	s25 =	sadd.s32 $0x1, s30;
	s1 =	simm.s32 @!p0 $0x7500  }
0xe0: {  	[tilespmem:s1], [sflag:$0x1] =	stream.indirect_vreg.gather @!p0 [hbm4b:s17+s0], $0x80, v2, vm0, $0xb8;
	[tilespmem:$0x11D00] =	vst v63  }
0xe1: {  	s26 =	sand.u32 $0x1, s25;
	s1 =	simm.s32 @!p0 $0x7D00  }
0xe2: {  	[tilespmem:s1], [sflag:$0x1] =	stream.indirect_vreg.gather @!p0 [hbm4b:s18+s0], $0x80, v2, vm0, $0xb8;
	[tilespmem:$0x11D00] =	vst v63  }
0xe3: {  	p5 =	slt.s32 s30, $0x0;
	p6 =	seq.s32 s26, $0x1;
	s1 =	simm.s32 @!p0 $0x8500  }
0xe4: {  	[tilespmem:s1], [sflag:$0x1] =	stream.indirect_vreg.gather @!p0 [hbm4b:s19+s0], $0x80, v2, vm0, $0xb8;
	[tilespmem:$0x11D00] =	vst v63  }
0xe5: {  	s29 =	sshrl.u32 s25, $0x1F;
	p0 =	por !p5, !p6  }
0xe6: {  	s0 =	sadd.s32 s29, s25;
	s1 =	simm.s32 $0x1;
	p0 =	por !p0, !p0  }
0xe7: {  	s0 =	sshra.s32 s0, $0x1;
	s1 =	simm.s32 @!p0 $0x0  }
0xe8: {  	s31 =	ssub.s32 s0, s1  }
0xe9: {  	p0 =	slt.s32 s31, $0x1  }
.Ltmp4:
0xea: {  	_ = 	snop;
	(pc) =	sbr.rel @!p0 .LBB2_6-.Ltmp4, $4  }
.Ltmp5:
0xeb: {  	_ = 	snop;
	(pc) =	sbr.rel @p0 .LBB2_13-.Ltmp5, $4  }
0xec: {  	_ = 	snop  }
0xed: {  	s28 =	simm.s32 $0x2  }
0xee: {  	s26 =	simm.s32 $0x1;
	s1 =	simm.s32 $0x0;
	s0 =	simm.s32 $0x0  }
0xef: {  	_ = 	snop  }
.LBB2_12:
0xf0: {  	s0 =	sadd.s32 $0x1, s0  }
0xf1: {  	p0 =	sne.s32 s0, s31  }
.Ltmp6:
0xf2: {  	_ = 	snop;
	(pc) =	sbr.rel @!p0 .LBB2_13-.Ltmp6, $1  }
0xf3: {  	_ =	sdelay $0x3  }
.LBB2_6:
0xf4: {  	s3 =	sshllo.u32 s0, $0x1  }
0xf5: {  	p0 =	sge.s32 s3, s30  }
0xf6: {  	s2 =	sshll.u32 @!p0 s3, $0x5  }
0xf7: {  	s2 =	sshra.s32 @!p0 s2, $0x2  }
0xf8: {  	v2 =	vld.msk @!p0 [tilespmem:s2+$0x400], $0xff;
	_ =	sdelay $0x4  }
0xf9: {  	v3 =	vshll.u32 @!p0 v2, $0x5  }
0xfa: {  	v4 =	vlaneseq.u32 @!p0;
	v2 =	vand.u32 @!p0 $0x7, v2;
	v3 =	vand.u32 @!p0 $0xFFFFFF00, v3  }
0xfb: {  	v2 =	vor.u32 @!p0 v2, v3;
	v3 =	vand.u32 @!p0 $0x7, v4;
	v4 =	vshrl.u32 @!p0 v4, $0x3  }
0xfc: {  	v2 =	vperm.xlane @!p0 v2, v3;
	v3 =	vmul.u32 @!p0 $0x8, v4;
	_ =	sdelay $0x1  }
0xfd: {  	v2 =	vadd.s32 @!p0 v3, v2;
	_ =	sdelay $0x3  }
0xfe: {  	vm0 =	vmmov @!p0 $0xffff;
	s4 =	simm.s32 @!p0 $0x8D00;
	s2 =	simm.s32 @!p0 $0x0  }
0xff: {  	[tilespmem:s4], [sflag:$0x2] =	stream.indirect_vreg.gather @!p0 [hbm4b:s23+s2], $0x80, v2, vm0, $0xb8;
	[tilespmem:$0x11D00] =	vst v63  }
0x100: {  	s4 =	simm.s32 @!p0 $0x9500  }
0x101: {  	[tilespmem:s4], [sflag:$0x2] =	stream.indirect_vreg.gather @!p0 [hbm4b:s24+s2], $0x80, v2, vm0, $0xb8;
	[tilespmem:$0x11D00] =	vst v63  }
0x102: {  	s4 =	simm.s32 @!p0 $0x9D00  }
0x103: {  	[tilespmem:s4], [sflag:$0x2] =	stream.indirect_vreg.gather @!p0 [hbm4b:s6+s2], $0x80, v2, vm0, $0xb8;
	[tilespmem:$0x11D00] =	vst v63  }
0x104: {  	s4 =	simm.s32 @!p0 $0xA500  }
0x105: {  	[tilespmem:s4], [sflag:$0x2] =	stream.indirect_vreg.gather @!p0 [hbm4b:s7+s2], $0x80, v2, vm0, $0xb8;
	[tilespmem:$0x11D00] =	vst v63  }
0x106: {  	s4 =	simm.s32 @!p0 $0xAD00  }
0x107: {  	[tilespmem:s4], [sflag:$0x2] =	stream.indirect_vreg.gather @!p0 [hbm4b:s8+s2], $0x80, v2, vm0, $0xb8;
	[tilespmem:$0x11D00] =	vst v63  }
0x108: {  	s4 =	simm.s32 @!p0 $0xB500  }
0x109: {  	[tilespmem:s4], [sflag:$0x2] =	stream.indirect_vreg.gather @!p0 [hbm4b:s9+s2], $0x80, v2, vm0, $0xb8;
	[tilespmem:$0x11D00] =	vst v63  }
0x10a: {  	s4 =	simm.s32 @!p0 $0xBD00  }
0x10b: {  	[tilespmem:s4], [sflag:$0x2] =	stream.indirect_vreg.gather @!p0 [hbm4b:s10+s2], $0x80, v2, vm0, $0xb8;
	[tilespmem:$0x11D00] =	vst v63  }
0x10c: {  	s4 =	simm.s32 @!p0 $0xC500  }
0x10d: {  	[tilespmem:s4], [sflag:$0x2] =	stream.indirect_vreg.gather @!p0 [hbm4b:s11+s2], $0x80, v2, vm0, $0xb8;
	[tilespmem:$0x11D00] =	vst v63  }
0x10e: {  	s4 =	simm.s32 @!p0 $0xCD00  }
0x10f: {  	[tilespmem:s4], [sflag:$0x2] =	stream.indirect_vreg.gather @!p0 [hbm4b:s12+s2], $0x80, v2, vm0, $0xb8;
	[tilespmem:$0x11D00] =	vst v63  }
0x110: {  	s4 =	simm.s32 @!p0 $0xD500  }
0x111: {  	[tilespmem:s4], [sflag:$0x2] =	stream.indirect_vreg.gather @!p0 [hbm4b:s13+s2], $0x80, v2, vm0, $0xb8;
	[tilespmem:$0x11D00] =	vst v63  }
0x112: {  	s4 =	simm.s32 @!p0 $0xDD00  }
0x113: {  	[tilespmem:s4], [sflag:$0x2] =	stream.indirect_vreg.gather @!p0 [hbm4b:s14+s2], $0x80, v2, vm0, $0xb8;
	[tilespmem:$0x11D00] =	vst v63  }
0x114: {  	s4 =	simm.s32 @!p0 $0xE500  }
0x115: {  	[tilespmem:s4], [sflag:$0x2] =	stream.indirect_vreg.gather @!p0 [hbm4b:s15+s2], $0x80, v2, vm0, $0xb8;
	[tilespmem:$0x11D00] =	vst v63  }
0x116: {  	s4 =	simm.s32 @!p0 $0xED00  }
0x117: {  	[tilespmem:s4], [sflag:$0x2] =	stream.indirect_vreg.gather @!p0 [hbm4b:s16+s2], $0x80, v2, vm0, $0xb8;
	[tilespmem:$0x11D00] =	vst v63  }
0x118: {  	s4 =	simm.s32 @!p0 $0xF500  }
0x119: {  	[tilespmem:s4], [sflag:$0x2] =	stream.indirect_vreg.gather @!p0 [hbm4b:s17+s2], $0x80, v2, vm0, $0xb8;
	[tilespmem:$0x11D00] =	vst v63  }
0x11a: {  	s4 =	simm.s32 @!p0 $0xFD00  }
0x11b: {  	[tilespmem:s4], [sflag:$0x2] =	stream.indirect_vreg.gather @!p0 [hbm4b:s18+s2], $0x80, v2, vm0, $0xb8;
	[tilespmem:$0x11D00] =	vst v63  }
0x11c: {  	s4 =	simm.s32 @!p0 $0x10500  }
0x11d: {  	[tilespmem:s4], [sflag:$0x2] =	stream.indirect_vreg.gather @!p0 [hbm4b:s19+s2], $0x80, v2, vm0, $0xb8;
	[tilespmem:$0x11D00] =	vst v63  }
0x11e: {  	_ =	swait.ge [sflag:s26], $0x8000  }
0x11f: {  	s20 =	sshll.u32 s0, $0x6;
	s21 =	sand.u32 $0x70, s1;
	[sflag:s26] =	ssyncset.done $0x0  }
0x120: {  	s5 =	sand.u32 $0x7C00, s1;
	s2 =	sshra.s32 s20, $0x2;
	[sflag:s26] =	ssyncadd.s32 $0xFFFF8000  }
0x121: {  	s22 =	sor.u32 s21, s5;
	v9 =	vld [tilespmem:s2+$0x880]  }
0x122: {  	v5 =	vld [tilespmem:s22+$0xD00]  }
0x123: {  	v6 =	vld [tilespmem:s22+$0xD80];
	_ =	sdelay $0x1  }
0x124: {  	v7 =	vld [tilespmem:s22+$0xE00]  }
0x125: {  	v3 =	vbroadcast v9, $0x0;
	v4 =	vbroadcast v9, $0x1  }
0x126: {  	v8 =	vld [tilespmem:s22+$0xE80];
	v2 =	vbroadcast v9, $0x2  }
0x127: {  	v10 =	vmul.f32 v5, v3;
	v6 =	vmul.f32 v6, v4  }
0x128: {  	v11 =	vld [tilespmem:s22+$0xF00]  }
0x129: {  	v5 =	vbroadcast v9, $0x3;
	v7 =	vmul.f32 v7, v2;
	v10 =	vadd.f32 v6, v10  }
0x12a: {  	v12 =	vld [tilespmem:s22+$0xF80]  }
0x12b: {  	v6 =	vbroadcast v9, $0x4;
	v8 =	vmul.f32 v8, v5;
	v10 =	vadd.f32 v7, v10  }
0x12c: {  	v13 =	vld [tilespmem:s22+$0x1000]  }
0x12d: {  	v7 =	vbroadcast v9, $0x5;
	v11 =	vmul.f32 v11, v6;
	v10 =	vadd.f32 v8, v10  }
0x12e: {  	v14 =	vld [tilespmem:s22+$0x1080]  }
0x12f: {  	v8 =	vbroadcast v9, $0x6;
	v10 =	vadd.f32 v11, v10;
	v11 =	vmul.f32 v12, v7;
	_ =	sdelay $0x1  }
0x130: {  	v9 =	vbroadcast v9, $0x7;
	v10 =	vadd.f32 v11, v10;
	v11 =	vmul.f32 v13, v8;
	_ =	sdelay $0x1  }
0x131: {  	v10 =	vadd.f32 v11, v10;
	v11 =	vmul.f32 v14, v9;
	_ =	sdelay $0x1  }
0x132: {  	s25 =	simm.s32 $0x10;
	s21 =	simm.s32 $0x80;
	v10 =	vadd.f32 v11, v10  }
0x133: {  	s29 =	sand.u32 $0x7C00, s21;
	s4 =	simm.s32 $0x10D00;
	s2 =	sand.u32 $0x70, s25  }
0x134: {  	s20 =	sshll.u32 s0, $0x1;
	s22 =	simm.s32 $0x20;
	s25 =	sor.u32 s2, s29;
	[tilespmem:s4+$0x0] =	vst.add.f32.msk $0xffff, v10  }
.LBB2_7:
0x135: {  	p1 =	sne.s32 s22, $0xFF0;
	v10 =	vld [tilespmem:s25+$0xD00]  }
0x136: {  	v11 =	vld [tilespmem:s25+$0xD80];
	_ =	sdelay $0x1  }
0x137: {  	v12 =	vld [tilespmem:s25+$0xE00];
	_ =	sdelay $0x1  }
0x138: {  	v13 =	vld [tilespmem:s25+$0xE80]  }
0x139: {  	v10 =	vmul.f32 v10, v3;
	v11 =	vmul.f32 v11, v4  }
0x13a: {  	v14 =	vld [tilespmem:s25+$0xF00]  }
0x13b: {  	v10 =	vadd.f32 v11, v10;
	v11 =	vmul.f32 v12, v2  }
0x13c: {  	v12 =	vld [tilespmem:s25+$0xF80]  }
0x13d: {  	v10 =	vadd.f32 v11, v10;
	v11 =	vmul.f32 v13, v5  }
0x13e: {  	v13 =	vld [tilespmem:s25+$0x1000]  }
0x13f: {  	v10 =	vadd.f32 v11, v10;
	v11 =	vmul.f32 v14, v6  }
0x140: {  	v14 =	vld [tilespmem:s25+$0x1080]  }
0x141: {  	v10 =	vadd.f32 v11, v10;
	v11 =	vmul.f32 v12, v7;
	_ =	sdelay $0x1  }
0x142: {  	v10 =	vadd.f32 v11, v10;
	v11 =	vmul.f32 v13, v8;
	_ =	sdelay $0x1  }
.Ltmp7:
0x143: {  	v10 =	vadd.f32 v11, v10;
	v11 =	vmul.f32 v14, v9;
	(pc) =	sbr.rel @p1 .LBB2_7-.Ltmp7, $4  }
0x144: {  	_ = 	snop  }
0x145: {  	s21 =	sadd.s32 $0x80, s21;
	v10 =	vadd.f32 v11, v10  }
0x146: {  	s2 =	sand.u32 $0x70, s22;
	s4 =	sadd.s32 $0x10, s4;
	s5 =	sand.u32 $0x7C00, s21  }
0x147: {  	s22 =	sadd.s32 $0x10, s22;
	s25 =	sor.u32 s2, s5;
	[tilespmem:s4+$0x0] =	vst.add.f32.msk $0xffff, v10  }
0x148: {  	v10 =	vld [tilespmem:s25+$0xD00]  }
0x149: {  	v11 =	vld [tilespmem:s25+$0xD80];
	_ =	sdelay $0x1  }
0x14a: {  	v12 =	vld [tilespmem:s25+$0xE00];
	_ =	sdelay $0x1  }
0x14b: {  	v13 =	vld [tilespmem:s25+$0xE80]  }
0x14c: {  	v3 =	vmul.f32 v10, v3;
	v4 =	vmul.f32 v11, v4  }
0x14d: {  	v60 =	vld [tilespmem:s25+$0xF00]  }
0x14e: {  	v2 =	vmul.f32 v12, v2;
	v3 =	vadd.f32 v4, v3  }
0x14f: {  	v61 =	vld [tilespmem:s25+$0xF80]  }
0x150: {  	v2 =	vadd.f32 v2, v3;
	v3 =	vmul.f32 v13, v5  }
0x151: {  	v62 =	vld [tilespmem:s25+$0x1000]  }
0x152: {  	v2 =	vadd.f32 v3, v2;
	v3 =	vmul.f32 v60, v6  }
0x153: {  	v63 =	vld [tilespmem:s25+$0x1080]  }
0x154: {  	v2 =	vadd.f32 v3, v2;
	v3 =	vmul.f32 v61, v7;
	_ =	sdelay $0x1  }
0x155: {  	v2 =	vadd.f32 v3, v2;
	v3 =	vmul.f32 v62, v8;
	_ =	sdelay $0x1  }
0x156: {  	v2 =	vadd.f32 v3, v2;
	v3 =	vmul.f32 v63, v9  }
0x157: {  	s2 =	sadd.s32 $0x2, s20  }
0x158: {  	p1 =	sge.s32 s2, s30;
	v2 =	vadd.f32 v3, v2  }
0x159: {  	s4 =	sadd.s32 $0x10, s4;
	s2 =	sshll.u32 @!p1 s2, $0x5  }
0x15a: {  	s2 =	sshra.s32 @!p1 s2, $0x2;
	[tilespmem:s4+$0x0] =	vst.add.f32.msk $0xffff, v2  }
0x15b: {  	v2 =	vld.msk @!p1 [tilespmem:s2+$0x400], $0xff;
	_ =	sdelay $0x4  }
0x15c: {  	v3 =	vshll.u32 @!p1 v2, $0x5  }
0x15d: {  	v4 =	vlaneseq.u32 @!p1;
	v2 =	vand.u32 @!p1 $0x7, v2;
	v3 =	vand.u32 @!p1 $0xFFFFFF00, v3  }
0x15e: {  	v2 =	vor.u32 @!p1 v2, v3;
	v3 =	vand.u32 @!p1 $0x7, v4;
	v4 =	vshrl.u32 @!p1 v4, $0x3  }
0x15f: {  	v2 =	vperm.xlane @!p1 v2, v3;
	v3 =	vmul.u32 @!p1 $0x8, v4;
	_ =	sdelay $0x1  }
0x160: {  	v2 =	vadd.s32 @!p1 v3, v2;
	_ =	sdelay $0x3  }
0x161: {  	vm0 =	vmmov @!p1 $0xffff;
	s4 =	simm.s32 @!p1 $0xD00;
	s2 =	simm.s32 @!p1 $0x0  }
0x162: {  	[tilespmem:s4], [sflag:$0x1] =	stream.indirect_vreg.gather @!p1 [hbm4b:s23+s2], $0x80, v2, vm0, $0xb8;
	[tilespmem:$0x11D00] =	vst v63  }
0x163: {  	s4 =	simm.s32 @!p1 $0x1500  }
0x164: {  	[tilespmem:s4], [sflag:$0x1] =	stream.indirect_vreg.gather @!p1 [hbm4b:s24+s2], $0x80, v2, vm0, $0xb8;
	[tilespmem:$0x11D00] =	vst v63  }
0x165: {  	s4 =	simm.s32 @!p1 $0x1D00  }
0x166: {  	[tilespmem:s4], [sflag:$0x1] =	stream.indirect_vreg.gather @!p1 [hbm4b:s6+s2], $0x80, v2, vm0, $0xb8;
	[tilespmem:$0x11D00] =	vst v63  }
0x167: {  	s4 =	simm.s32 @!p1 $0x2500  }
0x168: {  	[tilespmem:s4], [sflag:$0x1] =	stream.indirect_vreg.gather @!p1 [hbm4b:s7+s2], $0x80, v2, vm0, $0xb8;
	[tilespmem:$0x11D00] =	vst v63  }
0x169: {  	s4 =	simm.s32 @!p1 $0x2D00  }
0x16a: {  	[tilespmem:s4], [sflag:$0x1] =	stream.indirect_vreg.gather @!p1 [hbm4b:s8+s2], $0x80, v2, vm0, $0xb8;
	[tilespmem:$0x11D00] =	vst v63  }
0x16b: {  	s4 =	simm.s32 @!p1 $0x3500  }
0x16c: {  	[tilespmem:s4], [sflag:$0x1] =	stream.indirect_vreg.gather @!p1 [hbm4b:s9+s2], $0x80, v2, vm0, $0xb8;
	[tilespmem:$0x11D00] =	vst v63  }
0x16d: {  	s4 =	simm.s32 @!p1 $0x3D00  }
0x16e: {  	[tilespmem:s4], [sflag:$0x1] =	stream.indirect_vreg.gather @!p1 [hbm4b:s10+s2], $0x80, v2, vm0, $0xb8;
	[tilespmem:$0x11D00] =	vst v63  }
0x16f: {  	s4 =	simm.s32 @!p1 $0x4500  }
0x170: {  	[tilespmem:s4], [sflag:$0x1] =	stream.indirect_vreg.gather @!p1 [hbm4b:s11+s2], $0x80, v2, vm0, $0xb8;
	[tilespmem:$0x11D00] =	vst v63  }
0x171: {  	s4 =	simm.s32 @!p1 $0x4D00  }
0x172: {  	[tilespmem:s4], [sflag:$0x1] =	stream.indirect_vreg.gather @!p1 [hbm4b:s12+s2], $0x80, v2, vm0, $0xb8;
	[tilespmem:$0x11D00] =	vst v63  }
0x173: {  	s4 =	simm.s32 @!p1 $0x5500  }
0x174: {  	[tilespmem:s4], [sflag:$0x1] =	stream.indirect_vreg.gather @!p1 [hbm4b:s13+s2], $0x80, v2, vm0, $0xb8;
	[tilespmem:$0x11D00] =	vst v63  }
0x175: {  	s4 =	simm.s32 @!p1 $0x5D00  }
0x176: {  	[tilespmem:s4], [sflag:$0x1] =	stream.indirect_vreg.gather @!p1 [hbm4b:s14+s2], $0x80, v2, vm0, $0xb8;
	[tilespmem:$0x11D00] =	vst v63  }
0x177: {  	s4 =	simm.s32 @!p1 $0x6500  }
0x178: {  	[tilespmem:s4], [sflag:$0x1] =	stream.indirect_vreg.gather @!p1 [hbm4b:s15+s2], $0x80, v2, vm0, $0xb8;
	[tilespmem:$0x11D00] =	vst v63  }
0x179: {  	s4 =	simm.s32 @!p1 $0x6D00  }
0x17a: {  	[tilespmem:s4], [sflag:$0x1] =	stream.indirect_vreg.gather @!p1 [hbm4b:s16+s2], $0x80, v2, vm0, $0xb8;
	[tilespmem:$0x11D00] =	vst v63  }
0x17b: {  	s4 =	simm.s32 @!p1 $0x7500  }
0x17c: {  	[tilespmem:s4], [sflag:$0x1] =	stream.indirect_vreg.gather @!p1 [hbm4b:s17+s2], $0x80, v2, vm0, $0xb8;
	[tilespmem:$0x11D00] =	vst v63  }
.Ltmp8:
0x17d: {  	_ = 	snop;
	(pc) =	sbr.rel @p0 .LBB2_12-.Ltmp8, $4  }
0x17e: {  	s4 =	simm.s32 @!p1 $0x7D00  }
0x17f: {  	[tilespmem:s4], [sflag:$0x1] =	stream.indirect_vreg.gather @!p1 [hbm4b:s18+s2], $0x80, v2, vm0, $0xb8;
	[tilespmem:$0x11D00] =	vst v63  }
0x180: {  	s4 =	simm.s32 @!p1 $0x8500  }
0x181: {  	[tilespmem:s4], [sflag:$0x1] =	stream.indirect_vreg.gather @!p1 [hbm4b:s19+s2], $0x80, v2, vm0, $0xb8;
	[tilespmem:$0x11D00] =	vst v63  }
0x182: {  	_ =	swait.ge [sflag:s28], $0x8000;
	s2 =	sshll.u32 s3, $0x5  }
0x183: {  	s22 =	simm.s32 $0x0;
	[sflag:s28] =	ssyncset.done $0x0;
	s2 =	sshra.s32 s2, $0x2  }
0x184: {  	s4 =	sand.u32 $0x70, s22;
	s3 =	sand.u32 $0x7C00, s22;
	[sflag:s28] =	ssyncadd.s32 $0xFFFF8000  }
0x185: {  	s25 =	sor.u32 s4, s3;
	v9 =	vld [tilespmem:s2+$0x880]  }
0x186: {  	v5 =	vld [tilespmem:s25+$0x8D00]  }
0x187: {  	v6 =	vld [tilespmem:s25+$0x8D80];
	_ =	sdelay $0x1  }
0x188: {  	v7 =	vld [tilespmem:s25+$0x8E00]  }
0x189: {  	v3 =	vbroadcast v9, $0x0;
	v4 =	vbroadcast v9, $0x1  }
0x18a: {  	v8 =	vld [tilespmem:s25+$0x8E80];
	v2 =	vbroadcast v9, $0x2  }
0x18b: {  	v10 =	vmul.f32 v5, v3;
	v6 =	vmul.f32 v6, v4  }
0x18c: {  	v11 =	vld [tilespmem:s25+$0x8F00]  }
0x18d: {  	v5 =	vbroadcast v9, $0x3;
	v7 =	vmul.f32 v7, v2;
	v10 =	vadd.f32 v6, v10  }
0x18e: {  	v12 =	vld [tilespmem:s25+$0x8F80]  }
0x18f: {  	v6 =	vbroadcast v9, $0x4;
	v8 =	vmul.f32 v8, v5;
	v10 =	vadd.f32 v7, v10  }
0x190: {  	v13 =	vld [tilespmem:s25+$0x9000]  }
0x191: {  	v7 =	vbroadcast v9, $0x5;
	v11 =	vmul.f32 v11, v6;
	v10 =	vadd.f32 v8, v10  }
0x192: {  	v14 =	vld [tilespmem:s25+$0x9080]  }
0x193: {  	v8 =	vbroadcast v9, $0x6;
	v10 =	vadd.f32 v11, v10;
	v11 =	vmul.f32 v12, v7;
	_ =	sdelay $0x1  }
0x194: {  	v9 =	vbroadcast v9, $0x7;
	v10 =	vadd.f32 v11, v10;
	v11 =	vmul.f32 v13, v8;
	_ =	sdelay $0x1  }
0x195: {  	v10 =	vadd.f32 v11, v10;
	v11 =	vmul.f32 v14, v9;
	_ =	sdelay $0x1  }
0x196: {  	s29 =	simm.s32 $0x10;
	s4 =	simm.s32 $0x80;
	v10 =	vadd.f32 v11, v10  }
0x197: {  	s3 =	simm.s32 $0x10D00;
	s2 =	sand.u32 $0x70, s29;
	s5 =	sand.u32 $0x7C00, s4  }
0x198: {  	s20 =	simm.s32 $0x20;
	s21 =	sor.u32 s2, s5;
	[tilespmem:s3+$0x0] =	vst.add.f32.msk $0xffff, v10  }
.LBB2_10:
0x199: {  	p0 =	sne.s32 s20, $0xFF0;
	v10 =	vld [tilespmem:s21+$0x8D00]  }
0x19a: {  	v11 =	vld [tilespmem:s21+$0x8D80];
	_ =	sdelay $0x1  }
0x19b: {  	v12 =	vld [tilespmem:s21+$0x8E00];
	_ =	sdelay $0x1  }
0x19c: {  	v13 =	vld [tilespmem:s21+$0x8E80]  }
0x19d: {  	v10 =	vmul.f32 v10, v3;
	v11 =	vmul.f32 v11, v4  }
0x19e: {  	v14 =	vld [tilespmem:s21+$0x8F00]  }
0x19f: {  	v10 =	vadd.f32 v11, v10;
	v11 =	vmul.f32 v12, v2  }
0x1a0: {  	v12 =	vld [tilespmem:s21+$0x8F80]  }
0x1a1: {  	v10 =	vadd.f32 v11, v10;
	v11 =	vmul.f32 v13, v5  }
0x1a2: {  	v13 =	vld [tilespmem:s21+$0x9000]  }
0x1a3: {  	v10 =	vadd.f32 v11, v10;
	v11 =	vmul.f32 v14, v6  }
0x1a4: {  	v14 =	vld [tilespmem:s21+$0x9080]  }
0x1a5: {  	v10 =	vadd.f32 v11, v10;
	v11 =	vmul.f32 v12, v7;
	_ =	sdelay $0x1  }
0x1a6: {  	v10 =	vadd.f32 v11, v10;
	v11 =	vmul.f32 v13, v8;
	_ =	sdelay $0x1  }
.Ltmp9:
0x1a7: {  	v10 =	vadd.f32 v11, v10;
	v11 =	vmul.f32 v14, v9;
	(pc) =	sbr.rel @p0 .LBB2_10-.Ltmp9, $4  }
0x1a8: {  	_ = 	snop  }
0x1a9: {  	s4 =	sadd.s32 $0x80, s4;
	v10 =	vadd.f32 v11, v10  }
0x1aa: {  	s2 =	sand.u32 $0x70, s20;
	s3 =	sadd.s32 $0x10, s3;
	s5 =	sand.u32 $0x7C00, s4  }
0x1ab: {  	s20 =	sadd.s32 $0x10, s20;
	s21 =	sor.u32 s2, s5;
	[tilespmem:s3+$0x0] =	vst.add.f32.msk $0xffff, v10  }
0x1ac: {  	v10 =	vld [tilespmem:s21+$0x8D00]  }
0x1ad: {  	v11 =	vld [tilespmem:s21+$0x8D80];
	_ =	sdelay $0x1  }
0x1ae: {  	v12 =	vld [tilespmem:s21+$0x8E00];
	_ =	sdelay $0x1  }
0x1af: {  	v13 =	vld [tilespmem:s21+$0x8E80]  }
0x1b0: {  	v3 =	vmul.f32 v10, v3;
	v4 =	vmul.f32 v11, v4  }
0x1b1: {  	v60 =	vld [tilespmem:s21+$0x8F00]  }
0x1b2: {  	v2 =	vmul.f32 v12, v2;
	v3 =	vadd.f32 v4, v3  }
0x1b3: {  	v61 =	vld [tilespmem:s21+$0x8F80]  }
0x1b4: {  	v2 =	vadd.f32 v2, v3;
	v3 =	vmul.f32 v13, v5  }
0x1b5: {  	v62 =	vld [tilespmem:s21+$0x9000]  }
0x1b6: {  	v2 =	vadd.f32 v3, v2;
	v3 =	vmul.f32 v60, v6  }
0x1b7: {  	v63 =	vld [tilespmem:s21+$0x9080]  }
0x1b8: {  	v2 =	vadd.f32 v3, v2;
	v3 =	vmul.f32 v61, v7;
	_ =	sdelay $0x1  }
0x1b9: {  	v2 =	vadd.f32 v3, v2;
	v3 =	vmul.f32 v62, v8;
	_ =	sdelay $0x1  }
.Ltmp10:
0x1ba: {  	v2 =	vadd.f32 v3, v2;
	v3 =	vmul.f32 v63, v9;
	(pc) =	sbr.rel .LBB2_12-.Ltmp10, $4  }
0x1bb: {  	_ = 	snop  }
0x1bc: {  	v2 =	vadd.f32 v3, v2  }
0x1bd: {  	s2 =	sadd.s32 $0x10, s3  }
0x1be: {  	[tilespmem:s2+$0x0] =	vst.add.f32.msk $0xffff, v2  }
.LBB2_14:
0x1bf: {  	_ =	sfence.sel $0x180000  }
0x1c0: {  	[bflag:$0x0] =	sbarrier.arrive $0xFFFF  }
0x1c1: {  	_ =	strace $0x90000047  }
0x1c2: {  	s0 =	stileid.u32;
	[bflag:$0x2] =	sbarrier.arrive $0xFFFF  }
0x1c3: {  	p0 =	sne.s32 s0, $0x0;
	s0 =	rddreg [dreg:$0x2]  }
0x1c4: {  	s0 =	sadd.s32 @!p0 $0x100000, s0  }
0x1c5: {  	[sflag:s0] =	ssyncadd.tile.s32 @!p0 $0x1;
	_ =	shalt  }
.Lfunc_end2:
_tile_overlayer_lowered:
.L_overlay_start_2:
0x1c6: {  	(tag) =	ssettag $0x2  }
0x1c7: {  	s0 =	rddreg [dreg:$0x0];
	s2 =	stileid.u32  }
0x1c8: {  	s1 =	rddreg [dreg:$0x1];
	p0 =	sne.s32 s2, $0x0  }
0x1c9: {  	s3 =	rddreg [dreg:$0x2];
	[bflag:$0x3] =	sbarrier.arrive $0xFFFF;
	s2 =	simm.s32 @!p0 $0x1C03  }
0x1ca: {  	[timem:s3], [sflag:s2] =	dma.local @!p0 [hbm:s0], s1  }
0x1cb: {  	s0 =	simm.s32 @!p0 $0x3  }
0x1cc: {  	_ =	swait.ge @!p0 [sflag:s0], s1  }
0x1cd: {  	s1 =	ssub.s32 @!p0 $0x0, s1;
	[sflag:s0] =	ssyncset.done @!p0 $0x0  }
0x1ce: {  	[sflag:s0] =	ssyncadd.s32 @!p0 s1  }
0x1cf: {  	[bflag:$0x3] =	sbarrier.arrive $0xFFFF  }
0x1d0: {  	_ =	shalt  }

</sc_bundles>
